<compile_context>
chip_gen: v7x
topology: tpu7x:2x2x1
jax: 0.10.2.dev20260603
libtpu: 0.0.44.dev20260713+nightly
codegen_flags: <defaults>
</compile_context>

<pallas_src>
import functools

import jax
import jax.numpy as jnp
from jax import lax
from jax.experimental import pallas as pl
from jax.experimental.pallas import tpu as pltpu
from jax.experimental.pallas import tpu_sc as plsc

N = 10000
E = 320000
D = 128
ED = 16
G = 64

NC = 2
NS = 16
NW = NC * NS
EPW = E // NW
C = 80
NCH = EPW // C
NPAD = 10240
NPT = NPAD // NS
ZR = 128


EB = 2000


def _edge_mlp_body(ea, w0, b0, w1, b1, w2, b2, o0, o1, o2):
    a = ea[...]
    o0[...] = jnp.dot(a, w0[...], preferred_element_type=jnp.float32) + b0[...]
    o1[...] = jnp.dot(a, w1[...], preferred_element_type=jnp.float32) + b1[...]
    o2[...] = jnp.dot(a, w2[...], preferred_element_type=jnp.float32) + b2[...]


def _edge_mlp(edge_attr, We, be):
    wspec = pl.BlockSpec((ED, D), lambda i: (0, 0))
    bspec = pl.BlockSpec((1, D), lambda i: (0, 0))
    ospec = pl.BlockSpec((EB, D), lambda i: (i, 0))
    return pl.pallas_call(
        _edge_mlp_body,
        grid=(E // EB,),
        in_specs=[pl.BlockSpec((EB, ED), lambda i: (i, 0)),
                  wspec, bspec, wspec, bspec, wspec, bspec],
        out_specs=[ospec, ospec, ospec],
        out_shape=[jax.ShapeDtypeStruct((E, D), jnp.float32)] * 3,
    )(edge_attr, We[0], be[0], We[1], be[1], We[2], be[2])


def _sc_agg_body(x_hbm, e_hbm, src_hbm, dst_hbm, out_hbm,
                 idx_v, dst_v, xrows, erows, zrow, agg_sh, sem):
    c = lax.axis_index("c")
    s = lax.axis_index("s")
    wid = c * NS + s

    def zbody(r, _):
        for k in range(D // 16):
            zrow[r, pl.ds(k * 16, 16)] = jnp.zeros((16,), jnp.float32)
        return 0
    lax.fori_loop(0, ZR, zbody, 0)
    for j in range(NPT // ZR):
        pltpu.sync_copy(zrow, agg_sh.at[pl.ds(s * NPT + j * ZR, ZR)])
    plsc.subcore_barrier()

    base_e = wid * EPW

    def chunk(ch, _):
        base = base_e + ch * C
        pltpu.sync_copy(src_hbm.at[pl.ds(base, C)], idx_v)
        pltpu.sync_copy(dst_hbm.at[pl.ds(base, C)], dst_v)
        pltpu.sync_copy(e_hbm.at[pl.ds(base, C)], erows)
        pltpu.async_copy(x_hbm.at[idx_v], xrows, sem).wait()

        def row(r, _):
            for k in range(D // 16):
                sl = pl.ds(k * 16, 16)
                xrows[r, sl] = jnp.maximum(xrows[r, sl] + erows[r, sl], 0.0)
            return 0
        lax.fori_loop(0, C, row, 0)
        pltpu.sync_copy(xrows, agg_sh.at[dst_v], add=True)
        return 0
    lax.fori_loop(0, NCH, chunk, 0)

    plsc.subcore_barrier()
    pltpu.sync_copy(agg_sh.at[pl.ds(s * NPT, NPT)],
                    out_hbm.at[c, pl.ds(s * NPT, NPT)])


_sc_agg = functools.partial(
    pl.kernel,
    out_type=jax.ShapeDtypeStruct((NC, NPAD, D), jnp.float32),
    mesh=plsc.VectorSubcoreMesh(core_axis_name="c", subcore_axis_name="s"),
    scratch_types=[
        pltpu.VMEM((C,), jnp.int32),
        pltpu.VMEM((C,), jnp.int32),
        pltpu.VMEM((C, D), jnp.float32),
        pltpu.VMEM((C, D), jnp.float32),
        pltpu.VMEM((ZR, D), jnp.float32),
        pltpu.VMEM_SHARED((NPAD, D), jnp.float32),
        pltpu.SemaphoreType.DMA,
    ],
)(_sc_agg_body)


RB = 1000


def _lin1_body(x, a0, a1, w, b, t, stats):
    i = pl.program_id(0)

    @pl.when(i == 0)
    def _():
        stats[...] = jnp.zeros_like(stats)

    h = x[...] + a0[0] + a1[0]
    tv = jnp.dot(h, w[...], preferred_element_type=jnp.float32) + b[...]
    t[...] = tv
    stats[0:1, :] += jnp.sum(tv, axis=0, keepdims=True)
    stats[1:2, :] += jnp.sum(tv * tv, axis=0, keepdims=True)


def _lin1(x, agg, W1, b1):
    return pl.pallas_call(
        _lin1_body,
        grid=(N // RB,),
        in_specs=[pl.BlockSpec((RB, D), lambda i: (i, 0)),
                  pl.BlockSpec((1, RB, D), lambda i: (0, i, 0)),
                  pl.BlockSpec((1, RB, D), lambda i: (1, i, 0)),
                  pl.BlockSpec((D, D), lambda i: (0, 0)),
                  pl.BlockSpec((1, D), lambda i: (0, 0))],
        out_specs=[pl.BlockSpec((RB, D), lambda i: (i, 0)),
                   pl.BlockSpec((8, D), lambda i: (0, 0))],
        out_shape=[jax.ShapeDtypeStruct((N, D), jnp.float32),
                   jax.ShapeDtypeStruct((8, D), jnp.float32)],
    )(x, agg, agg, W1, b1.reshape(1, D))


def _lin2_body(t, sc, sh, w, b, out, *, final_relu):
    h = jnp.maximum(t[...] * sc[...] + sh[...], 0.0)
    o = jnp.dot(h, w[...], preferred_element_type=jnp.float32) + b[...]
    if final_relu:
        o = jnp.maximum(o, 0.0)
    out[...] = o


def _lin2(t, scale, shift, W2, b2, final_relu):
    return pl.pallas_call(
        functools.partial(_lin2_body, final_relu=final_relu),
        grid=(N // RB,),
        in_specs=[pl.BlockSpec((RB, D), lambda i: (i, 0)),
                  pl.BlockSpec((1, D), lambda i: (0, 0)),
                  pl.BlockSpec((1, D), lambda i: (0, 0)),
                  pl.BlockSpec((D, D), lambda i: (0, 0)),
                  pl.BlockSpec((1, D), lambda i: (0, 0))],
        out_specs=pl.BlockSpec((RB, D), lambda i: (i, 0)),
        out_shape=jax.ShapeDtypeStruct((N, D), jnp.float32),
    )(t, scale.reshape(1, D), shift.reshape(1, D), W2, b2.reshape(1, D))


def _pool_body(b3, h, out, acc, cnt):
    i = pl.program_id(0)
    nb = pl.num_programs(0)

    @pl.when(i == 0)
    def _():
        acc[...] = jnp.zeros_like(acc)
        cnt[...] = jnp.zeros_like(cnt)

    onehot = (lax.broadcasted_iota(jnp.int32, (G, RB), 0) == b3[0]).astype(
        jnp.float32)
    acc[...] += jnp.dot(onehot, h[...], preferred_element_type=jnp.float32)
    cnt[...] += jnp.broadcast_to(jnp.sum(onehot, axis=1, keepdims=True), (G, D))

    @pl.when(i == nb - 1)
    def _():
        out[...] = acc[...] / jnp.maximum(cnt[...], 1.0)


def _pool(h, batch):
    b3 = batch.reshape(N // RB, 1, RB)
    return pl.pallas_call(
        _pool_body,
        grid=(N // RB,),
        in_specs=[pl.BlockSpec((1, 1, RB), lambda i: (i, 0, 0)),
                  pl.BlockSpec((RB, D), lambda i: (i, 0))],
        out_specs=pl.BlockSpec((G, D), lambda i: (0, 0)),
        out_shape=jax.ShapeDtypeStruct((G, D), jnp.float32),
        scratch_shapes=[pltpu.VMEM((G, D), jnp.float32),
                        pltpu.VMEM((G, D), jnp.float32)],
    )(b3, h)


def kernel(x, edge_index, edge_attr, batch,
           We0, be0, W10, b10, g0, bt0, W20, b20,
           We1, be1, W11, b11, g1, bt1, W21, b21,
           We2, be2, W12, b12, g2, bt2, W22, b22):
    src = edge_index[0]
    dst = edge_index[1]
    es = _edge_mlp(edge_attr, (We0, We1, We2),
                   (be0.reshape(1, D), be1.reshape(1, D), be2.reshape(1, D)))
    params = ((W10, b10, g0, bt0, W20, b20),
              (W11, b11, g1, bt1, W21, b21),
              (W12, b12, g2, bt2, W22, b22))
    h = x
    for i in range(3):
        W1, b1, g, bt, W2, b2 = params[i]
        agg = _sc_agg(h, es[i], src, dst)
        t, stats = _lin1(h, agg, W1, b1)
        mu = stats[0] / N
        var = stats[1] / N - mu * mu
        scale = g * lax.rsqrt(var + 1e-5)
        shift = bt - mu * scale
        h = _lin2(t, scale, shift, W2, b2, final_relu=(i != 2))
    return _pool(h, batch)

# --- scband reference (transcript-rebuilt; emitter-appended) ---
"""Pipeline reference for scband-gine-9088150798515 (READ-ONLY COPY).

The authoritative reference and input builder live on the scoring server;
editing this copy changes nothing except your own understanding.
"""

import jax, jax.numpy as jnp
import numpy as np

N = 10000
E = 320000
D = 128
ED = 16
G = 64

def _glorot(key, shape):
    lim = float(np.sqrt(6.0 / (shape[0] + shape[1])))
    return jax.random.uniform(key, shape, dtype=jnp.float32, minval=-lim, maxval=lim)

def setup_inputs(seed: int = 0):
    key = jax.random.key(seed)
    ks = jax.random.split(key, 40)
    inp = {}
    inp["x"] = jax.random.normal(ks[0], (N, D), dtype=jnp.float32)
    inp["edge_index"] = jax.random.randint(ks[1], (2, E), 0, N, dtype=jnp.int32)
    inp["edge_attr"] = jax.random.normal(ks[2], (E, ED), dtype=jnp.float32)
    inp["batch"] = jnp.sort(jax.random.randint(ks[3], (N,), 0, G, dtype=jnp.int32))
    k = 4
    for i in range(3):
        inp[f"We{i}"] = _glorot(ks[k], (ED, D)); k += 1
        inp[f"be{i}"] = jnp.zeros((D,), dtype=jnp.float32)
        inp[f"W1{i}"] = _glorot(ks[k], (D, D)); k += 1
        inp[f"b1{i}"] = jnp.zeros((D,), dtype=jnp.float32)
        inp[f"g{i}"] = jnp.ones((D,), dtype=jnp.float32)
        inp[f"bt{i}"] = jnp.zeros((D,), dtype=jnp.float32)
        inp[f"W2{i}"] = _glorot(ks[k], (D, D)); k += 1
        inp[f"b2{i}"] = jnp.zeros((D,), dtype=jnp.float32)
    return inp

def _gine_layer(x, src, dst, edge_attr, We, be, W1, b1, g, bt, W2, b2):
    # GINEConv (eps=0): out = nn((1+eps)*x_i + sum_j relu(x_j + lin(e_ji)))
    e = edge_attr @ We + be
    msg = jax.nn.relu(x[src] + e)
    agg = jax.ops.segment_sum(msg, dst, num_segments=N)
    h = x + agg
    # nn = Linear -> BatchNorm1d (training-mode batch stats) -> ReLU -> Linear
    h = h @ W1 + b1
    mu = jnp.mean(h, axis=0)
    var = jnp.var(h, axis=0)
    h = (h - mu) / jnp.sqrt(var + 1e-5) * g + bt
    h = jax.nn.relu(h)
    h = h @ W2 + b2
    return h

def reference(x, edge_index, edge_attr, batch,
              We0, be0, W10, b10, g0, bt0, W20, b20,
              We1, be1, W11, b11, g1, bt1, W21, b21,
              We2, be2, W12, b12, g2, bt2, W22, b22):
    p = {
        "We0": We0, "be0": be0, "W10": W10, "b10": b10, "g0": g0, "bt0": bt0, "W20": W20, "b20": b20,
        "We1": We1, "be1": be1, "W11": W11, "b11": b11, "g1": g1, "bt1": bt1, "W21": W21, "b21": b21,
        "We2": We2, "be2": be2, "W12": W12, "b12": b12, "g2": g2, "bt2": bt2, "W22": W22, "b22": b22,
    }
    src, dst = edge_index[0], edge_index[1]
    h = x
    for i in range(3):
        h = _gine_layer(h, src, dst, edge_attr, p[f"We{i}"], p[f"be{i}"], p[f"W1{i}"], p[f"b1{i}"], p[f"g{i}"], p[f"bt{i}"], p[f"W2{i}"], p[f"b2{i}"])
        if i != 2:
            h = jax.nn.relu(h)  # dropout treated as identity (eval mode)
    sums = jax.ops.segment_sum(h, batch, num_segments=G)
    cnt = jax.ops.segment_sum(jnp.ones((N, 1), dtype=jnp.float32), batch, num_segments=G)
    return sums / jnp.maximum(cnt, 1.0)

if __name__ == "__main__":
    import jax
    _d = setup_inputs()
    print(jax.jit(kernel)(*tuple(_d.values())))

</pallas_src>

<mosaic_0001>
#map = affine_map<(d0, d1) -> (0, 0)>
#map1 = affine_map<(d0, d1) -> (0)>
#map2 = affine_map<(d0, d1) -> (0, 0, 0)>
module attributes {stable_mosaic.version = 14 : i64} {
  func.func @_sc_agg_body(%arg0: i32, %arg1: i32, %arg2: memref<10000x128xf32, #tpu.memory_space<hbm>>, %arg3: memref<320000x128xf32, #tpu.memory_space<hbm>>, %arg4: memref<320000xi32, #tpu.memory_space<hbm>>, %arg5: memref<320000xi32, #tpu.memory_space<hbm>>, %arg6: memref<2x10240x128xf32, #tpu.memory_space<hbm>>, %arg7: memref<80xi32, #tpu.memory_space<vmem>>, %arg8: memref<80xi32, #tpu.memory_space<vmem>>, %arg9: memref<80x128xf32, #tpu.memory_space<vmem>>, %arg10: memref<80x128xf32, #tpu.memory_space<vmem>>, %arg11: memref<128x128xf32, #tpu.memory_space<vmem>>, %arg12: memref<10240x128xf32, #tpu.memory_space<vmem_shared>>, %arg13: memref<!tpu.dma_semaphore, #tpu.memory_space<semaphore_mem>>) attributes {dimension_semantics = [#tpu.dimension_semantics<core_parallel>, #tpu.dimension_semantics<subcore_parallel>], iteration_bounds = array<i64: 2, 16>, scalar_prefetch = 0 : i64, scratch_operands = 7 : i64, tpu.core_type = #tpu.core_type<sc_vector_subcore>, window_params = [{transform_indices = #map}, {transform_indices = #map}, {transform_indices = #map1}, {transform_indices = #map1}, {transform_indices = #map2}]} {
    %mul3A = arith.constant 16 : i32
    %mul3A_0 = arith.muli %arg0, %mul3A : i32
    %add3A = arith.addi %mul3A_0, %arg1 : i32
    %scan3A = arith.constant 0 : i32
    %scan3A_1 = arith.constant 0 : i32
    %scan3A_2 = arith.constant 128 : i32
    %scan3A_3 = arith.addi %scan3A_1, %scan3A_2 : i32
    %scan3A_4 = arith.constant 1 : i32
    %scan3A_5 = scf.for %scan3A_41 = %scan3A_1 to %scan3A_3 step %scan3A_4 iter_args(%scan3A_42 = %scan3A) -> (i32)  : i32 {
      %broadcast_in_dim3A = arith.constant 0.000000e+00 : f32
      %broadcast_in_dim3A_43 = vector.broadcast %broadcast_in_dim3A : f32 to vector<16xf32>
      %swap3A = arith.index_cast %scan3A_41 : i32 to index
      %swap3A_44 = arith.constant 0 : index
      %swap3A_45 = tpu.vector_load %arg11[%swap3A, %swap3A_44] {strides = array<i32>} : memref<128x128xf32, #tpu.memory_space<vmem>>, vector<1x16xf32>,
      %swap3A_46 = vector.shape_cast %swap3A_45 : vector<1x16xf32> to vector<16xf32>
      %swap3A_47 = vector.shape_cast %broadcast_in_dim3A_43 : vector<16xf32> to vector<1x16xf32>
      tpu.vector_store %arg11[%swap3A, %swap3A_44], %swap3A_47 {strides = array<i32>} : memref<128x128xf32, #tpu.memory_space<vmem>>, vector<1x16xf32>,
      %broadcast_in_dim3A_48 = arith.constant 0.000000e+00 : f32
      %broadcast_in_dim3A_49 = vector.broadcast %broadcast_in_dim3A_48 : f32 to vector<16xf32>
      %swap3A_50 = arith.index_cast %scan3A_41 : i32 to index
      %swap3A_51 = arith.constant 16 : index
      %swap3A_52 = tpu.vector_load %arg11[%swap3A_50, %swap3A_51] {strides = array<i32>} : memref<128x128xf32, #tpu.memory_space<vmem>>, vector<1x16xf32>,
      %swap3A_53 = vector.shape_cast %swap3A_52 : vector<1x16xf32> to vector<16xf32>
      %swap3A_54 = vector.shape_cast %broadcast_in_dim3A_49 : vector<16xf32> to vector<1x16xf32>
      tpu.vector_store %arg11[%swap3A_50, %swap3A_51], %swap3A_54 {strides = array<i32>} : memref<128x128xf32, #tpu.memory_space<vmem>>, vector<1x16xf32>,
      %broadcast_in_dim3A_55 = arith.constant 0.000000e+00 : f32
      %broadcast_in_dim3A_56 = vector.broadcast %broadcast_in_dim3A_55 : f32 to vector<16xf32>
      %swap3A_57 = arith.index_cast %scan3A_41 : i32 to index
      %swap3A_58 = arith.constant 32 : index
      %swap3A_59 = tpu.vector_load %arg11[%swap3A_57, %swap3A_58] {strides = array<i32>} : memref<128x128xf32, #tpu.memory_space<vmem>>, vector<1x16xf32>,
      %swap3A_60 = vector.shape_cast %swap3A_59 : vector<1x16xf32> to vector<16xf32>
      %swap3A_61 = vector.shape_cast %broadcast_in_dim3A_56 : vector<16xf32> to vector<1x16xf32>
      tpu.vector_store %arg11[%swap3A_57, %swap3A_58], %swap3A_61 {strides = array<i32>} : memref<128x128xf32, #tpu.memory_space<vmem>>, vector<1x16xf32>,
      %broadcast_in_dim3A_62 = arith.constant 0.000000e+00 : f32
      %broadcast_in_dim3A_63 = vector.broadcast %broadcast_in_dim3A_62 : f32 to vector<16xf32>
      %swap3A_64 = arith.index_cast %scan3A_41 : i32 to index
      %swap3A_65 = arith.constant 48 : index
      %swap3A_66 = tpu.vector_load %arg11[%swap3A_64, %swap3A_65] {strides = array<i32>} : memref<128x128xf32, #tpu.memory_space<vmem>>, vector<1x16xf32>,
      %swap3A_67 = vector.shape_cast %swap3A_66 : vector<1x16xf32> to vector<16xf32>
      %swap3A_68 = vector.shape_cast %broadcast_in_dim3A_63 : vector<16xf32> to vector<1x16xf32>
      tpu.vector_store %arg11[%swap3A_64, %swap3A_65], %swap3A_68 {strides = array<i32>} : memref<128x128xf32, #tpu.memory_space<vmem>>, vector<1x16xf32>,
      %broadcast_in_dim3A_69 = arith.constant 0.000000e+00 : f32
      %broadcast_in_dim3A_70 = vector.broadcast %broadcast_in_dim3A_69 : f32 to vector<16xf32>
      %swap3A_71 = arith.index_cast %scan3A_41 : i32 to index
      %swap3A_72 = arith.constant 64 : index
      %swap3A_73 = tpu.vector_load %arg11[%swap3A_71, %swap3A_72] {strides = array<i32>} : memref<128x128xf32, #tpu.memory_space<vmem>>, vector<1x16xf32>,
      %swap3A_74 = vector.shape_cast %swap3A_73 : vector<1x16xf32> to vector<16xf32>
      %swap3A_75 = vector.shape_cast %broadcast_in_dim3A_70 : vector<16xf32> to vector<1x16xf32>
      tpu.vector_store %arg11[%swap3A_71, %swap3A_72], %swap3A_75 {strides = array<i32>} : memref<128x128xf32, #tpu.memory_space<vmem>>, vector<1x16xf32>,
      %broadcast_in_dim3A_76 = arith.constant 0.000000e+00 : f32
      %broadcast_in_dim3A_77 = vector.broadcast %broadcast_in_dim3A_76 : f32 to vector<16xf32>
      %swap3A_78 = arith.index_cast %scan3A_41 : i32 to index
      %swap3A_79 = arith.constant 80 : index
      %swap3A_80 = tpu.vector_load %arg11[%swap3A_78, %swap3A_79] {strides = array<i32>} : memref<128x128xf32, #tpu.memory_space<vmem>>, vector<1x16xf32>,
      %swap3A_81 = vector.shape_cast %swap3A_80 : vector<1x16xf32> to vector<16xf32>
      %swap3A_82 = vector.shape_cast %broadcast_in_dim3A_77 : vector<16xf32> to vector<1x16xf32>
      tpu.vector_store %arg11[%swap3A_78, %swap3A_79], %swap3A_82 {strides = array<i32>} : memref<128x128xf32, #tpu.memory_space<vmem>>, vector<1x16xf32>,
      %broadcast_in_dim3A_83 = arith.constant 0.000000e+00 : f32
      %broadcast_in_dim3A_84 = vector.broadcast %broadcast_in_dim3A_83 : f32 to vector<16xf32>
      %swap3A_85 = arith.index_cast %scan3A_41 : i32 to index
      %swap3A_86 = arith.constant 96 : index
      %swap3A_87 = tpu.vector_load %arg11[%swap3A_85, %swap3A_86] {strides = array<i32>} : memref<128x128xf32, #tpu.memory_space<vmem>>, vector<1x16xf32>,
      %swap3A_88 = vector.shape_cast %swap3A_87 : vector<1x16xf32> to vector<16xf32>
      %swap3A_89 = vector.shape_cast %broadcast_in_dim3A_84 : vector<16xf32> to vector<1x16xf32>
      tpu.vector_store %arg11[%swap3A_85, %swap3A_86], %swap3A_89 {strides = array<i32>} : memref<128x128xf32, #tpu.memory_space<vmem>>, vector<1x16xf32>,
      %broadcast_in_dim3A_90 = arith.constant 0.000000e+00 : f32
      %broadcast_in_dim3A_91 = vector.broadcast %broadcast_in_dim3A_90 : f32 to vector<16xf32>
      %swap3A_92 = arith.index_cast %scan3A_41 : i32 to index
      %swap3A_93 = arith.constant 112 : index
      %swap3A_94 = tpu.vector_load %arg11[%swap3A_92, %swap3A_93] {strides = array<i32>} : memref<128x128xf32, #tpu.memory_space<vmem>>, vector<1x16xf32>,
      %swap3A_95 = vector.shape_cast %swap3A_94 : vector<1x16xf32> to vector<16xf32>
      %swap3A_96 = vector.shape_cast %broadcast_in_dim3A_91 : vector<16xf32> to vector<1x16xf32>
      tpu.vector_store %arg11[%swap3A_92, %swap3A_93], %swap3A_96 {strides = array<i32>} : memref<128x128xf32, #tpu.memory_space<vmem>>, vector<1x16xf32>,
      %scan3A_97 = arith.constant 0 : i32
      scf.yield %scan3A_97 : i32
    }
    %scan3A_6 = arith.constant 128 : i32
    %mul3A_7 = arith.constant 640 : i32
    %mul3A_8 = arith.muli %arg1, %mul3A_7 : i32
    %add3A_9 = arith.constant 0 : i32
    %add3A_10 = arith.addi %mul3A_8, %add3A_9 : i32
    "tpu.region"() ({
      %run_scoped3A = tpu.sem_alloc : memref<!tpu.dma_semaphore, #tpu.memory_space<semaphore_mem>>
      %dma_start3A = arith.constant 0 : i32
      %dma_start3A_41 = tpu.memref_slice %arg12[%add3A_10, %dma_start3A] : memref<10240x128xf32, #tpu.memory_space<vmem_shared>> -> memref<128x128xf32, #tpu.memory_space<vmem_shared>>
      %dma_start3A_42 = arith.constant 0 : i32
      %dma_start3A_43 = tpu.memref_slice %arg12[%add3A_10, %dma_start3A_42] : memref<10240x128xf32, #tpu.memory_space<vmem_shared>> -> memref<128x128xf32, #tpu.memory_space<vmem_shared>>
      tpu.enqueue_dma source(%arg11 : memref<128x128xf32, #tpu.memory_space<vmem>>) target(%dma_start3A_43 : memref<128x128xf32, #tpu.memory_space<vmem_shared>>) target_semaphore(%run_scoped3A : memref<!tpu.dma_semaphore, #tpu.memory_space<semaphore_mem>>)
      %dma_wait3A = arith.constant 0 : i32
      %dma_wait3A_44 = tpu.memref_slice %arg12[%add3A_10, %dma_wait3A] : memref<10240x128xf32, #tpu.memory_space<vmem_shared>> -> memref<128x128xf32, #tpu.memory_space<vmem_shared>>
      %dma_wait3A_45 = arith.constant 0 : i32
      %dma_wait3A_46 = tpu.memref_slice %arg12[%add3A_10, %dma_wait3A_45] : memref<10240x128xf32, #tpu.memory_space<vmem_shared>> -> memref<128x128xf32, #tpu.memory_space<vmem_shared>>
      tpu.wait_dma2 semaphore(%run_scoped3A : memref<!tpu.dma_semaphore, #tpu.memory_space<semaphore_mem>>) src(%arg11 : memref<128x128xf32, #tpu.memory_space<vmem>>) dst(%dma_wait3A_46 : memref<128x128xf32, #tpu.memory_space<vmem_shared>>)
      tpu.yield
    }) : () -> ()
    %mul3A_11 = arith.constant 640 : i32
    %mul3A_12 = arith.muli %arg1, %mul3A_11 : i32
    %add3A_13 = arith.constant 128 : i32
    %add3A_14 = arith.addi %mul3A_12, %add3A_13 : i32
    "tpu.region"() ({
      %run_scoped3A = tpu.sem_alloc : memref<!tpu.dma_semaphore, #tpu.memory_space<semaphore_mem>>
      %dma_start3A = arith.constant 0 : i32
      %dma_start3A_41 = tpu.memref_slice %arg12[%add3A_14, %dma_start3A] : memref<10240x128xf32, #tpu.memory_space<vmem_shared>> -> memref<128x128xf32, #tpu.memory_space<vmem_shared>>
      %dma_start3A_42 = arith.constant 0 : i32
      %dma_start3A_43 = tpu.memref_slice %arg12[%add3A_14, %dma_start3A_42] : memref<10240x128xf32, #tpu.memory_space<vmem_shared>> -> memref<128x128xf32, #tpu.memory_space<vmem_shared>>
      tpu.enqueue_dma source(%arg11 : memref<128x128xf32, #tpu.memory_space<vmem>>) target(%dma_start3A_43 : memref<128x128xf32, #tpu.memory_space<vmem_shared>>) target_semaphore(%run_scoped3A : memref<!tpu.dma_semaphore, #tpu.memory_space<semaphore_mem>>)
      %dma_wait3A = arith.constant 0 : i32
      %dma_wait3A_44 = tpu.memref_slice %arg12[%add3A_14, %dma_wait3A] : memref<10240x128xf32, #tpu.memory_space<vmem_shared>> -> memref<128x128xf32, #tpu.memory_space<vmem_shared>>
      %dma_wait3A_45 = arith.constant 0 : i32
      %dma_wait3A_46 = tpu.memref_slice %arg12[%add3A_14, %dma_wait3A_45] : memref<10240x128xf32, #tpu.memory_space<vmem_shared>> -> memref<128x128xf32, #tpu.memory_space<vmem_shared>>
      tpu.wait_dma2 semaphore(%run_scoped3A : memref<!tpu.dma_semaphore, #tpu.memory_space<semaphore_mem>>) src(%arg11 : memref<128x128xf32, #tpu.memory_space<vmem>>) dst(%dma_wait3A_46 : memref<128x128xf32, #tpu.memory_space<vmem_shared>>)
      tpu.yield
    }) : () -> ()
    %mul3A_15 = arith.constant 640 : i32
    %mul3A_16 = arith.muli %arg1, %mul3A_15 : i32
    %add3A_17 = arith.constant 256 : i32
    %add3A_18 = arith.addi %mul3A_16, %add3A_17 : i32
    "tpu.region"() ({
      %run_scoped3A = tpu.sem_alloc : memref<!tpu.dma_semaphore, #tpu.memory_space<semaphore_mem>>
      %dma_start3A = arith.constant 0 : i32
      %dma_start3A_41 = tpu.memref_slice %arg12[%add3A_18, %dma_start3A] : memref<10240x128xf32, #tpu.memory_space<vmem_shared>> -> memref<128x128xf32, #tpu.memory_space<vmem_shared>>
      %dma_start3A_42 = arith.constant 0 : i32
      %dma_start3A_43 = tpu.memref_slice %arg12[%add3A_18, %dma_start3A_42] : memref<10240x128xf32, #tpu.memory_space<vmem_shared>> -> memref<128x128xf32, #tpu.memory_space<vmem_shared>>
      tpu.enqueue_dma source(%arg11 : memref<128x128xf32, #tpu.memory_space<vmem>>) target(%dma_start3A_43 : memref<128x128xf32, #tpu.memory_space<vmem_shared>>) target_semaphore(%run_scoped3A : memref<!tpu.dma_semaphore, #tpu.memory_space<semaphore_mem>>)
      %dma_wait3A = arith.constant 0 : i32
      %dma_wait3A_44 = tpu.memref_slice %arg12[%add3A_18, %dma_wait3A] : memref<10240x128xf32, #tpu.memory_space<vmem_shared>> -> memref<128x128xf32, #tpu.memory_space<vmem_shared>>
      %dma_wait3A_45 = arith.constant 0 : i32
      %dma_wait3A_46 = tpu.memref_slice %arg12[%add3A_18, %dma_wait3A_45] : memref<10240x128xf32, #tpu.memory_space<vmem_shared>> -> memref<128x128xf32, #tpu.memory_space<vmem_shared>>
      tpu.wait_dma2 semaphore(%run_scoped3A : memref<!tpu.dma_semaphore, #tpu.memory_space<semaphore_mem>>) src(%arg11 : memref<128x128xf32, #tpu.memory_space<vmem>>) dst(%dma_wait3A_46 : memref<128x128xf32, #tpu.memory_space<vmem_shared>>)
      tpu.yield
    }) : () -> ()
    %mul3A_19 = arith.constant 640 : i32
    %mul3A_20 = arith.muli %arg1, %mul3A_19 : i32
    %add3A_21 = arith.constant 384 : i32
    %add3A_22 = arith.addi %mul3A_20, %add3A_21 : i32
    "tpu.region"() ({
      %run_scoped3A = tpu.sem_alloc : memref<!tpu.dma_semaphore, #tpu.memory_space<semaphore_mem>>
      %dma_start3A = arith.constant 0 : i32
      %dma_start3A_41 = tpu.memref_slice %arg12[%add3A_22, %dma_start3A] : memref<10240x128xf32, #tpu.memory_space<vmem_shared>> -> memref<128x128xf32, #tpu.memory_space<vmem_shared>>
      %dma_start3A_42 = arith.constant 0 : i32
      %dma_start3A_43 = tpu.memref_slice %arg12[%add3A_22, %dma_start3A_42] : memref<10240x128xf32, #tpu.memory_space<vmem_shared>> -> memref<128x128xf32, #tpu.memory_space<vmem_shared>>
      tpu.enqueue_dma source(%arg11 : memref<128x128xf32, #tpu.memory_space<vmem>>) target(%dma_start3A_43 : memref<128x128xf32, #tpu.memory_space<vmem_shared>>) target_semaphore(%run_scoped3A : memref<!tpu.dma_semaphore, #tpu.memory_space<semaphore_mem>>)
      %dma_wait3A = arith.constant 0 : i32
      %dma_wait3A_44 = tpu.memref_slice %arg12[%add3A_22, %dma_wait3A] : memref<10240x128xf32, #tpu.memory_space<vmem_shared>> -> memref<128x128xf32, #tpu.memory_space<vmem_shared>>
      %dma_wait3A_45 = arith.constant 0 : i32
      %dma_wait3A_46 = tpu.memref_slice %arg12[%add3A_22, %dma_wait3A_45] : memref<10240x128xf32, #tpu.memory_space<vmem_shared>> -> memref<128x128xf32, #tpu.memory_space<vmem_shared>>
      tpu.wait_dma2 semaphore(%run_scoped3A : memref<!tpu.dma_semaphore, #tpu.memory_space<semaphore_mem>>) src(%arg11 : memref<128x128xf32, #tpu.memory_space<vmem>>) dst(%dma_wait3A_46 : memref<128x128xf32, #tpu.memory_space<vmem_shared>>)
      tpu.yield
    }) : () -> ()
    %mul3A_23 = arith.constant 640 : i32
    %mul3A_24 = arith.muli %arg1, %mul3A_23 : i32
    %add3A_25 = arith.constant 512 : i32
    %add3A_26 = arith.addi %mul3A_24, %add3A_25 : i32
    "tpu.region"() ({
      %run_scoped3A = tpu.sem_alloc : memref<!tpu.dma_semaphore, #tpu.memory_space<semaphore_mem>>
      %dma_start3A = arith.constant 0 : i32
      %dma_start3A_41 = tpu.memref_slice %arg12[%add3A_26, %dma_start3A] : memref<10240x128xf32, #tpu.memory_space<vmem_shared>> -> memref<128x128xf32, #tpu.memory_space<vmem_shared>>
      %dma_start3A_42 = arith.constant 0 : i32
      %dma_start3A_43 = tpu.memref_slice %arg12[%add3A_26, %dma_start3A_42] : memref<10240x128xf32, #tpu.memory_space<vmem_shared>> -> memref<128x128xf32, #tpu.memory_space<vmem_shared>>
      tpu.enqueue_dma source(%arg11 : memref<128x128xf32, #tpu.memory_space<vmem>>) target(%dma_start3A_43 : memref<128x128xf32, #tpu.memory_space<vmem_shared>>) target_semaphore(%run_scoped3A : memref<!tpu.dma_semaphore, #tpu.memory_space<semaphore_mem>>)
      %dma_wait3A = arith.constant 0 : i32
      %dma_wait3A_44 = tpu.memref_slice %arg12[%add3A_26, %dma_wait3A] : memref<10240x128xf32, #tpu.memory_space<vmem_shared>> -> memref<128x128xf32, #tpu.memory_space<vmem_shared>>
      %dma_wait3A_45 = arith.constant 0 : i32
      %dma_wait3A_46 = tpu.memref_slice %arg12[%add3A_26, %dma_wait3A_45] : memref<10240x128xf32, #tpu.memory_space<vmem_shared>> -> memref<128x128xf32, #tpu.memory_space<vmem_shared>>
      tpu.wait_dma2 semaphore(%run_scoped3A : memref<!tpu.dma_semaphore, #tpu.memory_space<semaphore_mem>>) src(%arg11 : memref<128x128xf32, #tpu.memory_space<vmem>>) dst(%dma_wait3A_46 : memref<128x128xf32, #tpu.memory_space<vmem_shared>>)
      tpu.yield
    }) : () -> ()
    %barrier3A = arith.constant 0 : index
    tpu.barrier barrier_id(%barrier3A)
    %mul3A_27 = arith.constant 10000 : i32
    %mul3A_28 = arith.muli %add3A, %mul3A_27 : i32
    %scan3A_29 = arith.constant 0 : i32
    %scan3A_30 = arith.constant 0 : i32
    %scan3A_31 = arith.constant 125 : i32
    %scan3A_32 = arith.addi %scan3A_30, %scan3A_31 : i32
    %scan3A_33 = arith.constant 1 : i32
    %scan3A_34 = scf.for %scan3A_41 = %scan3A_30 to %scan3A_32 step %scan3A_33 iter_args(%scan3A_42 = %scan3A_29) -> (i32)  : i32 {
      %mul3A_43 = arith.constant 80 : i32
      %mul3A_44 = arith.muli %scan3A_41, %mul3A_43 : i32
      %add3A_45 = arith.addi %mul3A_28, %mul3A_44 : i32
      "tpu.region"() ({
        %run_scoped3A = tpu.sem_alloc : memref<!tpu.dma_semaphore, #tpu.memory_space<semaphore_mem>>
        %dma_start3A_58 = tpu.memref_slice %arg4[%add3A_45] : memref<320000xi32, #tpu.memory_space<hbm>> -> memref<80xi32, #tpu.memory_space<hbm>>
        %dma_start3A_59 = tpu.memref_slice %arg4[%add3A_45] : memref<320000xi32, #tpu.memory_space<hbm>> -> memref<80xi32, #tpu.memory_space<hbm>>
        tpu.enqueue_dma source(%dma_start3A_59 : memref<80xi32, #tpu.memory_space<hbm>>) target(%arg7 : memref<80xi32, #tpu.memory_space<vmem>>) target_semaphore(%run_scoped3A : memref<!tpu.dma_semaphore, #tpu.memory_space<semaphore_mem>>)
        %dma_wait3A_60 = tpu.memref_slice %arg4[%add3A_45] : memref<320000xi32, #tpu.memory_space<hbm>> -> memref<80xi32, #tpu.memory_space<hbm>>
        %dma_wait3A_61 = tpu.memref_slice %arg4[%add3A_45] : memref<320000xi32, #tpu.memory_space<hbm>> -> memref<80xi32, #tpu.memory_space<hbm>>
        tpu.wait_dma2 semaphore(%run_scoped3A : memref<!tpu.dma_semaphore, #tpu.memory_space<semaphore_mem>>) src(%dma_wait3A_61 : memref<80xi32, #tpu.memory_space<hbm>>) dst(%arg7 : memref<80xi32, #tpu.memory_space<vmem>>)
        tpu.yield
      }) : () -> ()
      "tpu.region"() ({
        %run_scoped3A = tpu.sem_alloc : memref<!tpu.dma_semaphore, #tpu.memory_space<semaphore_mem>>
        %dma_start3A_58 = tpu.memref_slice %arg5[%add3A_45] : memref<320000xi32, #tpu.memory_space<hbm>> -> memref<80xi32, #tpu.memory_space<hbm>>
        %dma_start3A_59 = tpu.memref_slice %arg5[%add3A_45] : memref<320000xi32, #tpu.memory_space<hbm>> -> memref<80xi32, #tpu.memory_space<hbm>>
        tpu.enqueue_dma source(%dma_start3A_59 : memref<80xi32, #tpu.memory_space<hbm>>) target(%arg8 : memref<80xi32, #tpu.memory_space<vmem>>) target_semaphore(%run_scoped3A : memref<!tpu.dma_semaphore, #tpu.memory_space<semaphore_mem>>)
        %dma_wait3A_60 = tpu.memref_slice %arg5[%add3A_45] : memref<320000xi32, #tpu.memory_space<hbm>> -> memref<80xi32, #tpu.memory_space<hbm>>
        %dma_wait3A_61 = tpu.memref_slice %arg5[%add3A_45] : memref<320000xi32, #tpu.memory_space<hbm>> -> memref<80xi32, #tpu.memory_space<hbm>>
        tpu.wait_dma2 semaphore(%run_scoped3A : memref<!tpu.dma_semaphore, #tpu.memory_space<semaphore_mem>>) src(%dma_wait3A_61 : memref<80xi32, #tpu.memory_space<hbm>>) dst(%arg8 : memref<80xi32, #tpu.memory_space<vmem>>)
        tpu.yield
      }) : () -> ()
      "tpu.region"() ({
        %run_scoped3A = tpu.sem_alloc : memref<!tpu.dma_semaphore, #tpu.memory_space<semaphore_mem>>
        %dma_start3A_58 = arith.constant 0 : i32
        %dma_start3A_59 = tpu.memref_slice %arg3[%add3A_45, %dma_start3A_58] : memref<320000x128xf32, #tpu.memory_space<hbm>> -> memref<80x128xf32, #tpu.memory_space<hbm>>
        %dma_start3A_60 = arith.constant 0 : i32
        %dma_start3A_61 = tpu.memref_slice %arg3[%add3A_45, %dma_start3A_60] : memref<320000x128xf32, #tpu.memory_space<hbm>> -> memref<80x128xf32, #tpu.memory_space<hbm>>
        tpu.enqueue_dma source(%dma_start3A_61 : memref<80x128xf32, #tpu.memory_space<hbm>>) target(%arg10 : memref<80x128xf32, #tpu.memory_space<vmem>>) target_semaphore(%run_scoped3A : memref<!tpu.dma_semaphore, #tpu.memory_space<semaphore_mem>>)
        %dma_wait3A_62 = arith.constant 0 : i32
        %dma_wait3A_63 = tpu.memref_slice %arg3[%add3A_45, %dma_wait3A_62] : memref<320000x128xf32, #tpu.memory_space<hbm>> -> memref<80x128xf32, #tpu.memory_space<hbm>>
        %dma_wait3A_64 = arith.constant 0 : i32
        %dma_wait3A_65 = tpu.memref_slice %arg3[%add3A_45, %dma_wait3A_64] : memref<320000x128xf32, #tpu.memory_space<hbm>> -> memref<80x128xf32, #tpu.memory_space<hbm>>
        tpu.wait_dma2 semaphore(%run_scoped3A : memref<!tpu.dma_semaphore, #tpu.memory_space<semaphore_mem>>) src(%dma_wait3A_65 : memref<80x128xf32, #tpu.memory_space<hbm>>) dst(%arg10 : memref<80x128xf32, #tpu.memory_space<vmem>>)
        tpu.yield
      }) : () -> ()
      %dma_start3A = arith.constant 0 : i32
      %dma_start3A_46 = arith.constant 0 : i32
      %dma_start3A_47 = tpu.memref_slice %arg2[%dma_start3A, %dma_start3A_46] : memref<10000x128xf32, #tpu.memory_space<hbm>> -> memref<10000x128xf32, #tpu.memory_space<hbm>>
      tpu.enqueue_indirect_dma source(%dma_start3A_47 : memref<10000x128xf32, #tpu.memory_space<hbm>>) target(%arg9 : memref<80x128xf32, #tpu.memory_space<vmem>>) offsets(%arg7 : memref<80xi32, #tpu.memory_space<vmem>>) semaphore(%arg13 : memref<!tpu.dma_semaphore, #tpu.memory_space<semaphore_mem>>)
      %dma_wait3A = arith.constant 0 : i32
      %dma_wait3A_48 = arith.constant 0 : i32
      %dma_wait3A_49 = tpu.memref_slice %arg2[%dma_wait3A, %dma_wait3A_48] : memref<10000x128xf32, #tpu.memory_space<hbm>> -> memref<10000x128xf32, #tpu.memory_space<hbm>>
      tpu.wait_indirect_dma semaphore(%arg13 : memref<!tpu.dma_semaphore, #tpu.memory_space<semaphore_mem>>) src(%dma_wait3A_49 : memref<10000x128xf32, #tpu.memory_space<hbm>>) dst(%arg9 : memref<80x128xf32, #tpu.memory_space<vmem>>)
      %scan3A_50 = arith.constant 0 : i32
      %scan3A_51 = arith.constant 0 : i32
      %scan3A_52 = arith.constant 80 : i32
      %scan3A_53 = arith.addi %scan3A_51, %scan3A_52 : i32
      %scan3A_54 = arith.constant 1 : i32
      %scan3A_55 = scf.for %scan3A_58 = %scan3A_51 to %scan3A_53 step %scan3A_54 iter_args(%scan3A_59 = %scan3A_50) -> (i32)  : i32 {
        %get3A = arith.index_cast %scan3A_58 : i32 to index
        %get3A_60 = arith.constant 0 : index
        %get3A_61 = tpu.vector_load %arg9[%get3A, %get3A_60] {strides = array<i32>} : memref<80x128xf32, #tpu.memory_space<vmem>>, vector<1x16xf32>,
        %get3A_62 = vector.shape_cast %get3A_61 : vector<1x16xf32> to vector<16xf32>
        %get3A_63 = arith.index_cast %scan3A_58 : i32 to index
        %get3A_64 = arith.constant 0 : index
        %get3A_65 = tpu.vector_load %arg10[%get3A_63, %get3A_64] {strides = array<i32>} : memref<80x128xf32, #tpu.memory_space<vmem>>, vector<1x16xf32>,
        %get3A_66 = vector.shape_cast %get3A_65 : vector<1x16xf32> to vector<16xf32>
        %add3A_67 = arith.addf %get3A_62, %get3A_66 : vector<16xf32>
        %max3A = arith.constant 0.000000e+00 : f32
        %max3A_68 = vector.broadcast %max3A : f32 to vector<16xf32>
        %max3A_69 = arith.maximumf %add3A_67, %max3A_68 : vector<16xf32>
        %swap3A = arith.index_cast %scan3A_58 : i32 to index
        %swap3A_70 = arith.constant 0 : index
        %swap3A_71 = tpu.vector_load %arg9[%swap3A, %swap3A_70] {strides = array<i32>} : memref<80x128xf32, #tpu.memory_space<vmem>>, vector<1x16xf32>,
        %swap3A_72 = vector.shape_cast %swap3A_71 : vector<1x16xf32> to vector<16xf32>
        %swap3A_73 = vector.shape_cast %max3A_69 : vector<16xf32> to vector<1x16xf32>
        tpu.vector_store %arg9[%swap3A, %swap3A_70], %swap3A_73 {strides = array<i32>} : memref<80x128xf32, #tpu.memory_space<vmem>>, vector<1x16xf32>,
        %get3A_74 = arith.index_cast %scan3A_58 : i32 to index
        %get3A_75 = arith.constant 16 : index
        %get3A_76 = tpu.vector_load %arg9[%get3A_74, %get3A_75] {strides = array<i32>} : memref<80x128xf32, #tpu.memory_space<vmem>>, vector<1x16xf32>,
        %get3A_77 = vector.shape_cast %get3A_76 : vector<1x16xf32> to vector<16xf32>
        %get3A_78 = arith.index_cast %scan3A_58 : i32 to index
        %get3A_79 = arith.constant 16 : index
        %get3A_80 = tpu.vector_load %arg10[%get3A_78, %get3A_79] {strides = array<i32>} : memref<80x128xf32, #tpu.memory_space<vmem>>, vector<1x16xf32>,
        %get3A_81 = vector.shape_cast %get3A_80 : vector<1x16xf32> to vector<16xf32>
        %add3A_82 = arith.addf %get3A_77, %get3A_81 : vector<16xf32>
        %max3A_83 = arith.constant 0.000000e+00 : f32
        %max3A_84 = vector.broadcast %max3A_83 : f32 to vector<16xf32>
        %max3A_85 = arith.maximumf %add3A_82, %max3A_84 : vector<16xf32>
        %swap3A_86 = arith.index_cast %scan3A_58 : i32 to index
        %swap3A_87 = arith.constant 16 : index
        %swap3A_88 = tpu.vector_load %arg9[%swap3A_86, %swap3A_87] {strides = array<i32>} : memref<80x128xf32, #tpu.memory_space<vmem>>, vector<1x16xf32>,
        %swap3A_89 = vector.shape_cast %swap3A_88 : vector<1x16xf32> to vector<16xf32>
        %swap3A_90 = vector.shape_cast %max3A_85 : vector<16xf32> to vector<1x16xf32>
        tpu.vector_store %arg9[%swap3A_86, %swap3A_87], %swap3A_90 {strides = array<i32>} : memref<80x128xf32, #tpu.memory_space<vmem>>, vector<1x16xf32>,
        %get3A_91 = arith.index_cast %scan3A_58 : i32 to index
        %get3A_92 = arith.constant 32 : index
        %get3A_93 = tpu.vector_load %arg9[%get3A_91, %get3A_92] {strides = array<i32>} : memref<80x128xf32, #tpu.memory_space<vmem>>, vector<1x16xf32>,
        %get3A_94 = vector.shape_cast %get3A_93 : vector<1x16xf32> to vector<16xf32>
        %get3A_95 = arith.index_cast %scan3A_58 : i32 to index
        %get3A_96 = arith.constant 32 : index
        %get3A_97 = tpu.vector_load %arg10[%get3A_95, %get3A_96] {strides = array<i32>} : memref<80x128xf32, #tpu.memory_space<vmem>>, vector<1x16xf32>,
        %get3A_98 = vector.shape_cast %get3A_97 : vector<1x16xf32> to vector<16xf32>
        %add3A_99 = arith.addf %get3A_94, %get3A_98 : vector<16xf32>
        %max3A_100 = arith.constant 0.000000e+00 : f32
        %max3A_101 = vector.broadcast %max3A_100 : f32 to vector<16xf32>
        %max3A_102 = arith.maximumf %add3A_99, %max3A_101 : vector<16xf32>
        %swap3A_103 = arith.index_cast %scan3A_58 : i32 to index
        %swap3A_104 = arith.constant 32 : index
        %swap3A_105 = tpu.vector_load %arg9[%swap3A_103, %swap3A_104] {strides = array<i32>} : memref<80x128xf32, #tpu.memory_space<vmem>>, vector<1x16xf32>,
        %swap3A_106 = vector.shape_cast %swap3A_105 : vector<1x16xf32> to vector<16xf32>
        %swap3A_107 = vector.shape_cast %max3A_102 : vector<16xf32> to vector<1x16xf32>
        tpu.vector_store %arg9[%swap3A_103, %swap3A_104], %swap3A_107 {strides = array<i32>} : memref<80x128xf32, #tpu.memory_space<vmem>>, vector<1x16xf32>,
        %get3A_108 = arith.index_cast %scan3A_58 : i32 to index
        %get3A_109 = arith.constant 48 : index
        %get3A_110 = tpu.vector_load %arg9[%get3A_108, %get3A_109] {strides = array<i32>} : memref<80x128xf32, #tpu.memory_space<vmem>>, vector<1x16xf32>,
        %get3A_111 = vector.shape_cast %get3A_110 : vector<1x16xf32> to vector<16xf32>
        %get3A_112 = arith.index_cast %scan3A_58 : i32 to index
        %get3A_113 = arith.constant 48 : index
        %get3A_114 = tpu.vector_load %arg10[%get3A_112, %get3A_113] {strides = array<i32>} : memref<80x128xf32, #tpu.memory_space<vmem>>, vector<1x16xf32>,
        %get3A_115 = vector.shape_cast %get3A_114 : vector<1x16xf32> to vector<16xf32>
        %add3A_116 = arith.addf %get3A_111, %get3A_115 : vector<16xf32>
        %max3A_117 = arith.constant 0.000000e+00 : f32
        %max3A_118 = vector.broadcast %max3A_117 : f32 to vector<16xf32>
        %max3A_119 = arith.maximumf %add3A_116, %max3A_118 : vector<16xf32>
        %swap3A_120 = arith.index_cast %scan3A_58 : i32 to index
        %swap3A_121 = arith.constant 48 : index
        %swap3A_122 = tpu.vector_load %arg9[%swap3A_120, %swap3A_121] {strides = array<i32>} : memref<80x128xf32, #tpu.memory_space<vmem>>, vector<1x16xf32>,
        %swap3A_123 = vector.shape_cast %swap3A_122 : vector<1x16xf32> to vector<16xf32>
        %swap3A_124 = vector.shape_cast %max3A_119 : vector<16xf32> to vector<1x16xf32>
        tpu.vector_store %arg9[%swap3A_120, %swap3A_121], %swap3A_124 {strides = array<i32>} : memref<80x128xf32, #tpu.memory_space<vmem>>, vector<1x16xf32>,
        %get3A_125 = arith.index_cast %scan3A_58 : i32 to index
        %get3A_126 = arith.constant 64 : index
        %get3A_127 = tpu.vector_load %arg9[%get3A_125, %get3A_126] {strides = array<i32>} : memref<80x128xf32, #tpu.memory_space<vmem>>, vector<1x16xf32>,
        %get3A_128 = vector.shape_cast %get3A_127 : vector<1x16xf32> to vector<16xf32>
        %get3A_129 = arith.index_cast %scan3A_58 : i32 to index
        %get3A_130 = arith.constant 64 : index
        %get3A_131 = tpu.vector_load %arg10[%get3A_129, %get3A_130] {strides = array<i32>} : memref<80x128xf32, #tpu.memory_space<vmem>>, vector<1x16xf32>,
        %get3A_132 = vector.shape_cast %get3A_131 : vector<1x16xf32> to vector<16xf32>
        %add3A_133 = arith.addf %get3A_128, %get3A_132 : vector<16xf32>
        %max3A_134 = arith.constant 0.000000e+00 : f32
        %max3A_135 = vector.broadcast %max3A_134 : f32 to vector<16xf32>
        %max3A_136 = arith.maximumf %add3A_133, %max3A_135 : vector<16xf32>
        %swap3A_137 = arith.index_cast %scan3A_58 : i32 to index
        %swap3A_138 = arith.constant 64 : index
        %swap3A_139 = tpu.vector_load %arg9[%swap3A_137, %swap3A_138] {strides = array<i32>} : memref<80x128xf32, #tpu.memory_space<vmem>>, vector<1x16xf32>,
        %swap3A_140 = vector.shape_cast %swap3A_139 : vector<1x16xf32> to vector<16xf32>
        %swap3A_141 = vector.shape_cast %max3A_136 : vector<16xf32> to vector<1x16xf32>
        tpu.vector_store %arg9[%swap3A_137, %swap3A_138], %swap3A_141 {strides = array<i32>} : memref<80x128xf32, #tpu.memory_space<vmem>>, vector<1x16xf32>,
        %get3A_142 = arith.index_cast %scan3A_58 : i32 to index
        %get3A_143 = arith.constant 80 : index
        %get3A_144 = tpu.vector_load %arg9[%get3A_142, %get3A_143] {strides = array<i32>} : memref<80x128xf32, #tpu.memory_space<vmem>>, vector<1x16xf32>,
        %get3A_145 = vector.shape_cast %get3A_144 : vector<1x16xf32> to vector<16xf32>
        %get3A_146 = arith.index_cast %scan3A_58 : i32 to index
        %get3A_147 = arith.constant 80 : index
        %get3A_148 = tpu.vector_load %arg10[%get3A_146, %get3A_147] {strides = array<i32>} : memref<80x128xf32, #tpu.memory_space<vmem>>, vector<1x16xf32>,
        %get3A_149 = vector.shape_cast %get3A_148 : vector<1x16xf32> to vector<16xf32>
        %add3A_150 = arith.addf %get3A_145, %get3A_149 : vector<16xf32>
        %max3A_151 = arith.constant 0.000000e+00 : f32
        %max3A_152 = vector.broadcast %max3A_151 : f32 to vector<16xf32>
        %max3A_153 = arith.maximumf %add3A_150, %max3A_152 : vector<16xf32>
        %swap3A_154 = arith.index_cast %scan3A_58 : i32 to index
        %swap3A_155 = arith.constant 80 : index
        %swap3A_156 = tpu.vector_load %arg9[%swap3A_154, %swap3A_155] {strides = array<i32>} : memref<80x128xf32, #tpu.memory_space<vmem>>, vector<1x16xf32>,
        %swap3A_157 = vector.shape_cast %swap3A_156 : vector<1x16xf32> to vector<16xf32>
        %swap3A_158 = vector.shape_cast %max3A_153 : vector<16xf32> to vector<1x16xf32>
        tpu.vector_store %arg9[%swap3A_154, %swap3A_155], %swap3A_158 {strides = array<i32>} : memref<80x128xf32, #tpu.memory_space<vmem>>, vector<1x16xf32>,
        %get3A_159 = arith.index_cast %scan3A_58 : i32 to index
        %get3A_160 = arith.constant 96 : index
        %get3A_161 = tpu.vector_load %arg9[%get3A_159, %get3A_160] {strides = array<i32>} : memref<80x128xf32, #tpu.memory_space<vmem>>, vector<1x16xf32>,
        %get3A_162 = vector.shape_cast %get3A_161 : vector<1x16xf32> to vector<16xf32>
        %get3A_163 = arith.index_cast %scan3A_58 : i32 to index
        %get3A_164 = arith.constant 96 : index
        %get3A_165 = tpu.vector_load %arg10[%get3A_163, %get3A_164] {strides = array<i32>} : memref<80x128xf32, #tpu.memory_space<vmem>>, vector<1x16xf32>,
        %get3A_166 = vector.shape_cast %get3A_165 : vector<1x16xf32> to vector<16xf32>
        %add3A_167 = arith.addf %get3A_162, %get3A_166 : vector<16xf32>
        %max3A_168 = arith.constant 0.000000e+00 : f32
        %max3A_169 = vector.broadcast %max3A_168 : f32 to vector<16xf32>
        %max3A_170 = arith.maximumf %add3A_167, %max3A_169 : vector<16xf32>
        %swap3A_171 = arith.index_cast %scan3A_58 : i32 to index
        %swap3A_172 = arith.constant 96 : index
        %swap3A_173 = tpu.vector_load %arg9[%swap3A_171, %swap3A_172] {strides = array<i32>} : memref<80x128xf32, #tpu.memory_space<vmem>>, vector<1x16xf32>,
        %swap3A_174 = vector.shape_cast %swap3A_173 : vector<1x16xf32> to vector<16xf32>
        %swap3A_175 = vector.shape_cast %max3A_170 : vector<16xf32> to vector<1x16xf32>
        tpu.vector_store %arg9[%swap3A_171, %swap3A_172], %swap3A_175 {strides = array<i32>} : memref<80x128xf32, #tpu.memory_space<vmem>>, vector<1x16xf32>,
        %get3A_176 = arith.index_cast %scan3A_58 : i32 to index
        %get3A_177 = arith.constant 112 : index
        %get3A_178 = tpu.vector_load %arg9[%get3A_176, %get3A_177] {strides = array<i32>} : memref<80x128xf32, #tpu.memory_space<vmem>>, vector<1x16xf32>,
        %get3A_179 = vector.shape_cast %get3A_178 : vector<1x16xf32> to vector<16xf32>
        %get3A_180 = arith.index_cast %scan3A_58 : i32 to index
        %get3A_181 = arith.constant 112 : index
        %get3A_182 = tpu.vector_load %arg10[%get3A_180, %get3A_181] {strides = array<i32>} : memref<80x128xf32, #tpu.memory_space<vmem>>, vector<1x16xf32>,
        %get3A_183 = vector.shape_cast %get3A_182 : vector<1x16xf32> to vector<16xf32>
        %add3A_184 = arith.addf %get3A_179, %get3A_183 : vector<16xf32>
        %max3A_185 = arith.constant 0.000000e+00 : f32
        %max3A_186 = vector.broadcast %max3A_185 : f32 to vector<16xf32>
        %max3A_187 = arith.maximumf %add3A_184, %max3A_186 : vector<16xf32>
        %swap3A_188 = arith.index_cast %scan3A_58 : i32 to index
        %swap3A_189 = arith.constant 112 : index
        %swap3A_190 = tpu.vector_load %arg9[%swap3A_188, %swap3A_189] {strides = array<i32>} : memref<80x128xf32, #tpu.memory_space<vmem>>, vector<1x16xf32>,
        %swap3A_191 = vector.shape_cast %swap3A_190 : vector<1x16xf32> to vector<16xf32>
        %swap3A_192 = vector.shape_cast %max3A_187 : vector<16xf32> to vector<1x16xf32>
        tpu.vector_store %arg9[%swap3A_188, %swap3A_189], %swap3A_192 {strides = array<i32>} : memref<80x128xf32, #tpu.memory_space<vmem>>, vector<1x16xf32>,
        %scan3A_193 = arith.constant 0 : i32
        scf.yield %scan3A_193 : i32
      }
      %scan3A_56 = arith.constant 80 : i32
      "tpu.region"() ({
        %run_scoped3A = tpu.sem_alloc : memref<!tpu.dma_semaphore, #tpu.memory_space<semaphore_mem>>
        %dma_start3A_58 = arith.constant 0 : i32
        %dma_start3A_59 = arith.constant 0 : i32
        %dma_start3A_60 = tpu.memref_slice %arg12[%dma_start3A_58, %dma_start3A_59] : memref<10240x128xf32, #tpu.memory_space<vmem_shared>> -> memref<10240x128xf32, #tpu.memory_space<vmem_shared>>
        tpu.enqueue_indirect_dma source(%arg9 : memref<80x128xf32, #tpu.memory_space<vmem>>) target(%dma_start3A_60 : memref<10240x128xf32, #tpu.memory_space<vmem_shared>>) offsets(%arg8 : memref<80xi32, #tpu.memory_space<vmem>>) semaphore(%run_scoped3A : memref<!tpu.dma_semaphore, #tpu.memory_space<semaphore_mem>>) {add = true}
        %dma_wait3A_61 = arith.constant 0 : i32
        %dma_wait3A_62 = arith.constant 0 : i32
        %dma_wait3A_63 = tpu.memref_slice %arg12[%dma_wait3A_61, %dma_wait3A_62] : memref<10240x128xf32, #tpu.memory_space<vmem_shared>> -> memref<10240x128xf32, #tpu.memory_space<vmem_shared>>
        tpu.wait_indirect_dma semaphore(%run_scoped3A : memref<!tpu.dma_semaphore, #tpu.memory_space<semaphore_mem>>) src(%arg9 : memref<80x128xf32, #tpu.memory_space<vmem>>) dst(%dma_wait3A_63 : memref<10240x128xf32, #tpu.memory_space<vmem_shared>>)
        tpu.yield
      }) : () -> ()
      %scan3A_57 = arith.constant 0 : i32
      scf.yield %scan3A_57 : i32
    }
    %scan3A_35 = arith.constant 125 : i32
    %barrier3A_36 = arith.constant 0 : index
    tpu.barrier barrier_id(%barrier3A_36)
    %mul3A_37 = arith.constant 640 : i32
    %mul3A_38 = arith.muli %arg1, %mul3A_37 : i32
    %mul3A_39 = arith.constant 640 : i32
    %mul3A_40 = arith.muli %arg1, %mul3A_39 : i32
    "tpu.region"() ({
      %run_scoped3A = tpu.sem_alloc : memref<!tpu.dma_semaphore, #tpu.memory_space<semaphore_mem>>
      %dma_start3A = arith.constant 0 : i32
      %dma_start3A_41 = tpu.memref_slice %arg6[%arg0, %mul3A_40, %dma_start3A] : memref<2x10240x128xf32, #tpu.memory_space<hbm>> -> memref<1x640x128xf32, #tpu.memory_space<hbm>>
      %dma_start3A_42 = tpu.memref_squeeze %dma_start3A_41 : memref<1x640x128xf32, #tpu.memory_space<hbm>> -> memref<640x128xf32, #tpu.memory_space<hbm>>
      %dma_start3A_43 = arith.constant 0 : i32
      %dma_start3A_44 = tpu.memref_slice %arg12[%mul3A_38, %dma_start3A_43] : memref<10240x128xf32, #tpu.memory_space<vmem_shared>> -> memref<640x128xf32, #tpu.memory_space<vmem_shared>>
      tpu.enqueue_dma source(%dma_start3A_44 : memref<640x128xf32, #tpu.memory_space<vmem_shared>>) target(%dma_start3A_42 : memref<640x128xf32, #tpu.memory_space<hbm>>) target_semaphore(%run_scoped3A : memref<!tpu.dma_semaphore, #tpu.memory_space<semaphore_mem>>)
      %dma_wait3A = arith.constant 0 : i32
      %dma_wait3A_45 = tpu.memref_slice %arg6[%arg0, %mul3A_40, %dma_wait3A] : memref<2x10240x128xf32, #tpu.memory_space<hbm>> -> memref<1x640x128xf32, #tpu.memory_space<hbm>>
      %dma_wait3A_46 = tpu.memref_squeeze %dma_wait3A_45 : memref<1x640x128xf32, #tpu.memory_space<hbm>> -> memref<640x128xf32, #tpu.memory_space<hbm>>
      %dma_wait3A_47 = arith.constant 0 : i32
      %dma_wait3A_48 = tpu.memref_slice %arg12[%mul3A_38, %dma_wait3A_47] : memref<10240x128xf32, #tpu.memory_space<vmem_shared>> -> memref<640x128xf32, #tpu.memory_space<vmem_shared>>
      tpu.wait_dma2 semaphore(%run_scoped3A : memref<!tpu.dma_semaphore, #tpu.memory_space<semaphore_mem>>) src(%dma_wait3A_48 : memref<640x128xf32, #tpu.memory_space<vmem_shared>>) dst(%dma_wait3A_46 : memref<640x128xf32, #tpu.memory_space<hbm>>)
      tpu.yield
    }) : () -> ()
    return
  }
}

#map = affine_map<(d0, d1) -> (0, 0)>
#map1 = affine_map<(d0, d1) -> (0)>
#map2 = affine_map<(d0, d1) -> (0, 0, 0)>
module attributes {stable_mosaic.version = 14 : i64} {
  func.func @_sc_agg_body(%arg0: i32, %arg1: i32, %arg2: memref<10000x128xf32, #tpu.memory_space<hbm>>, %arg3: memref<320000x128xf32, #tpu.memory_space<hbm>>, %arg4: memref<320000xi32, #tpu.memory_space<hbm>>, %arg5: memref<320000xi32, #tpu.memory_space<hbm>>, %arg6: memref<2x10240x128xf32, #tpu.memory_space<hbm>>, %arg7: memref<80xi32, #tpu.memory_space<vmem>>, %arg8: memref<80xi32, #tpu.memory_space<vmem>>, %arg9: memref<80x128xf32, #tpu.memory_space<vmem>>, %arg10: memref<80x128xf32, #tpu.memory_space<vmem>>, %arg11: memref<128x128xf32, #tpu.memory_space<vmem>>, %arg12: memref<10240x128xf32, #tpu.memory_space<vmem_shared>>, %arg13: memref<!tpu.dma_semaphore, #tpu.memory_space<semaphore_mem>>) attributes {dimension_semantics = [#tpu.dimension_semantics<core_parallel>, #tpu.dimension_semantics<subcore_parallel>], iteration_bounds = array<i64: 2, 16>, scalar_prefetch = 0 : i64, scratch_operands = 7 : i64, tpu.core_type = #tpu.core_type<sc_vector_subcore>, window_params = [{transform_indices = #map}, {transform_indices = #map}, {transform_indices = #map1}, {transform_indices = #map1}, {transform_indices = #map2}]} {
    %mul3A = arith.constant 16 : i32
    %mul3A_0 = arith.muli %arg0, %mul3A : i32
    %add3A = arith.addi %mul3A_0, %arg1 : i32
    %scan3A = arith.constant 0 : i32
    %scan3A_1 = arith.constant 0 : i32
    %scan3A_2 = arith.constant 128 : i32
    %scan3A_3 = arith.addi %scan3A_1, %scan3A_2 : i32
    %scan3A_4 = arith.constant 1 : i32
    %scan3A_5 = scf.for %scan3A_41 = %scan3A_1 to %scan3A_3 step %scan3A_4 iter_args(%scan3A_42 = %scan3A) -> (i32)  : i32 {
      %broadcast_in_dim3A = arith.constant 0.000000e+00 : f32
      %broadcast_in_dim3A_43 = vector.broadcast %broadcast_in_dim3A : f32 to vector<16xf32>
      %swap3A = arith.index_cast %scan3A_41 : i32 to index
      %swap3A_44 = arith.constant 0 : index
      %swap3A_45 = tpu.vector_load %arg11[%swap3A, %swap3A_44] {strides = array<i32>} : memref<128x128xf32, #tpu.memory_space<vmem>>, vector<1x16xf32>,
      %swap3A_46 = vector.shape_cast %swap3A_45 : vector<1x16xf32> to vector<16xf32>
      %swap3A_47 = vector.shape_cast %broadcast_in_dim3A_43 : vector<16xf32> to vector<1x16xf32>
      tpu.vector_store %arg11[%swap3A, %swap3A_44], %swap3A_47 {strides = array<i32>} : memref<128x128xf32, #tpu.memory_space<vmem>>, vector<1x16xf32>,
      %broadcast_in_dim3A_48 = arith.constant 0.000000e+00 : f32
      %broadcast_in_dim3A_49 = vector.broadcast %broadcast_in_dim3A_48 : f32 to vector<16xf32>
      %swap3A_50 = arith.index_cast %scan3A_41 : i32 to index
      %swap3A_51 = arith.constant 16 : index
      %swap3A_52 = tpu.vector_load %arg11[%swap3A_50, %swap3A_51] {strides = array<i32>} : memref<128x128xf32, #tpu.memory_space<vmem>>, vector<1x16xf32>,
      %swap3A_53 = vector.shape_cast %swap3A_52 : vector<1x16xf32> to vector<16xf32>
      %swap3A_54 = vector.shape_cast %broadcast_in_dim3A_49 : vector<16xf32> to vector<1x16xf32>
      tpu.vector_store %arg11[%swap3A_50, %swap3A_51], %swap3A_54 {strides = array<i32>} : memref<128x128xf32, #tpu.memory_space<vmem>>, vector<1x16xf32>,
      %broadcast_in_dim3A_55 = arith.constant 0.000000e+00 : f32
      %broadcast_in_dim3A_56 = vector.broadcast %broadcast_in_dim3A_55 : f32 to vector<16xf32>
      %swap3A_57 = arith.index_cast %scan3A_41 : i32 to index
      %swap3A_58 = arith.constant 32 : index
      %swap3A_59 = tpu.vector_load %arg11[%swap3A_57, %swap3A_58] {strides = array<i32>} : memref<128x128xf32, #tpu.memory_space<vmem>>, vector<1x16xf32>,
      %swap3A_60 = vector.shape_cast %swap3A_59 : vector<1x16xf32> to vector<16xf32>
      %swap3A_61 = vector.shape_cast %broadcast_in_dim3A_56 : vector<16xf32> to vector<1x16xf32>
      tpu.vector_store %arg11[%swap3A_57, %swap3A_58], %swap3A_61 {strides = array<i32>} : memref<128x128xf32, #tpu.memory_space<vmem>>, vector<1x16xf32>,
      %broadcast_in_dim3A_62 = arith.constant 0.000000e+00 : f32
      %broadcast_in_dim3A_63 = vector.broadcast %broadcast_in_dim3A_62 : f32 to vector<16xf32>
      %swap3A_64 = arith.index_cast %scan3A_41 : i32 to index
      %swap3A_65 = arith.constant 48 : index
      %swap3A_66 = tpu.vector_load %arg11[%swap3A_64, %swap3A_65] {strides = array<i32>} : memref<128x128xf32, #tpu.memory_space<vmem>>, vector<1x16xf32>,
      %swap3A_67 = vector.shape_cast %swap3A_66 : vector<1x16xf32> to vector<16xf32>
      %swap3A_68 = vector.shape_cast %broadcast_in_dim3A_63 : vector<16xf32> to vector<1x16xf32>
      tpu.vector_store %arg11[%swap3A_64, %swap3A_65], %swap3A_68 {strides = array<i32>} : memref<128x128xf32, #tpu.memory_space<vmem>>, vector<1x16xf32>,
      %broadcast_in_dim3A_69 = arith.constant 0.000000e+00 : f32
      %broadcast_in_dim3A_70 = vector.broadcast %broadcast_in_dim3A_69 : f32 to vector<16xf32>
      %swap3A_71 = arith.index_cast %scan3A_41 : i32 to index
      %swap3A_72 = arith.constant 64 : index
      %swap3A_73 = tpu.vector_load %arg11[%swap3A_71, %swap3A_72] {strides = array<i32>} : memref<128x128xf32, #tpu.memory_space<vmem>>, vector<1x16xf32>,
      %swap3A_74 = vector.shape_cast %swap3A_73 : vector<1x16xf32> to vector<16xf32>
      %swap3A_75 = vector.shape_cast %broadcast_in_dim3A_70 : vector<16xf32> to vector<1x16xf32>
      tpu.vector_store %arg11[%swap3A_71, %swap3A_72], %swap3A_75 {strides = array<i32>} : memref<128x128xf32, #tpu.memory_space<vmem>>, vector<1x16xf32>,
      %broadcast_in_dim3A_76 = arith.constant 0.000000e+00 : f32
      %broadcast_in_dim3A_77 = vector.broadcast %broadcast_in_dim3A_76 : f32 to vector<16xf32>
      %swap3A_78 = arith.index_cast %scan3A_41 : i32 to index
      %swap3A_79 = arith.constant 80 : index
      %swap3A_80 = tpu.vector_load %arg11[%swap3A_78, %swap3A_79] {strides = array<i32>} : memref<128x128xf32, #tpu.memory_space<vmem>>, vector<1x16xf32>,
      %swap3A_81 = vector.shape_cast %swap3A_80 : vector<1x16xf32> to vector<16xf32>
      %swap3A_82 = vector.shape_cast %broadcast_in_dim3A_77 : vector<16xf32> to vector<1x16xf32>
      tpu.vector_store %arg11[%swap3A_78, %swap3A_79], %swap3A_82 {strides = array<i32>} : memref<128x128xf32, #tpu.memory_space<vmem>>, vector<1x16xf32>,
      %broadcast_in_dim3A_83 = arith.constant 0.000000e+00 : f32
      %broadcast_in_dim3A_84 = vector.broadcast %broadcast_in_dim3A_83 : f32 to vector<16xf32>
      %swap3A_85 = arith.index_cast %scan3A_41 : i32 to index
      %swap3A_86 = arith.constant 96 : index
      %swap3A_87 = tpu.vector_load %arg11[%swap3A_85, %swap3A_86] {strides = array<i32>} : memref<128x128xf32, #tpu.memory_space<vmem>>, vector<1x16xf32>,
      %swap3A_88 = vector.shape_cast %swap3A_87 : vector<1x16xf32> to vector<16xf32>
      %swap3A_89 = vector.shape_cast %broadcast_in_dim3A_84 : vector<16xf32> to vector<1x16xf32>
      tpu.vector_store %arg11[%swap3A_85, %swap3A_86], %swap3A_89 {strides = array<i32>} : memref<128x128xf32, #tpu.memory_space<vmem>>, vector<1x16xf32>,
      %broadcast_in_dim3A_90 = arith.constant 0.000000e+00 : f32
      %broadcast_in_dim3A_91 = vector.broadcast %broadcast_in_dim3A_90 : f32 to vector<16xf32>
      %swap3A_92 = arith.index_cast %scan3A_41 : i32 to index
      %swap3A_93 = arith.constant 112 : index
      %swap3A_94 = tpu.vector_load %arg11[%swap3A_92, %swap3A_93] {strides = array<i32>} : memref<128x128xf32, #tpu.memory_space<vmem>>, vector<1x16xf32>,
      %swap3A_95 = vector.shape_cast %swap3A_94 : vector<1x16xf32> to vector<16xf32>
      %swap3A_96 = vector.shape_cast %broadcast_in_dim3A_91 : vector<16xf32> to vector<1x16xf32>
      tpu.vector_store %arg11[%swap3A_92, %swap3A_93], %swap3A_96 {strides = array<i32>} : memref<128x128xf32, #tpu.memory_space<vmem>>, vector<1x16xf32>,
      %scan3A_97 = arith.constant 0 : i32
      scf.yield %scan3A_97 : i32
    }
    %scan3A_6 = arith.constant 128 : i32
    %mul3A_7 = arith.constant 640 : i32
    %mul3A_8 = arith.muli %arg1, %mul3A_7 : i32
    %add3A_9 = arith.constant 0 : i32
    %add3A_10 = arith.addi %mul3A_8, %add3A_9 : i32
    "tpu.region"() ({
      %run_scoped3A = tpu.sem_alloc : memref<!tpu.dma_semaphore, #tpu.memory_space<semaphore_mem>>
      %dma_start3A = arith.constant 0 : i32
      %dma_start3A_41 = tpu.memref_slice %arg12[%add3A_10, %dma_start3A] : memref<10240x128xf32, #tpu.memory_space<vmem_shared>> -> memref<128x128xf32, #tpu.memory_space<vmem_shared>>
      %dma_start3A_42 = arith.constant 0 : i32
      %dma_start3A_43 = tpu.memref_slice %arg12[%add3A_10, %dma_start3A_42] : memref<10240x128xf32, #tpu.memory_space<vmem_shared>> -> memref<128x128xf32, #tpu.memory_space<vmem_shared>>
      tpu.enqueue_dma source(%arg11 : memref<128x128xf32, #tpu.memory_space<vmem>>) target(%dma_start3A_43 : memref<128x128xf32, #tpu.memory_space<vmem_shared>>) target_semaphore(%run_scoped3A : memref<!tpu.dma_semaphore, #tpu.memory_space<semaphore_mem>>)
      %dma_wait3A = arith.constant 0 : i32
      %dma_wait3A_44 = tpu.memref_slice %arg12[%add3A_10, %dma_wait3A] : memref<10240x128xf32, #tpu.memory_space<vmem_shared>> -> memref<128x128xf32, #tpu.memory_space<vmem_shared>>
      %dma_wait3A_45 = arith.constant 0 : i32
      %dma_wait3A_46 = tpu.memref_slice %arg12[%add3A_10, %dma_wait3A_45] : memref<10240x128xf32, #tpu.memory_space<vmem_shared>> -> memref<128x128xf32, #tpu.memory_space<vmem_shared>>
      tpu.wait_dma2 semaphore(%run_scoped3A : memref<!tpu.dma_semaphore, #tpu.memory_space<semaphore_mem>>) src(%arg11 : memref<128x128xf32, #tpu.memory_space<vmem>>) dst(%dma_wait3A_46 : memref<128x128xf32, #tpu.memory_space<vmem_shared>>)
      tpu.yield
    }) : () -> ()
    %mul3A_11 = arith.constant 640 : i32
    %mul3A_12 = arith.muli %arg1, %mul3A_11 : i32
    %add3A_13 = arith.constant 128 : i32
    %add3A_14 = arith.addi %mul3A_12, %add3A_13 : i32
    "tpu.region"() ({
      %run_scoped3A = tpu.sem_alloc : memref<!tpu.dma_semaphore, #tpu.memory_space<semaphore_mem>>
      %dma_start3A = arith.constant 0 : i32
      %dma_start3A_41 = tpu.memref_slice %arg12[%add3A_14, %dma_start3A] : memref<10240x128xf32, #tpu.memory_space<vmem_shared>> -> memref<128x128xf32, #tpu.memory_space<vmem_shared>>
      %dma_start3A_42 = arith.constant 0 : i32
      %dma_start3A_43 = tpu.memref_slice %arg12[%add3A_14, %dma_start3A_42] : memref<10240x128xf32, #tpu.memory_space<vmem_shared>> -> memref<128x128xf32, #tpu.memory_space<vmem_shared>>
      tpu.enqueue_dma source(%arg11 : memref<128x128xf32, #tpu.memory_space<vmem>>) target(%dma_start3A_43 : memref<128x128xf32, #tpu.memory_space<vmem_shared>>) target_semaphore(%run_scoped3A : memref<!tpu.dma_semaphore, #tpu.memory_space<semaphore_mem>>)
      %dma_wait3A = arith.constant 0 : i32
      %dma_wait3A_44 = tpu.memref_slice %arg12[%add3A_14, %dma_wait3A] : memref<10240x128xf32, #tpu.memory_space<vmem_shared>> -> memref<128x128xf32, #tpu.memory_space<vmem_shared>>
      %dma_wait3A_45 = arith.constant 0 : i32
      %dma_wait3A_46 = tpu.memref_slice %arg12[%add3A_14, %dma_wait3A_45] : memref<10240x128xf32, #tpu.memory_space<vmem_shared>> -> memref<128x128xf32, #tpu.memory_space<vmem_shared>>
      tpu.wait_dma2 semaphore(%run_scoped3A : memref<!tpu.dma_semaphore, #tpu.memory_space<semaphore_mem>>) src(%arg11 : memref<128x128xf32, #tpu.memory_space<vmem>>) dst(%dma_wait3A_46 : memref<128x128xf32, #tpu.memory_space<vmem_shared>>)
      tpu.yield
    }) : () -> ()
    %mul3A_15 = arith.constant 640 : i32
    %mul3A_16 = arith.muli %arg1, %mul3A_15 : i32
    %add3A_17 = arith.constant 256 : i32
    %add3A_18 = arith.addi %mul3A_16, %add3A_17 : i32
    "tpu.region"() ({
      %run_scoped3A = tpu.sem_alloc : memref<!tpu.dma_semaphore, #tpu.memory_space<semaphore_mem>>
      %dma_start3A = arith.constant 0 : i32
      %dma_start3A_41 = tpu.memref_slice %arg12[%add3A_18, %dma_start3A] : memref<10240x128xf32, #tpu.memory_space<vmem_shared>> -> memref<128x128xf32, #tpu.memory_space<vmem_shared>>
      %dma_start3A_42 = arith.constant 0 : i32
      %dma_start3A_43 = tpu.memref_slice %arg12[%add3A_18, %dma_start3A_42] : memref<10240x128xf32, #tpu.memory_space<vmem_shared>> -> memref<128x128xf32, #tpu.memory_space<vmem_shared>>
      tpu.enqueue_dma source(%arg11 : memref<128x128xf32, #tpu.memory_space<vmem>>) target(%dma_start3A_43 : memref<128x128xf32, #tpu.memory_space<vmem_shared>>) target_semaphore(%run_scoped3A : memref<!tpu.dma_semaphore, #tpu.memory_space<semaphore_mem>>)
      %dma_wait3A = arith.constant 0 : i32
      %dma_wait3A_44 = tpu.memref_slice %arg12[%add3A_18, %dma_wait3A] : memref<10240x128xf32, #tpu.memory_space<vmem_shared>> -> memref<128x128xf32, #tpu.memory_space<vmem_shared>>
      %dma_wait3A_45 = arith.constant 0 : i32
      %dma_wait3A_46 = tpu.memref_slice %arg12[%add3A_18, %dma_wait3A_45] : memref<10240x128xf32, #tpu.memory_space<vmem_shared>> -> memref<128x128xf32, #tpu.memory_space<vmem_shared>>
      tpu.wait_dma2 semaphore(%run_scoped3A : memref<!tpu.dma_semaphore, #tpu.memory_space<semaphore_mem>>) src(%arg11 : memref<128x128xf32, #tpu.memory_space<vmem>>) dst(%dma_wait3A_46 : memref<128x128xf32, #tpu.memory_space<vmem_shared>>)
      tpu.yield
    }) : () -> ()
    %mul3A_19 = arith.constant 640 : i32
    %mul3A_20 = arith.muli %arg1, %mul3A_19 : i32
    %add3A_21 = arith.constant 384 : i32
    %add3A_22 = arith.addi %mul3A_20, %add3A_21 : i32
    "tpu.region"() ({
      %run_scoped3A = tpu.sem_alloc : memref<!tpu.dma_semaphore, #tpu.memory_space<semaphore_mem>>
      %dma_start3A = arith.constant 0 : i32
      %dma_start3A_41 = tpu.memref_slice %arg12[%add3A_22, %dma_start3A] : memref<10240x128xf32, #tpu.memory_space<vmem_shared>> -> memref<128x128xf32, #tpu.memory_space<vmem_shared>>
      %dma_start3A_42 = arith.constant 0 : i32
      %dma_start3A_43 = tpu.memref_slice %arg12[%add3A_22, %dma_start3A_42] : memref<10240x128xf32, #tpu.memory_space<vmem_shared>> -> memref<128x128xf32, #tpu.memory_space<vmem_shared>>
      tpu.enqueue_dma source(%arg11 : memref<128x128xf32, #tpu.memory_space<vmem>>) target(%dma_start3A_43 : memref<128x128xf32, #tpu.memory_space<vmem_shared>>) target_semaphore(%run_scoped3A : memref<!tpu.dma_semaphore, #tpu.memory_space<semaphore_mem>>)
      %dma_wait3A = arith.constant 0 : i32
      %dma_wait3A_44 = tpu.memref_slice %arg12[%add3A_22, %dma_wait3A] : memref<10240x128xf32, #tpu.memory_space<vmem_shared>> -> memref<128x128xf32, #tpu.memory_space<vmem_shared>>
      %dma_wait3A_45 = arith.constant 0 : i32
      %dma_wait3A_46 = tpu.memref_slice %arg12[%add3A_22, %dma_wait3A_45] : memref<10240x128xf32, #tpu.memory_space<vmem_shared>> -> memref<128x128xf32, #tpu.memory_space<vmem_shared>>
      tpu.wait_dma2 semaphore(%run_scoped3A : memref<!tpu.dma_semaphore, #tpu.memory_space<semaphore_mem>>) src(%arg11 : memref<128x128xf32, #tpu.memory_space<vmem>>) dst(%dma_wait3A_46 : memref<128x128xf32, #tpu.memory_space<vmem_shared>>)
      tpu.yield
    }) : () -> ()
    %mul3A_23 = arith.constant 640 : i32
    %mul3A_24 = arith.muli %arg1, %mul3A_23 : i32
    %add3A_25 = arith.constant 512 : i32
    %add3A_26 = arith.addi %mul3A_24, %add3A_25 : i32
    "tpu.region"() ({
      %run_scoped3A = tpu.sem_alloc : memref<!tpu.dma_semaphore, #tpu.memory_space<semaphore_mem>>
      %dma_start3A = arith.constant 0 : i32
      %dma_start3A_41 = tpu.memref_slice %arg12[%add3A_26, %dma_start3A] : memref<10240x128xf32, #tpu.memory_space<vmem_shared>> -> memref<128x128xf32, #tpu.memory_space<vmem_shared>>
      %dma_start3A_42 = arith.constant 0 : i32
      %dma_start3A_43 = tpu.memref_slice %arg12[%add3A_26, %dma_start3A_42] : memref<10240x128xf32, #tpu.memory_space<vmem_shared>> -> memref<128x128xf32, #tpu.memory_space<vmem_shared>>
      tpu.enqueue_dma source(%arg11 : memref<128x128xf32, #tpu.memory_space<vmem>>) target(%dma_start3A_43 : memref<128x128xf32, #tpu.memory_space<vmem_shared>>) target_semaphore(%run_scoped3A : memref<!tpu.dma_semaphore, #tpu.memory_space<semaphore_mem>>)
      %dma_wait3A = arith.constant 0 : i32
      %dma_wait3A_44 = tpu.memref_slice %arg12[%add3A_26, %dma_wait3A] : memref<10240x128xf32, #tpu.memory_space<vmem_shared>> -> memref<128x128xf32, #tpu.memory_space<vmem_shared>>
      %dma_wait3A_45 = arith.constant 0 : i32
      %dma_wait3A_46 = tpu.memref_slice %arg12[%add3A_26, %dma_wait3A_45] : memref<10240x128xf32, #tpu.memory_space<vmem_shared>> -> memref<128x128xf32, #tpu.memory_space<vmem_shared>>
      tpu.wait_dma2 semaphore(%run_scoped3A : memref<!tpu.dma_semaphore, #tpu.memory_space<semaphore_mem>>) src(%arg11 : memref<128x128xf32, #tpu.memory_space<vmem>>) dst(%dma_wait3A_46 : memref<128x128xf32, #tpu.memory_space<vmem_shared>>)
      tpu.yield
    }) : () -> ()
    %barrier3A = arith.constant 0 : index
    tpu.barrier barrier_id(%barrier3A)
    %mul3A_27 = arith.constant 10000 : i32
    %mul3A_28 = arith.muli %add3A, %mul3A_27 : i32
    %scan3A_29 = arith.constant 0 : i32
    %scan3A_30 = arith.constant 0 : i32
    %scan3A_31 = arith.constant 125 : i32
    %scan3A_32 = arith.addi %scan3A_30, %scan3A_31 : i32
    %scan3A_33 = arith.constant 1 : i32
    %scan3A_34 = scf.for %scan3A_41 = %scan3A_30 to %scan3A_32 step %scan3A_33 iter_args(%scan3A_42 = %scan3A_29) -> (i32)  : i32 {
      %mul3A_43 = arith.constant 80 : i32
      %mul3A_44 = arith.muli %scan3A_41, %mul3A_43 : i32
      %add3A_45 = arith.addi %mul3A_28, %mul3A_44 : i32
      "tpu.region"() ({
        %run_scoped3A = tpu.sem_alloc : memref<!tpu.dma_semaphore, #tpu.memory_space<semaphore_mem>>
        %dma_start3A_58 = tpu.memref_slice %arg4[%add3A_45] : memref<320000xi32, #tpu.memory_space<hbm>> -> memref<80xi32, #tpu.memory_space<hbm>>
        %dma_start3A_59 = tpu.memref_slice %arg4[%add3A_45] : memref<320000xi32, #tpu.memory_space<hbm>> -> memref<80xi32, #tpu.memory_space<hbm>>
        tpu.enqueue_dma source(%dma_start3A_59 : memref<80xi32, #tpu.memory_space<hbm>>) target(%arg7 : memref<80xi32, #tpu.memory_space<vmem>>) target_semaphore(%run_scoped3A : memref<!tpu.dma_semaphore, #tpu.memory_space<semaphore_mem>>)
        %dma_wait3A_60 = tpu.memref_slice %arg4[%add3A_45] : memref<320000xi32, #tpu.memory_space<hbm>> -> memref<80xi32, #tpu.memory_space<hbm>>
        %dma_wait3A_61 = tpu.memref_slice %arg4[%add3A_45] : memref<320000xi32, #tpu.memory_space<hbm>> -> memref<80xi32, #tpu.memory_space<hbm>>
        tpu.wait_dma2 semaphore(%run_scoped3A : memref<!tpu.dma_semaphore, #tpu.memory_space<semaphore_mem>>) src(%dma_wait3A_61 : memref<80xi32, #tpu.memory_space<hbm>>) dst(%arg7 : memref<80xi32, #tpu.memory_space<vmem>>)
        tpu.yield
      }) : () -> ()
      "tpu.region"() ({
        %run_scoped3A = tpu.sem_alloc : memref<!tpu.dma_semaphore, #tpu.memory_space<semaphore_mem>>
        %dma_start3A_58 = tpu.memref_slice %arg5[%add3A_45] : memref<320000xi32, #tpu.memory_space<hbm>> -> memref<80xi32, #tpu.memory_space<hbm>>
        %dma_start3A_59 = tpu.memref_slice %arg5[%add3A_45] : memref<320000xi32, #tpu.memory_space<hbm>> -> memref<80xi32, #tpu.memory_space<hbm>>
        tpu.enqueue_dma source(%dma_start3A_59 : memref<80xi32, #tpu.memory_space<hbm>>) target(%arg8 : memref<80xi32, #tpu.memory_space<vmem>>) target_semaphore(%run_scoped3A : memref<!tpu.dma_semaphore, #tpu.memory_space<semaphore_mem>>)
        %dma_wait3A_60 = tpu.memref_slice %arg5[%add3A_45] : memref<320000xi32, #tpu.memory_space<hbm>> -> memref<80xi32, #tpu.memory_space<hbm>>
        %dma_wait3A_61 = tpu.memref_slice %arg5[%add3A_45] : memref<320000xi32, #tpu.memory_space<hbm>> -> memref<80xi32, #tpu.memory_space<hbm>>
        tpu.wait_dma2 semaphore(%run_scoped3A : memref<!tpu.dma_semaphore, #tpu.memory_space<semaphore_mem>>) src(%dma_wait3A_61 : memref<80xi32, #tpu.memory_space<hbm>>) dst(%arg8 : memref<80xi32, #tpu.memory_space<vmem>>)
        tpu.yield
      }) : () -> ()
      "tpu.region"() ({
        %run_scoped3A = tpu.sem_alloc : memref<!tpu.dma_semaphore, #tpu.memory_space<semaphore_mem>>
        %dma_start3A_58 = arith.constant 0 : i32
        %dma_start3A_59 = tpu.memref_slice %arg3[%add3A_45, %dma_start3A_58] : memref<320000x128xf32, #tpu.memory_space<hbm>> -> memref<80x128xf32, #tpu.memory_space<hbm>>
        %dma_start3A_60 = arith.constant 0 : i32
        %dma_start3A_61 = tpu.memref_slice %arg3[%add3A_45, %dma_start3A_60] : memref<320000x128xf32, #tpu.memory_space<hbm>> -> memref<80x128xf32, #tpu.memory_space<hbm>>
        tpu.enqueue_dma source(%dma_start3A_61 : memref<80x128xf32, #tpu.memory_space<hbm>>) target(%arg10 : memref<80x128xf32, #tpu.memory_space<vmem>>) target_semaphore(%run_scoped3A : memref<!tpu.dma_semaphore, #tpu.memory_space<semaphore_mem>>)
        %dma_wait3A_62 = arith.constant 0 : i32
        %dma_wait3A_63 = tpu.memref_slice %arg3[%add3A_45, %dma_wait3A_62] : memref<320000x128xf32, #tpu.memory_space<hbm>> -> memref<80x128xf32, #tpu.memory_space<hbm>>
        %dma_wait3A_64 = arith.constant 0 : i32
        %dma_wait3A_65 = tpu.memref_slice %arg3[%add3A_45, %dma_wait3A_64] : memref<320000x128xf32, #tpu.memory_space<hbm>> -> memref<80x128xf32, #tpu.memory_space<hbm>>
        tpu.wait_dma2 semaphore(%run_scoped3A : memref<!tpu.dma_semaphore, #tpu.memory_space<semaphore_mem>>) src(%dma_wait3A_65 : memref<80x128xf32, #tpu.memory_space<hbm>>) dst(%arg10 : memref<80x128xf32, #tpu.memory_space<vmem>>)
        tpu.yield
      }) : () -> ()
      %dma_start3A = arith.constant 0 : i32
      %dma_start3A_46 = arith.constant 0 : i32
      %dma_start3A_47 = tpu.memref_slice %arg2[%dma_start3A, %dma_start3A_46] : memref<10000x128xf32, #tpu.memory_space<hbm>> -> memref<10000x128xf32, #tpu.memory_space<hbm>>
      tpu.enqueue_indirect_dma source(%dma_start3A_47 : memref<10000x128xf32, #tpu.memory_space<hbm>>) target(%arg9 : memref<80x128xf32, #tpu.memory_space<vmem>>) offsets(%arg7 : memref<80xi32, #tpu.memory_space<vmem>>) semaphore(%arg13 : memref<!tpu.dma_semaphore, #tpu.memory_space<semaphore_mem>>)
      %dma_wait3A = arith.constant 0 : i32
      %dma_wait3A_48 = arith.constant 0 : i32
      %dma_wait3A_49 = tpu.memref_slice %arg2[%dma_wait3A, %dma_wait3A_48] : memref<10000x128xf32, #tpu.memory_space<hbm>> -> memref<10000x128xf32, #tpu.memory_space<hbm>>
      tpu.wait_indirect_dma semaphore(%arg13 : memref<!tpu.dma_semaphore, #tpu.memory_space<semaphore_mem>>) src(%dma_wait3A_49 : memref<10000x128xf32, #tpu.memory_space<hbm>>) dst(%arg9 : memref<80x128xf32, #tpu.memory_space<vmem>>)
      %scan3A_50 = arith.constant 0 : i32
      %scan3A_51 = arith.constant 0 : i32
      %scan3A_52 = arith.constant 80 : i32
      %scan3A_53 = arith.addi %scan3A_51, %scan3A_52 : i32
      %scan3A_54 = arith.constant 1 : i32
      %scan3A_55 = scf.for %scan3A_58 = %scan3A_51 to %scan3A_53 step %scan3A_54 iter_args(%scan3A_59 = %scan3A_50) -> (i32)  : i32 {
        %get3A = arith.index_cast %scan3A_58 : i32 to index
        %get3A_60 = arith.constant 0 : index
        %get3A_61 = tpu.vector_load %arg9[%get3A, %get3A_60] {strides = array<i32>} : memref<80x128xf32, #tpu.memory_space<vmem>>, vector<1x16xf32>,
        %get3A_62 = vector.shape_cast %get3A_61 : vector<1x16xf32> to vector<16xf32>
        %get3A_63 = arith.index_cast %scan3A_58 : i32 to index
        %get3A_64 = arith.constant 0 : index
        %get3A_65 = tpu.vector_load %arg10[%get3A_63, %get3A_64] {strides = array<i32>} : memref<80x128xf32, #tpu.memory_space<vmem>>, vector<1x16xf32>,
        %get3A_66 = vector.shape_cast %get3A_65 : vector<1x16xf32> to vector<16xf32>
        %add3A_67 = arith.addf %get3A_62, %get3A_66 : vector<16xf32>
        %max3A = arith.constant 0.000000e+00 : f32
        %max3A_68 = vector.broadcast %max3A : f32 to vector<16xf32>
        %max3A_69 = arith.maximumf %add3A_67, %max3A_68 : vector<16xf32>
        %swap3A = arith.index_cast %scan3A_58 : i32 to index
        %swap3A_70 = arith.constant 0 : index
        %swap3A_71 = tpu.vector_load %arg9[%swap3A, %swap3A_70] {strides = array<i32>} : memref<80x128xf32, #tpu.memory_space<vmem>>, vector<1x16xf32>,
        %swap3A_72 = vector.shape_cast %swap3A_71 : vector<1x16xf32> to vector<16xf32>
        %swap3A_73 = vector.shape_cast %max3A_69 : vector<16xf32> to vector<1x16xf32>
        tpu.vector_store %arg9[%swap3A, %swap3A_70], %swap3A_73 {strides = array<i32>} : memref<80x128xf32, #tpu.memory_space<vmem>>, vector<1x16xf32>,
        %get3A_74 = arith.index_cast %scan3A_58 : i32 to index
        %get3A_75 = arith.constant 16 : index
        %get3A_76 = tpu.vector_load %arg9[%get3A_74, %get3A_75] {strides = array<i32>} : memref<80x128xf32, #tpu.memory_space<vmem>>, vector<1x16xf32>,
        %get3A_77 = vector.shape_cast %get3A_76 : vector<1x16xf32> to vector<16xf32>
        %get3A_78 = arith.index_cast %scan3A_58 : i32 to index
        %get3A_79 = arith.constant 16 : index
        %get3A_80 = tpu.vector_load %arg10[%get3A_78, %get3A_79] {strides = array<i32>} : memref<80x128xf32, #tpu.memory_space<vmem>>, vector<1x16xf32>,
        %get3A_81 = vector.shape_cast %get3A_80 : vector<1x16xf32> to vector<16xf32>
        %add3A_82 = arith.addf %get3A_77, %get3A_81 : vector<16xf32>
        %max3A_83 = arith.constant 0.000000e+00 : f32
        %max3A_84 = vector.broadcast %max3A_83 : f32 to vector<16xf32>
        %max3A_85 = arith.maximumf %add3A_82, %max3A_84 : vector<16xf32>
        %swap3A_86 = arith.index_cast %scan3A_58 : i32 to index
        %swap3A_87 = arith.constant 16 : index
        %swap3A_88 = tpu.vector_load %arg9[%swap3A_86, %swap3A_87] {strides = array<i32>} : memref<80x128xf32, #tpu.memory_space<vmem>>, vector<1x16xf32>,
        %swap3A_89 = vector.shape_cast %swap3A_88 : vector<1x16xf32> to vector<16xf32>
        %swap3A_90 = vector.shape_cast %max3A_85 : vector<16xf32> to vector<1x16xf32>
        tpu.vector_store %arg9[%swap3A_86, %swap3A_87], %swap3A_90 {strides = array<i32>} : memref<80x128xf32, #tpu.memory_space<vmem>>, vector<1x16xf32>,
        %get3A_91 = arith.index_cast %scan3A_58 : i32 to index
        %get3A_92 = arith.constant 32 : index
        %get3A_93 = tpu.vector_load %arg9[%get3A_91, %get3A_92] {strides = array<i32>} : memref<80x128xf32, #tpu.memory_space<vmem>>, vector<1x16xf32>,
        %get3A_94 = vector.shape_cast %get3A_93 : vector<1x16xf32> to vector<16xf32>
        %get3A_95 = arith.index_cast %scan3A_58 : i32 to index
        %get3A_96 = arith.constant 32 : index
        %get3A_97 = tpu.vector_load %arg10[%get3A_95, %get3A_96] {strides = array<i32>} : memref<80x128xf32, #tpu.memory_space<vmem>>, vector<1x16xf32>,
        %get3A_98 = vector.shape_cast %get3A_97 : vector<1x16xf32> to vector<16xf32>
        %add3A_99 = arith.addf %get3A_94, %get3A_98 : vector<16xf32>
        %max3A_100 = arith.constant 0.000000e+00 : f32
        %max3A_101 = vector.broadcast %max3A_100 : f32 to vector<16xf32>
        %max3A_102 = arith.maximumf %add3A_99, %max3A_101 : vector<16xf32>
        %swap3A_103 = arith.index_cast %scan3A_58 : i32 to index
        %swap3A_104 = arith.constant 32 : index
        %swap3A_105 = tpu.vector_load %arg9[%swap3A_103, %swap3A_104] {strides = array<i32>} : memref<80x128xf32, #tpu.memory_space<vmem>>, vector<1x16xf32>,
        %swap3A_106 = vector.shape_cast %swap3A_105 : vector<1x16xf32> to vector<16xf32>
        %swap3A_107 = vector.shape_cast %max3A_102 : vector<16xf32> to vector<1x16xf32>
        tpu.vector_store %arg9[%swap3A_103, %swap3A_104], %swap3A_107 {strides = array<i32>} : memref<80x128xf32, #tpu.memory_space<vmem>>, vector<1x16xf32>,
        %get3A_108 = arith.index_cast %scan3A_58 : i32 to index
        %get3A_109 = arith.constant 48 : index
        %get3A_110 = tpu.vector_load %arg9[%get3A_108, %get3A_109] {strides = array<i32>} : memref<80x128xf32, #tpu.memory_space<vmem>>, vector<1x16xf32>,
        %get3A_111 = vector.shape_cast %get3A_110 : vector<1x16xf32> to vector<16xf32>
        %get3A_112 = arith.index_cast %scan3A_58 : i32 to index
        %get3A_113 = arith.constant 48 : index
        %get3A_114 = tpu.vector_load %arg10[%get3A_112, %get3A_113] {strides = array<i32>} : memref<80x128xf32, #tpu.memory_space<vmem>>, vector<1x16xf32>,
        %get3A_115 = vector.shape_cast %get3A_114 : vector<1x16xf32> to vector<16xf32>
        %add3A_116 = arith.addf %get3A_111, %get3A_115 : vector<16xf32>
        %max3A_117 = arith.constant 0.000000e+00 : f32
        %max3A_118 = vector.broadcast %max3A_117 : f32 to vector<16xf32>
        %max3A_119 = arith.maximumf %add3A_116, %max3A_118 : vector<16xf32>
        %swap3A_120 = arith.index_cast %scan3A_58 : i32 to index
        %swap3A_121 = arith.constant 48 : index
        %swap3A_122 = tpu.vector_load %arg9[%swap3A_120, %swap3A_121] {strides = array<i32>} : memref<80x128xf32, #tpu.memory_space<vmem>>, vector<1x16xf32>,
        %swap3A_123 = vector.shape_cast %swap3A_122 : vector<1x16xf32> to vector<16xf32>
        %swap3A_124 = vector.shape_cast %max3A_119 : vector<16xf32> to vector<1x16xf32>
        tpu.vector_store %arg9[%swap3A_120, %swap3A_121], %swap3A_124 {strides = array<i32>} : memref<80x128xf32, #tpu.memory_space<vmem>>, vector<1x16xf32>,
        %get3A_125 = arith.index_cast %scan3A_58 : i32 to index
        %get3A_126 = arith.constant 64 : index
        %get3A_127 = tpu.vector_load %arg9[%get3A_125, %get3A_126] {strides = array<i32>} : memref<80x128xf32, #tpu.memory_space<vmem>>, vector<1x16xf32>,
        %get3A_128 = vector.shape_cast %get3A_127 : vector<1x16xf32> to vector<16xf32>
        %get3A_129 = arith.index_cast %scan3A_58 : i32 to index
        %get3A_130 = arith.constant 64 : index
        %get3A_131 = tpu.vector_load %arg10[%get3A_129, %get3A_130] {strides = array<i32>} : memref<80x128xf32, #tpu.memory_space<vmem>>, vector<1x16xf32>,
        %get3A_132 = vector.shape_cast %get3A_131 : vector<1x16xf32> to vector<16xf32>
        %add3A_133 = arith.addf %get3A_128, %get3A_132 : vector<16xf32>
        %max3A_134 = arith.constant 0.000000e+00 : f32
        %max3A_135 = vector.broadcast %max3A_134 : f32 to vector<16xf32>
        %max3A_136 = arith.maximumf %add3A_133, %max3A_135 : vector<16xf32>
        %swap3A_137 = arith.index_cast %scan3A_58 : i32 to index
        %swap3A_138 = arith.constant 64 : index
        %swap3A_139 = tpu.vector_load %arg9[%swap3A_137, %swap3A_138] {strides = array<i32>} : memref<80x128xf32, #tpu.memory_space<vmem>>, vector<1x16xf32>,
        %swap3A_140 = vector.shape_cast %swap3A_139 : vector<1x16xf32> to vector<16xf32>
        %swap3A_141 = vector.shape_cast %max3A_136 : vector<16xf32> to vector<1x16xf32>
        tpu.vector_store %arg9[%swap3A_137, %swap3A_138], %swap3A_141 {strides = array<i32>} : memref<80x128xf32, #tpu.memory_space<vmem>>, vector<1x16xf32>,
        %get3A_142 = arith.index_cast %scan3A_58 : i32 to index
        %get3A_143 = arith.constant 80 : index
        %get3A_144 = tpu.vector_load %arg9[%get3A_142, %get3A_143] {strides = array<i32>} : memref<80x128xf32, #tpu.memory_space<vmem>>, vector<1x16xf32>,
        %get3A_145 = vector.shape_cast %get3A_144 : vector<1x16xf32> to vector<16xf32>
        %get3A_146 = arith.index_cast %scan3A_58 : i32 to index
        %get3A_147 = arith.constant 80 : index
        %get3A_148 = tpu.vector_load %arg10[%get3A_146, %get3A_147] {strides = array<i32>} : memref<80x128xf32, #tpu.memory_space<vmem>>, vector<1x16xf32>,
        %get3A_149 = vector.shape_cast %get3A_148 : vector<1x16xf32> to vector<16xf32>
        %add3A_150 = arith.addf %get3A_145, %get3A_149 : vector<16xf32>
        %max3A_151 = arith.constant 0.000000e+00 : f32
        %max3A_152 = vector.broadcast %max3A_151 : f32 to vector<16xf32>
        %max3A_153 = arith.maximumf %add3A_150, %max3A_152 : vector<16xf32>
        %swap3A_154 = arith.index_cast %scan3A_58 : i32 to index
        %swap3A_155 = arith.constant 80 : index
        %swap3A_156 = tpu.vector_load %arg9[%swap3A_154, %swap3A_155] {strides = array<i32>} : memref<80x128xf32, #tpu.memory_space<vmem>>, vector<1x16xf32>,
        %swap3A_157 = vector.shape_cast %swap3A_156 : vector<1x16xf32> to vector<16xf32>
        %swap3A_158 = vector.shape_cast %max3A_153 : vector<16xf32> to vector<1x16xf32>
        tpu.vector_store %arg9[%swap3A_154, %swap3A_155], %swap3A_158 {strides = array<i32>} : memref<80x128xf32, #tpu.memory_space<vmem>>, vector<1x16xf32>,
        %get3A_159 = arith.index_cast %scan3A_58 : i32 to index
        %get3A_160 = arith.constant 96 : index
        %get3A_161 = tpu.vector_load %arg9[%get3A_159, %get3A_160] {strides = array<i32>} : memref<80x128xf32, #tpu.memory_space<vmem>>, vector<1x16xf32>,
        %get3A_162 = vector.shape_cast %get3A_161 : vector<1x16xf32> to vector<16xf32>
        %get3A_163 = arith.index_cast %scan3A_58 : i32 to index
        %get3A_164 = arith.constant 96 : index
        %get3A_165 = tpu.vector_load %arg10[%get3A_163, %get3A_164] {strides = array<i32>} : memref<80x128xf32, #tpu.memory_space<vmem>>, vector<1x16xf32>,
        %get3A_166 = vector.shape_cast %get3A_165 : vector<1x16xf32> to vector<16xf32>
        %add3A_167 = arith.addf %get3A_162, %get3A_166 : vector<16xf32>
        %max3A_168 = arith.constant 0.000000e+00 : f32
        %max3A_169 = vector.broadcast %max3A_168 : f32 to vector<16xf32>
        %max3A_170 = arith.maximumf %add3A_167, %max3A_169 : vector<16xf32>
        %swap3A_171 = arith.index_cast %scan3A_58 : i32 to index
        %swap3A_172 = arith.constant 96 : index
        %swap3A_173 = tpu.vector_load %arg9[%swap3A_171, %swap3A_172] {strides = array<i32>} : memref<80x128xf32, #tpu.memory_space<vmem>>, vector<1x16xf32>,
        %swap3A_174 = vector.shape_cast %swap3A_173 : vector<1x16xf32> to vector<16xf32>
        %swap3A_175 = vector.shape_cast %max3A_170 : vector<16xf32> to vector<1x16xf32>
        tpu.vector_store %arg9[%swap3A_171, %swap3A_172], %swap3A_175 {strides = array<i32>} : memref<80x128xf32, #tpu.memory_space<vmem>>, vector<1x16xf32>,
        %get3A_176 = arith.index_cast %scan3A_58 : i32 to index
        %get3A_177 = arith.constant 112 : index
        %get3A_178 = tpu.vector_load %arg9[%get3A_176, %get3A_177] {strides = array<i32>} : memref<80x128xf32, #tpu.memory_space<vmem>>, vector<1x16xf32>,
        %get3A_179 = vector.shape_cast %get3A_178 : vector<1x16xf32> to vector<16xf32>
        %get3A_180 = arith.index_cast %scan3A_58 : i32 to index
        %get3A_181 = arith.constant 112 : index
        %get3A_182 = tpu.vector_load %arg10[%get3A_180, %get3A_181] {strides = array<i32>} : memref<80x128xf32, #tpu.memory_space<vmem>>, vector<1x16xf32>,
        %get3A_183 = vector.shape_cast %get3A_182 : vector<1x16xf32> to vector<16xf32>
        %add3A_184 = arith.addf %get3A_179, %get3A_183 : vector<16xf32>
        %max3A_185 = arith.constant 0.000000e+00 : f32
        %max3A_186 = vector.broadcast %max3A_185 : f32 to vector<16xf32>
        %max3A_187 = arith.maximumf %add3A_184, %max3A_186 : vector<16xf32>
        %swap3A_188 = arith.index_cast %scan3A_58 : i32 to index
        %swap3A_189 = arith.constant 112 : index
        %swap3A_190 = tpu.vector_load %arg9[%swap3A_188, %swap3A_189] {strides = array<i32>} : memref<80x128xf32, #tpu.memory_space<vmem>>, vector<1x16xf32>,
        %swap3A_191 = vector.shape_cast %swap3A_190 : vector<1x16xf32> to vector<16xf32>
        %swap3A_192 = vector.shape_cast %max3A_187 : vector<16xf32> to vector<1x16xf32>
        tpu.vector_store %arg9[%swap3A_188, %swap3A_189], %swap3A_192 {strides = array<i32>} : memref<80x128xf32, #tpu.memory_space<vmem>>, vector<1x16xf32>,
        %scan3A_193 = arith.constant 0 : i32
        scf.yield %scan3A_193 : i32
      }
      %scan3A_56 = arith.constant 80 : i32
      "tpu.region"() ({
        %run_scoped3A = tpu.sem_alloc : memref<!tpu.dma_semaphore, #tpu.memory_space<semaphore_mem>>
        %dma_start3A_58 = arith.constant 0 : i32
        %dma_start3A_59 = arith.constant 0 : i32
        %dma_start3A_60 = tpu.memref_slice %arg12[%dma_start3A_58, %dma_start3A_59] : memref<10240x128xf32, #tpu.memory_space<vmem_shared>> -> memref<10240x128xf32, #tpu.memory_space<vmem_shared>>
        tpu.enqueue_indirect_dma source(%arg9 : memref<80x128xf32, #tpu.memory_space<vmem>>) target(%dma_start3A_60 : memref<10240x128xf32, #tpu.memory_space<vmem_shared>>) offsets(%arg8 : memref<80xi32, #tpu.memory_space<vmem>>) semaphore(%run_scoped3A : memref<!tpu.dma_semaphore, #tpu.memory_space<semaphore_mem>>) {add = true}
        %dma_wait3A_61 = arith.constant 0 : i32
        %dma_wait3A_62 = arith.constant 0 : i32
        %dma_wait3A_63 = tpu.memref_slice %arg12[%dma_wait3A_61, %dma_wait3A_62] : memref<10240x128xf32, #tpu.memory_space<vmem_shared>> -> memref<10240x128xf32, #tpu.memory_space<vmem_shared>>
        tpu.wait_indirect_dma semaphore(%run_scoped3A : memref<!tpu.dma_semaphore, #tpu.memory_space<semaphore_mem>>) src(%arg9 : memref<80x128xf32, #tpu.memory_space<vmem>>) dst(%dma_wait3A_63 : memref<10240x128xf32, #tpu.memory_space<vmem_shared>>)
        tpu.yield
      }) : () -> ()
      %scan3A_57 = arith.constant 0 : i32
      scf.yield %scan3A_57 : i32
    }
    %scan3A_35 = arith.constant 125 : i32
    %barrier3A_36 = arith.constant 0 : index
    tpu.barrier barrier_id(%barrier3A_36)
    %mul3A_37 = arith.constant 640 : i32
    %mul3A_38 = arith.muli %arg1, %mul3A_37 : i32
    %mul3A_39 = arith.constant 640 : i32
    %mul3A_40 = arith.muli %arg1, %mul3A_39 : i32
    "tpu.region"() ({
      %run_scoped3A = tpu.sem_alloc : memref<!tpu.dma_semaphore, #tpu.memory_space<semaphore_mem>>
      %dma_start3A = arith.constant 0 : i32
      %dma_start3A_41 = tpu.memref_slice %arg6[%arg0, %mul3A_40, %dma_start3A] : memref<2x10240x128xf32, #tpu.memory_space<hbm>> -> memref<1x640x128xf32, #tpu.memory_space<hbm>>
      %dma_start3A_42 = tpu.memref_squeeze %dma_start3A_41 : memref<1x640x128xf32, #tpu.memory_space<hbm>> -> memref<640x128xf32, #tpu.memory_space<hbm>>
      %dma_start3A_43 = arith.constant 0 : i32
      %dma_start3A_44 = tpu.memref_slice %arg12[%mul3A_38, %dma_start3A_43] : memref<10240x128xf32, #tpu.memory_space<vmem_shared>> -> memref<640x128xf32, #tpu.memory_space<vmem_shared>>
      tpu.enqueue_dma source(%dma_start3A_44 : memref<640x128xf32, #tpu.memory_space<vmem_shared>>) target(%dma_start3A_42 : memref<640x128xf32, #tpu.memory_space<hbm>>) target_semaphore(%run_scoped3A : memref<!tpu.dma_semaphore, #tpu.memory_space<semaphore_mem>>)
      %dma_wait3A = arith.constant 0 : i32
      %dma_wait3A_45 = tpu.memref_slice %arg6[%arg0, %mul3A_40, %dma_wait3A] : memref<2x10240x128xf32, #tpu.memory_space<hbm>> -> memref<1x640x128xf32, #tpu.memory_space<hbm>>
      %dma_wait3A_46 = tpu.memref_squeeze %dma_wait3A_45 : memref<1x640x128xf32, #tpu.memory_space<hbm>> -> memref<640x128xf32, #tpu.memory_space<hbm>>
      %dma_wait3A_47 = arith.constant 0 : i32
      %dma_wait3A_48 = tpu.memref_slice %arg12[%mul3A_38, %dma_wait3A_47] : memref<10240x128xf32, #tpu.memory_space<vmem_shared>> -> memref<640x128xf32, #tpu.memory_space<vmem_shared>>
      tpu.wait_dma2 semaphore(%run_scoped3A : memref<!tpu.dma_semaphore, #tpu.memory_space<semaphore_mem>>) src(%dma_wait3A_48 : memref<640x128xf32, #tpu.memory_space<vmem_shared>>) dst(%dma_wait3A_46 : memref<640x128xf32, #tpu.memory_space<hbm>>)
      tpu.yield
    }) : () -> ()
    return
  }
}

#map = affine_map<(d0, d1) -> (0, 0)>
#map1 = affine_map<(d0, d1) -> (0)>
#map2 = affine_map<(d0, d1) -> (0, 0, 0)>
module attributes {stable_mosaic.version = 14 : i64} {
  func.func @_sc_agg_body(%arg0: i32, %arg1: i32, %arg2: memref<10000x128xf32, #tpu.memory_space<hbm>>, %arg3: memref<320000x128xf32, #tpu.memory_space<hbm>>, %arg4: memref<320000xi32, #tpu.memory_space<hbm>>, %arg5: memref<320000xi32, #tpu.memory_space<hbm>>, %arg6: memref<2x10240x128xf32, #tpu.memory_space<hbm>>, %arg7: memref<80xi32, #tpu.memory_space<vmem>>, %arg8: memref<80xi32, #tpu.memory_space<vmem>>, %arg9: memref<80x128xf32, #tpu.memory_space<vmem>>, %arg10: memref<80x128xf32, #tpu.memory_space<vmem>>, %arg11: memref<128x128xf32, #tpu.memory_space<vmem>>, %arg12: memref<10240x128xf32, #tpu.memory_space<vmem_shared>>, %arg13: memref<!tpu.dma_semaphore, #tpu.memory_space<semaphore_mem>>) attributes {dimension_semantics = [#tpu.dimension_semantics<core_parallel>, #tpu.dimension_semantics<subcore_parallel>], iteration_bounds = array<i64: 2, 16>, scalar_prefetch = 0 : i64, scratch_operands = 7 : i64, tpu.core_type = #tpu.core_type<sc_vector_subcore>, window_params = [{transform_indices = #map}, {transform_indices = #map}, {transform_indices = #map1}, {transform_indices = #map1}, {transform_indices = #map2}]} {
    %mul3A = arith.constant 16 : i32
    %mul3A_0 = arith.muli %arg0, %mul3A : i32
    %add3A = arith.addi %mul3A_0, %arg1 : i32
    %scan3A = arith.constant 0 : i32
    %scan3A_1 = arith.constant 0 : i32
    %scan3A_2 = arith.constant 128 : i32
    %scan3A_3 = arith.addi %scan3A_1, %scan3A_2 : i32
    %scan3A_4 = arith.constant 1 : i32
    %scan3A_5 = scf.for %scan3A_41 = %scan3A_1 to %scan3A_3 step %scan3A_4 iter_args(%scan3A_42 = %scan3A) -> (i32)  : i32 {
      %broadcast_in_dim3A = arith.constant 0.000000e+00 : f32
      %broadcast_in_dim3A_43 = vector.broadcast %broadcast_in_dim3A : f32 to vector<16xf32>
      %swap3A = arith.index_cast %scan3A_41 : i32 to index
      %swap3A_44 = arith.constant 0 : index
      %swap3A_45 = tpu.vector_load %arg11[%swap3A, %swap3A_44] {strides = array<i32>} : memref<128x128xf32, #tpu.memory_space<vmem>>, vector<1x16xf32>,
      %swap3A_46 = vector.shape_cast %swap3A_45 : vector<1x16xf32> to vector<16xf32>
      %swap3A_47 = vector.shape_cast %broadcast_in_dim3A_43 : vector<16xf32> to vector<1x16xf32>
      tpu.vector_store %arg11[%swap3A, %swap3A_44], %swap3A_47 {strides = array<i32>} : memref<128x128xf32, #tpu.memory_space<vmem>>, vector<1x16xf32>,
      %broadcast_in_dim3A_48 = arith.constant 0.000000e+00 : f32
      %broadcast_in_dim3A_49 = vector.broadcast %broadcast_in_dim3A_48 : f32 to vector<16xf32>
      %swap3A_50 = arith.index_cast %scan3A_41 : i32 to index
      %swap3A_51 = arith.constant 16 : index
      %swap3A_52 = tpu.vector_load %arg11[%swap3A_50, %swap3A_51] {strides = array<i32>} : memref<128x128xf32, #tpu.memory_space<vmem>>, vector<1x16xf32>,
      %swap3A_53 = vector.shape_cast %swap3A_52 : vector<1x16xf32> to vector<16xf32>
      %swap3A_54 = vector.shape_cast %broadcast_in_dim3A_49 : vector<16xf32> to vector<1x16xf32>
      tpu.vector_store %arg11[%swap3A_50, %swap3A_51], %swap3A_54 {strides = array<i32>} : memref<128x128xf32, #tpu.memory_space<vmem>>, vector<1x16xf32>,
      %broadcast_in_dim3A_55 = arith.constant 0.000000e+00 : f32
      %broadcast_in_dim3A_56 = vector.broadcast %broadcast_in_dim3A_55 : f32 to vector<16xf32>
      %swap3A_57 = arith.index_cast %scan3A_41 : i32 to index
      %swap3A_58 = arith.constant 32 : index
      %swap3A_59 = tpu.vector_load %arg11[%swap3A_57, %swap3A_58] {strides = array<i32>} : memref<128x128xf32, #tpu.memory_space<vmem>>, vector<1x16xf32>,
      %swap3A_60 = vector.shape_cast %swap3A_59 : vector<1x16xf32> to vector<16xf32>
      %swap3A_61 = vector.shape_cast %broadcast_in_dim3A_56 : vector<16xf32> to vector<1x16xf32>
      tpu.vector_store %arg11[%swap3A_57, %swap3A_58], %swap3A_61 {strides = array<i32>} : memref<128x128xf32, #tpu.memory_space<vmem>>, vector<1x16xf32>,
      %broadcast_in_dim3A_62 = arith.constant 0.000000e+00 : f32
      %broadcast_in_dim3A_63 = vector.broadcast %broadcast_in_dim3A_62 : f32 to vector<16xf32>
      %swap3A_64 = arith.index_cast %scan3A_41 : i32 to index
      %swap3A_65 = arith.constant 48 : index
      %swap3A_66 = tpu.vector_load %arg11[%swap3A_64, %swap3A_65] {strides = array<i32>} : memref<128x128xf32, #tpu.memory_space<vmem>>, vector<1x16xf32>,
      %swap3A_67 = vector.shape_cast %swap3A_66 : vector<1x16xf32> to vector<16xf32>
      %swap3A_68 = vector.shape_cast %broadcast_in_dim3A_63 : vector<16xf32> to vector<1x16xf32>
      tpu.vector_store %arg11[%swap3A_64, %swap3A_65], %swap3A_68 {strides = array<i32>} : memref<128x128xf32, #tpu.memory_space<vmem>>, vector<1x16xf32>,
      %broadcast_in_dim3A_69 = arith.constant 0.000000e+00 : f32
      %broadcast_in_dim3A_70 = vector.broadcast %broadcast_in_dim3A_69 : f32 to vector<16xf32>
      %swap3A_71 = arith.index_cast %scan3A_41 : i32 to index
      %swap3A_72 = arith.constant 64 : index
      %swap3A_73 = tpu.vector_load %arg11[%swap3A_71, %swap3A_72] {strides = array<i32>} : memref<128x128xf32, #tpu.memory_space<vmem>>, vector<1x16xf32>,
      %swap3A_74 = vector.shape_cast %swap3A_73 : vector<1x16xf32> to vector<16xf32>
      %swap3A_75 = vector.shape_cast %broadcast_in_dim3A_70 : vector<16xf32> to vector<1x16xf32>
      tpu.vector_store %arg11[%swap3A_71, %swap3A_72], %swap3A_75 {strides = array<i32>} : memref<128x128xf32, #tpu.memory_space<vmem>>, vector<1x16xf32>,
      %broadcast_in_dim3A_76 = arith.constant 0.000000e+00 : f32
      %broadcast_in_dim3A_77 = vector.broadcast %broadcast_in_dim3A_76 : f32 to vector<16xf32>
      %swap3A_78 = arith.index_cast %scan3A_41 : i32 to index
      %swap3A_79 = arith.constant 80 : index
      %swap3A_80 = tpu.vector_load %arg11[%swap3A_78, %swap3A_79] {strides = array<i32>} : memref<128x128xf32, #tpu.memory_space<vmem>>, vector<1x16xf32>,
      %swap3A_81 = vector.shape_cast %swap3A_80 : vector<1x16xf32> to vector<16xf32>
      %swap3A_82 = vector.shape_cast %broadcast_in_dim3A_77 : vector<16xf32> to vector<1x16xf32>
      tpu.vector_store %arg11[%swap3A_78, %swap3A_79], %swap3A_82 {strides = array<i32>} : memref<128x128xf32, #tpu.memory_space<vmem>>, vector<1x16xf32>,
      %broadcast_in_dim3A_83 = arith.constant 0.000000e+00 : f32
      %broadcast_in_dim3A_84 = vector.broadcast %broadcast_in_dim3A_83 : f32 to vector<16xf32>
      %swap3A_85 = arith.index_cast %scan3A_41 : i32 to index
      %swap3A_86 = arith.constant 96 : index
      %swap3A_87 = tpu.vector_load %arg11[%swap3A_85, %swap3A_86] {strides = array<i32>} : memref<128x128xf32, #tpu.memory_space<vmem>>, vector<1x16xf32>,
      %swap3A_88 = vector.shape_cast %swap3A_87 : vector<1x16xf32> to vector<16xf32>
      %swap3A_89 = vector.shape_cast %broadcast_in_dim3A_84 : vector<16xf32> to vector<1x16xf32>
      tpu.vector_store %arg11[%swap3A_85, %swap3A_86], %swap3A_89 {strides = array<i32>} : memref<128x128xf32, #tpu.memory_space<vmem>>, vector<1x16xf32>,
      %broadcast_in_dim3A_90 = arith.constant 0.000000e+00 : f32
      %broadcast_in_dim3A_91 = vector.broadcast %broadcast_in_dim3A_90 : f32 to vector<16xf32>
      %swap3A_92 = arith.index_cast %scan3A_41 : i32 to index
      %swap3A_93 = arith.constant 112 : index
      %swap3A_94 = tpu.vector_load %arg11[%swap3A_92, %swap3A_93] {strides = array<i32>} : memref<128x128xf32, #tpu.memory_space<vmem>>, vector<1x16xf32>,
      %swap3A_95 = vector.shape_cast %swap3A_94 : vector<1x16xf32> to vector<16xf32>
      %swap3A_96 = vector.shape_cast %broadcast_in_dim3A_91 : vector<16xf32> to vector<1x16xf32>
      tpu.vector_store %arg11[%swap3A_92, %swap3A_93], %swap3A_96 {strides = array<i32>} : memref<128x128xf32, #tpu.memory_space<vmem>>, vector<1x16xf32>,
      %scan3A_97 = arith.constant 0 : i32
      scf.yield %scan3A_97 : i32
    }
    %scan3A_6 = arith.constant 128 : i32
    %mul3A_7 = arith.constant 640 : i32
    %mul3A_8 = arith.muli %arg1, %mul3A_7 : i32
    %add3A_9 = arith.constant 0 : i32
    %add3A_10 = arith.addi %mul3A_8, %add3A_9 : i32
    "tpu.region"() ({
      %run_scoped3A = tpu.sem_alloc : memref<!tpu.dma_semaphore, #tpu.memory_space<semaphore_mem>>
      %dma_start3A = arith.constant 0 : i32
      %dma_start3A_41 = tpu.memref_slice %arg12[%add3A_10, %dma_start3A] : memref<10240x128xf32, #tpu.memory_space<vmem_shared>> -> memref<128x128xf32, #tpu.memory_space<vmem_shared>>
      %dma_start3A_42 = arith.constant 0 : i32
      %dma_start3A_43 = tpu.memref_slice %arg12[%add3A_10, %dma_start3A_42] : memref<10240x128xf32, #tpu.memory_space<vmem_shared>> -> memref<128x128xf32, #tpu.memory_space<vmem_shared>>
      tpu.enqueue_dma source(%arg11 : memref<128x128xf32, #tpu.memory_space<vmem>>) target(%dma_start3A_43 : memref<128x128xf32, #tpu.memory_space<vmem_shared>>) target_semaphore(%run_scoped3A : memref<!tpu.dma_semaphore, #tpu.memory_space<semaphore_mem>>)
      %dma_wait3A = arith.constant 0 : i32
      %dma_wait3A_44 = tpu.memref_slice %arg12[%add3A_10, %dma_wait3A] : memref<10240x128xf32, #tpu.memory_space<vmem_shared>> -> memref<128x128xf32, #tpu.memory_space<vmem_shared>>
      %dma_wait3A_45 = arith.constant 0 : i32
      %dma_wait3A_46 = tpu.memref_slice %arg12[%add3A_10, %dma_wait3A_45] : memref<10240x128xf32, #tpu.memory_space<vmem_shared>> -> memref<128x128xf32, #tpu.memory_space<vmem_shared>>
      tpu.wait_dma2 semaphore(%run_scoped3A : memref<!tpu.dma_semaphore, #tpu.memory_space<semaphore_mem>>) src(%arg11 : memref<128x128xf32, #tpu.memory_space<vmem>>) dst(%dma_wait3A_46 : memref<128x128xf32, #tpu.memory_space<vmem_shared>>)
      tpu.yield
    }) : () -> ()
    %mul3A_11 = arith.constant 640 : i32
    %mul3A_12 = arith.muli %arg1, %mul3A_11 : i32
    %add3A_13 = arith.constant 128 : i32
    %add3A_14 = arith.addi %mul3A_12, %add3A_13 : i32
    "tpu.region"() ({
      %run_scoped3A = tpu.sem_alloc : memref<!tpu.dma_semaphore, #tpu.memory_space<semaphore_mem>>
      %dma_start3A = arith.constant 0 : i32
      %dma_start3A_41 = tpu.memref_slice %arg12[%add3A_14, %dma_start3A] : memref<10240x128xf32, #tpu.memory_space<vmem_shared>> -> memref<128x128xf32, #tpu.memory_space<vmem_shared>>
      %dma_start3A_42 = arith.constant 0 : i32
      %dma_start3A_43 = tpu.memref_slice %arg12[%add3A_14, %dma_start3A_42] : memref<10240x128xf32, #tpu.memory_space<vmem_shared>> -> memref<128x128xf32, #tpu.memory_space<vmem_shared>>
      tpu.enqueue_dma source(%arg11 : memref<128x128xf32, #tpu.memory_space<vmem>>) target(%dma_start3A_43 : memref<128x128xf32, #tpu.memory_space<vmem_shared>>) target_semaphore(%run_scoped3A : memref<!tpu.dma_semaphore, #tpu.memory_space<semaphore_mem>>)
      %dma_wait3A = arith.constant 0 : i32
      %dma_wait3A_44 = tpu.memref_slice %arg12[%add3A_14, %dma_wait3A] : memref<10240x128xf32, #tpu.memory_space<vmem_shared>> -> memref<128x128xf32, #tpu.memory_space<vmem_shared>>
      %dma_wait3A_45 = arith.constant 0 : i32
      %dma_wait3A_46 = tpu.memref_slice %arg12[%add3A_14, %dma_wait3A_45] : memref<10240x128xf32, #tpu.memory_space<vmem_shared>> -> memref<128x128xf32, #tpu.memory_space<vmem_shared>>
      tpu.wait_dma2 semaphore(%run_scoped3A : memref<!tpu.dma_semaphore, #tpu.memory_space<semaphore_mem>>) src(%arg11 : memref<128x128xf32, #tpu.memory_space<vmem>>) dst(%dma_wait3A_46 : memref<128x128xf32, #tpu.memory_space<vmem_shared>>)
      tpu.yield
    }) : () -> ()
    %mul3A_15 = arith.constant 640 : i32
    %mul3A_16 = arith.muli %arg1, %mul3A_15 : i32
    %add3A_17 = arith.constant 256 : i32
    %add3A_18 = arith.addi %mul3A_16, %add3A_17 : i32
    "tpu.region"() ({
      %run_scoped3A = tpu.sem_alloc : memref<!tpu.dma_semaphore, #tpu.memory_space<semaphore_mem>>
      %dma_start3A = arith.constant 0 : i32
      %dma_start3A_41 = tpu.memref_slice %arg12[%add3A_18, %dma_start3A] : memref<10240x128xf32, #tpu.memory_space<vmem_shared>> -> memref<128x128xf32, #tpu.memory_space<vmem_shared>>
      %dma_start3A_42 = arith.constant 0 : i32
      %dma_start3A_43 = tpu.memref_slice %arg12[%add3A_18, %dma_start3A_42] : memref<10240x128xf32, #tpu.memory_space<vmem_shared>> -> memref<128x128xf32, #tpu.memory_space<vmem_shared>>
      tpu.enqueue_dma source(%arg11 : memref<128x128xf32, #tpu.memory_space<vmem>>) target(%dma_start3A_43 : memref<128x128xf32, #tpu.memory_space<vmem_shared>>) target_semaphore(%run_scoped3A : memref<!tpu.dma_semaphore, #tpu.memory_space<semaphore_mem>>)
      %dma_wait3A = arith.constant 0 : i32
      %dma_wait3A_44 = tpu.memref_slice %arg12[%add3A_18, %dma_wait3A] : memref<10240x128xf32, #tpu.memory_space<vmem_shared>> -> memref<128x128xf32, #tpu.memory_space<vmem_shared>>
      %dma_wait3A_45 = arith.constant 0 : i32
      %dma_wait3A_46 = tpu.memref_slice %arg12[%add3A_18, %dma_wait3A_45] : memref<10240x128xf32, #tpu.memory_space<vmem_shared>> -> memref<128x128xf32, #tpu.memory_space<vmem_shared>>
      tpu.wait_dma2 semaphore(%run_scoped3A : memref<!tpu.dma_semaphore, #tpu.memory_space<semaphore_mem>>) src(%arg11 : memref<128x128xf32, #tpu.memory_space<vmem>>) dst(%dma_wait3A_46 : memref<128x128xf32, #tpu.memory_space<vmem_shared>>)
      tpu.yield
    }) : () -> ()
    %mul3A_19 = arith.constant 640 : i32
    %mul3A_20 = arith.muli %arg1, %mul3A_19 : i32
    %add3A_21 = arith.constant 384 : i32
    %add3A_22 = arith.addi %mul3A_20, %add3A_21 : i32
    "tpu.region"() ({
      %run_scoped3A = tpu.sem_alloc : memref<!tpu.dma_semaphore, #tpu.memory_space<semaphore_mem>>
      %dma_start3A = arith.constant 0 : i32
      %dma_start3A_41 = tpu.memref_slice %arg12[%add3A_22, %dma_start3A] : memref<10240x128xf32, #tpu.memory_space<vmem_shared>> -> memref<128x128xf32, #tpu.memory_space<vmem_shared>>
      %dma_start3A_42 = arith.constant 0 : i32
      %dma_start3A_43 = tpu.memref_slice %arg12[%add3A_22, %dma_start3A_42] : memref<10240x128xf32, #tpu.memory_space<vmem_shared>> -> memref<128x128xf32, #tpu.memory_space<vmem_shared>>
      tpu.enqueue_dma source(%arg11 : memref<128x128xf32, #tpu.memory_space<vmem>>) target(%dma_start3A_43 : memref<128x128xf32, #tpu.memory_space<vmem_shared>>) target_semaphore(%run_scoped3A : memref<!tpu.dma_semaphore, #tpu.memory_space<semaphore_mem>>)
      %dma_wait3A = arith.constant 0 : i32
      %dma_wait3A_44 = tpu.memref_slice %arg12[%add3A_22, %dma_wait3A] : memref<10240x128xf32, #tpu.memory_space<vmem_shared>> -> memref<128x128xf32, #tpu.memory_space<vmem_shared>>
      %dma_wait3A_45 = arith.constant 0 : i32
      %dma_wait3A_46 = tpu.memref_slice %arg12[%add3A_22, %dma_wait3A_45] : memref<10240x128xf32, #tpu.memory_space<vmem_shared>> -> memref<128x128xf32, #tpu.memory_space<vmem_shared>>
      tpu.wait_dma2 semaphore(%run_scoped3A : memref<!tpu.dma_semaphore, #tpu.memory_space<semaphore_mem>>) src(%arg11 : memref<128x128xf32, #tpu.memory_space<vmem>>) dst(%dma_wait3A_46 : memref<128x128xf32, #tpu.memory_space<vmem_shared>>)
      tpu.yield
    }) : () -> ()
    %mul3A_23 = arith.constant 640 : i32
    %mul3A_24 = arith.muli %arg1, %mul3A_23 : i32
    %add3A_25 = arith.constant 512 : i32
    %add3A_26 = arith.addi %mul3A_24, %add3A_25 : i32
    "tpu.region"() ({
      %run_scoped3A = tpu.sem_alloc : memref<!tpu.dma_semaphore, #tpu.memory_space<semaphore_mem>>
      %dma_start3A = arith.constant 0 : i32
      %dma_start3A_41 = tpu.memref_slice %arg12[%add3A_26, %dma_start3A] : memref<10240x128xf32, #tpu.memory_space<vmem_shared>> -> memref<128x128xf32, #tpu.memory_space<vmem_shared>>
      %dma_start3A_42 = arith.constant 0 : i32
      %dma_start3A_43 = tpu.memref_slice %arg12[%add3A_26, %dma_start3A_42] : memref<10240x128xf32, #tpu.memory_space<vmem_shared>> -> memref<128x128xf32, #tpu.memory_space<vmem_shared>>
      tpu.enqueue_dma source(%arg11 : memref<128x128xf32, #tpu.memory_space<vmem>>) target(%dma_start3A_43 : memref<128x128xf32, #tpu.memory_space<vmem_shared>>) target_semaphore(%run_scoped3A : memref<!tpu.dma_semaphore, #tpu.memory_space<semaphore_mem>>)
      %dma_wait3A = arith.constant 0 : i32
      %dma_wait3A_44 = tpu.memref_slice %arg12[%add3A_26, %dma_wait3A] : memref<10240x128xf32, #tpu.memory_space<vmem_shared>> -> memref<128x128xf32, #tpu.memory_space<vmem_shared>>
      %dma_wait3A_45 = arith.constant 0 : i32
      %dma_wait3A_46 = tpu.memref_slice %arg12[%add3A_26, %dma_wait3A_45] : memref<10240x128xf32, #tpu.memory_space<vmem_shared>> -> memref<128x128xf32, #tpu.memory_space<vmem_shared>>
      tpu.wait_dma2 semaphore(%run_scoped3A : memref<!tpu.dma_semaphore, #tpu.memory_space<semaphore_mem>>) src(%arg11 : memref<128x128xf32, #tpu.memory_space<vmem>>) dst(%dma_wait3A_46 : memref<128x128xf32, #tpu.memory_space<vmem_shared>>)
      tpu.yield
    }) : () -> ()
    %barrier3A = arith.constant 0 : index
    tpu.barrier barrier_id(%barrier3A)
    %mul3A_27 = arith.constant 10000 : i32
    %mul3A_28 = arith.muli %add3A, %mul3A_27 : i32
    %scan3A_29 = arith.constant 0 : i32
    %scan3A_30 = arith.constant 0 : i32
    %scan3A_31 = arith.constant 125 : i32
    %scan3A_32 = arith.addi %scan3A_30, %scan3A_31 : i32
    %scan3A_33 = arith.constant 1 : i32
    %scan3A_34 = scf.for %scan3A_41 = %scan3A_30 to %scan3A_32 step %scan3A_33 iter_args(%scan3A_42 = %scan3A_29) -> (i32)  : i32 {
      %mul3A_43 = arith.constant 80 : i32
      %mul3A_44 = arith.muli %scan3A_41, %mul3A_43 : i32
      %add3A_45 = arith.addi %mul3A_28, %mul3A_44 : i32
      "tpu.region"() ({
        %run_scoped3A = tpu.sem_alloc : memref<!tpu.dma_semaphore, #tpu.memory_space<semaphore_mem>>
        %dma_start3A_58 = tpu.memref_slice %arg4[%add3A_45] : memref<320000xi32, #tpu.memory_space<hbm>> -> memref<80xi32, #tpu.memory_space<hbm>>
        %dma_start3A_59 = tpu.memref_slice %arg4[%add3A_45] : memref<320000xi32, #tpu.memory_space<hbm>> -> memref<80xi32, #tpu.memory_space<hbm>>
        tpu.enqueue_dma source(%dma_start3A_59 : memref<80xi32, #tpu.memory_space<hbm>>) target(%arg7 : memref<80xi32, #tpu.memory_space<vmem>>) target_semaphore(%run_scoped3A : memref<!tpu.dma_semaphore, #tpu.memory_space<semaphore_mem>>)
        %dma_wait3A_60 = tpu.memref_slice %arg4[%add3A_45] : memref<320000xi32, #tpu.memory_space<hbm>> -> memref<80xi32, #tpu.memory_space<hbm>>
        %dma_wait3A_61 = tpu.memref_slice %arg4[%add3A_45] : memref<320000xi32, #tpu.memory_space<hbm>> -> memref<80xi32, #tpu.memory_space<hbm>>
        tpu.wait_dma2 semaphore(%run_scoped3A : memref<!tpu.dma_semaphore, #tpu.memory_space<semaphore_mem>>) src(%dma_wait3A_61 : memref<80xi32, #tpu.memory_space<hbm>>) dst(%arg7 : memref<80xi32, #tpu.memory_space<vmem>>)
        tpu.yield
      }) : () -> ()
      "tpu.region"() ({
        %run_scoped3A = tpu.sem_alloc : memref<!tpu.dma_semaphore, #tpu.memory_space<semaphore_mem>>
        %dma_start3A_58 = tpu.memref_slice %arg5[%add3A_45] : memref<320000xi32, #tpu.memory_space<hbm>> -> memref<80xi32, #tpu.memory_space<hbm>>
        %dma_start3A_59 = tpu.memref_slice %arg5[%add3A_45] : memref<320000xi32, #tpu.memory_space<hbm>> -> memref<80xi32, #tpu.memory_space<hbm>>
        tpu.enqueue_dma source(%dma_start3A_59 : memref<80xi32, #tpu.memory_space<hbm>>) target(%arg8 : memref<80xi32, #tpu.memory_space<vmem>>) target_semaphore(%run_scoped3A : memref<!tpu.dma_semaphore, #tpu.memory_space<semaphore_mem>>)
        %dma_wait3A_60 = tpu.memref_slice %arg5[%add3A_45] : memref<320000xi32, #tpu.memory_space<hbm>> -> memref<80xi32, #tpu.memory_space<hbm>>
        %dma_wait3A_61 = tpu.memref_slice %arg5[%add3A_45] : memref<320000xi32, #tpu.memory_space<hbm>> -> memref<80xi32, #tpu.memory_space<hbm>>
        tpu.wait_dma2 semaphore(%run_scoped3A : memref<!tpu.dma_semaphore, #tpu.memory_space<semaphore_mem>>) src(%dma_wait3A_61 : memref<80xi32, #tpu.memory_space<hbm>>) dst(%arg8 : memref<80xi32, #tpu.memory_space<vmem>>)
        tpu.yield
      }) : () -> ()
      "tpu.region"() ({
        %run_scoped3A = tpu.sem_alloc : memref<!tpu.dma_semaphore, #tpu.memory_space<semaphore_mem>>
        %dma_start3A_58 = arith.constant 0 : i32
        %dma_start3A_59 = tpu.memref_slice %arg3[%add3A_45, %dma_start3A_58] : memref<320000x128xf32, #tpu.memory_space<hbm>> -> memref<80x128xf32, #tpu.memory_space<hbm>>
        %dma_start3A_60 = arith.constant 0 : i32
        %dma_start3A_61 = tpu.memref_slice %arg3[%add3A_45, %dma_start3A_60] : memref<320000x128xf32, #tpu.memory_space<hbm>> -> memref<80x128xf32, #tpu.memory_space<hbm>>
        tpu.enqueue_dma source(%dma_start3A_61 : memref<80x128xf32, #tpu.memory_space<hbm>>) target(%arg10 : memref<80x128xf32, #tpu.memory_space<vmem>>) target_semaphore(%run_scoped3A : memref<!tpu.dma_semaphore, #tpu.memory_space<semaphore_mem>>)
        %dma_wait3A_62 = arith.constant 0 : i32
        %dma_wait3A_63 = tpu.memref_slice %arg3[%add3A_45, %dma_wait3A_62] : memref<320000x128xf32, #tpu.memory_space<hbm>> -> memref<80x128xf32, #tpu.memory_space<hbm>>
        %dma_wait3A_64 = arith.constant 0 : i32
        %dma_wait3A_65 = tpu.memref_slice %arg3[%add3A_45, %dma_wait3A_64] : memref<320000x128xf32, #tpu.memory_space<hbm>> -> memref<80x128xf32, #tpu.memory_space<hbm>>
        tpu.wait_dma2 semaphore(%run_scoped3A : memref<!tpu.dma_semaphore, #tpu.memory_space<semaphore_mem>>) src(%dma_wait3A_65 : memref<80x128xf32, #tpu.memory_space<hbm>>) dst(%arg10 : memref<80x128xf32, #tpu.memory_space<vmem>>)
        tpu.yield
      }) : () -> ()
      %dma_start3A = arith.constant 0 : i32
      %dma_start3A_46 = arith.constant 0 : i32
      %dma_start3A_47 = tpu.memref_slice %arg2[%dma_start3A, %dma_start3A_46] : memref<10000x128xf32, #tpu.memory_space<hbm>> -> memref<10000x128xf32, #tpu.memory_space<hbm>>
      tpu.enqueue_indirect_dma source(%dma_start3A_47 : memref<10000x128xf32, #tpu.memory_space<hbm>>) target(%arg9 : memref<80x128xf32, #tpu.memory_space<vmem>>) offsets(%arg7 : memref<80xi32, #tpu.memory_space<vmem>>) semaphore(%arg13 : memref<!tpu.dma_semaphore, #tpu.memory_space<semaphore_mem>>)
      %dma_wait3A = arith.constant 0 : i32
      %dma_wait3A_48 = arith.constant 0 : i32
      %dma_wait3A_49 = tpu.memref_slice %arg2[%dma_wait3A, %dma_wait3A_48] : memref<10000x128xf32, #tpu.memory_space<hbm>> -> memref<10000x128xf32, #tpu.memory_space<hbm>>
      tpu.wait_indirect_dma semaphore(%arg13 : memref<!tpu.dma_semaphore, #tpu.memory_space<semaphore_mem>>) src(%dma_wait3A_49 : memref<10000x128xf32, #tpu.memory_space<hbm>>) dst(%arg9 : memref<80x128xf32, #tpu.memory_space<vmem>>)
      %scan3A_50 = arith.constant 0 : i32
      %scan3A_51 = arith.constant 0 : i32
      %scan3A_52 = arith.constant 80 : i32
      %scan3A_53 = arith.addi %scan3A_51, %scan3A_52 : i32
      %scan3A_54 = arith.constant 1 : i32
      %scan3A_55 = scf.for %scan3A_58 = %scan3A_51 to %scan3A_53 step %scan3A_54 iter_args(%scan3A_59 = %scan3A_50) -> (i32)  : i32 {
        %get3A = arith.index_cast %scan3A_58 : i32 to index
        %get3A_60 = arith.constant 0 : index
        %get3A_61 = tpu.vector_load %arg9[%get3A, %get3A_60] {strides = array<i32>} : memref<80x128xf32, #tpu.memory_space<vmem>>, vector<1x16xf32>,
        %get3A_62 = vector.shape_cast %get3A_61 : vector<1x16xf32> to vector<16xf32>
        %get3A_63 = arith.index_cast %scan3A_58 : i32 to index
        %get3A_64 = arith.constant 0 : index
        %get3A_65 = tpu.vector_load %arg10[%get3A_63, %get3A_64] {strides = array<i32>} : memref<80x128xf32, #tpu.memory_space<vmem>>, vector<1x16xf32>,
        %get3A_66 = vector.shape_cast %get3A_65 : vector<1x16xf32> to vector<16xf32>
        %add3A_67 = arith.addf %get3A_62, %get3A_66 : vector<16xf32>
        %max3A = arith.constant 0.000000e+00 : f32
        %max3A_68 = vector.broadcast %max3A : f32 to vector<16xf32>
        %max3A_69 = arith.maximumf %add3A_67, %max3A_68 : vector<16xf32>
        %swap3A = arith.index_cast %scan3A_58 : i32 to index
        %swap3A_70 = arith.constant 0 : index
        %swap3A_71 = tpu.vector_load %arg9[%swap3A, %swap3A_70] {strides = array<i32>} : memref<80x128xf32, #tpu.memory_space<vmem>>, vector<1x16xf32>,
        %swap3A_72 = vector.shape_cast %swap3A_71 : vector<1x16xf32> to vector<16xf32>
        %swap3A_73 = vector.shape_cast %max3A_69 : vector<16xf32> to vector<1x16xf32>
        tpu.vector_store %arg9[%swap3A, %swap3A_70], %swap3A_73 {strides = array<i32>} : memref<80x128xf32, #tpu.memory_space<vmem>>, vector<1x16xf32>,
        %get3A_74 = arith.index_cast %scan3A_58 : i32 to index
        %get3A_75 = arith.constant 16 : index
        %get3A_76 = tpu.vector_load %arg9[%get3A_74, %get3A_75] {strides = array<i32>} : memref<80x128xf32, #tpu.memory_space<vmem>>, vector<1x16xf32>,
        %get3A_77 = vector.shape_cast %get3A_76 : vector<1x16xf32> to vector<16xf32>
        %get3A_78 = arith.index_cast %scan3A_58 : i32 to index
        %get3A_79 = arith.constant 16 : index
        %get3A_80 = tpu.vector_load %arg10[%get3A_78, %get3A_79] {strides = array<i32>} : memref<80x128xf32, #tpu.memory_space<vmem>>, vector<1x16xf32>,
        %get3A_81 = vector.shape_cast %get3A_80 : vector<1x16xf32> to vector<16xf32>
        %add3A_82 = arith.addf %get3A_77, %get3A_81 : vector<16xf32>
        %max3A_83 = arith.constant 0.000000e+00 : f32
        %max3A_84 = vector.broadcast %max3A_83 : f32 to vector<16xf32>
        %max3A_85 = arith.maximumf %add3A_82, %max3A_84 : vector<16xf32>
        %swap3A_86 = arith.index_cast %scan3A_58 : i32 to index
        %swap3A_87 = arith.constant 16 : index
        %swap3A_88 = tpu.vector_load %arg9[%swap3A_86, %swap3A_87] {strides = array<i32>} : memref<80x128xf32, #tpu.memory_space<vmem>>, vector<1x16xf32>,
        %swap3A_89 = vector.shape_cast %swap3A_88 : vector<1x16xf32> to vector<16xf32>
        %swap3A_90 = vector.shape_cast %max3A_85 : vector<16xf32> to vector<1x16xf32>
        tpu.vector_store %arg9[%swap3A_86, %swap3A_87], %swap3A_90 {strides = array<i32>} : memref<80x128xf32, #tpu.memory_space<vmem>>, vector<1x16xf32>,
        %get3A_91 = arith.index_cast %scan3A_58 : i32 to index
        %get3A_92 = arith.constant 32 : index
        %get3A_93 = tpu.vector_load %arg9[%get3A_91, %get3A_92] {strides = array<i32>} : memref<80x128xf32, #tpu.memory_space<vmem>>, vector<1x16xf32>,
        %get3A_94 = vector.shape_cast %get3A_93 : vector<1x16xf32> to vector<16xf32>
        %get3A_95 = arith.index_cast %scan3A_58 : i32 to index
        %get3A_96 = arith.constant 32 : index
        %get3A_97 = tpu.vector_load %arg10[%get3A_95, %get3A_96] {strides = array<i32>} : memref<80x128xf32, #tpu.memory_space<vmem>>, vector<1x16xf32>,
        %get3A_98 = vector.shape_cast %get3A_97 : vector<1x16xf32> to vector<16xf32>
        %add3A_99 = arith.addf %get3A_94, %get3A_98 : vector<16xf32>
        %max3A_100 = arith.constant 0.000000e+00 : f32
        %max3A_101 = vector.broadcast %max3A_100 : f32 to vector<16xf32>
        %max3A_102 = arith.maximumf %add3A_99, %max3A_101 : vector<16xf32>
        %swap3A_103 = arith.index_cast %scan3A_58 : i32 to index
        %swap3A_104 = arith.constant 32 : index
        %swap3A_105 = tpu.vector_load %arg9[%swap3A_103, %swap3A_104] {strides = array<i32>} : memref<80x128xf32, #tpu.memory_space<vmem>>, vector<1x16xf32>,
        %swap3A_106 = vector.shape_cast %swap3A_105 : vector<1x16xf32> to vector<16xf32>
        %swap3A_107 = vector.shape_cast %max3A_102 : vector<16xf32> to vector<1x16xf32>
        tpu.vector_store %arg9[%swap3A_103, %swap3A_104], %swap3A_107 {strides = array<i32>} : memref<80x128xf32, #tpu.memory_space<vmem>>, vector<1x16xf32>,
        %get3A_108 = arith.index_cast %scan3A_58 : i32 to index
        %get3A_109 = arith.constant 48 : index
        %get3A_110 = tpu.vector_load %arg9[%get3A_108, %get3A_109] {strides = array<i32>} : memref<80x128xf32, #tpu.memory_space<vmem>>, vector<1x16xf32>,
        %get3A_111 = vector.shape_cast %get3A_110 : vector<1x16xf32> to vector<16xf32>
        %get3A_112 = arith.index_cast %scan3A_58 : i32 to index
        %get3A_113 = arith.constant 48 : index
        %get3A_114 = tpu.vector_load %arg10[%get3A_112, %get3A_113] {strides = array<i32>} : memref<80x128xf32, #tpu.memory_space<vmem>>, vector<1x16xf32>,
        %get3A_115 = vector.shape_cast %get3A_114 : vector<1x16xf32> to vector<16xf32>
        %add3A_116 = arith.addf %get3A_111, %get3A_115 : vector<16xf32>
        %max3A_117 = arith.constant 0.000000e+00 : f32
        %max3A_118 = vector.broadcast %max3A_117 : f32 to vector<16xf32>
        %max3A_119 = arith.maximumf %add3A_116, %max3A_118 : vector<16xf32>
        %swap3A_120 = arith.index_cast %scan3A_58 : i32 to index
        %swap3A_121 = arith.constant 48 : index
        %swap3A_122 = tpu.vector_load %arg9[%swap3A_120, %swap3A_121] {strides = array<i32>} : memref<80x128xf32, #tpu.memory_space<vmem>>, vector<1x16xf32>,
        %swap3A_123 = vector.shape_cast %swap3A_122 : vector<1x16xf32> to vector<16xf32>
        %swap3A_124 = vector.shape_cast %max3A_119 : vector<16xf32> to vector<1x16xf32>
        tpu.vector_store %arg9[%swap3A_120, %swap3A_121], %swap3A_124 {strides = array<i32>} : memref<80x128xf32, #tpu.memory_space<vmem>>, vector<1x16xf32>,
        %get3A_125 = arith.index_cast %scan3A_58 : i32 to index
        %get3A_126 = arith.constant 64 : index
        %get3A_127 = tpu.vector_load %arg9[%get3A_125, %get3A_126] {strides = array<i32>} : memref<80x128xf32, #tpu.memory_space<vmem>>, vector<1x16xf32>,
        %get3A_128 = vector.shape_cast %get3A_127 : vector<1x16xf32> to vector<16xf32>
        %get3A_129 = arith.index_cast %scan3A_58 : i32 to index
        %get3A_130 = arith.constant 64 : index
        %get3A_131 = tpu.vector_load %arg10[%get3A_129, %get3A_130] {strides = array<i32>} : memref<80x128xf32, #tpu.memory_space<vmem>>, vector<1x16xf32>,
        %get3A_132 = vector.shape_cast %get3A_131 : vector<1x16xf32> to vector<16xf32>
        %add3A_133 = arith.addf %get3A_128, %get3A_132 : vector<16xf32>
        %max3A_134 = arith.constant 0.000000e+00 : f32
        %max3A_135 = vector.broadcast %max3A_134 : f32 to vector<16xf32>
        %max3A_136 = arith.maximumf %add3A_133, %max3A_135 : vector<16xf32>
        %swap3A_137 = arith.index_cast %scan3A_58 : i32 to index
        %swap3A_138 = arith.constant 64 : index
        %swap3A_139 = tpu.vector_load %arg9[%swap3A_137, %swap3A_138] {strides = array<i32>} : memref<80x128xf32, #tpu.memory_space<vmem>>, vector<1x16xf32>,
        %swap3A_140 = vector.shape_cast %swap3A_139 : vector<1x16xf32> to vector<16xf32>
        %swap3A_141 = vector.shape_cast %max3A_136 : vector<16xf32> to vector<1x16xf32>
        tpu.vector_store %arg9[%swap3A_137, %swap3A_138], %swap3A_141 {strides = array<i32>} : memref<80x128xf32, #tpu.memory_space<vmem>>, vector<1x16xf32>,
        %get3A_142 = arith.index_cast %scan3A_58 : i32 to index
        %get3A_143 = arith.constant 80 : index
        %get3A_144 = tpu.vector_load %arg9[%get3A_142, %get3A_143] {strides = array<i32>} : memref<80x128xf32, #tpu.memory_space<vmem>>, vector<1x16xf32>,
        %get3A_145 = vector.shape_cast %get3A_144 : vector<1x16xf32> to vector<16xf32>
        %get3A_146 = arith.index_cast %scan3A_58 : i32 to index
        %get3A_147 = arith.constant 80 : index
        %get3A_148 = tpu.vector_load %arg10[%get3A_146, %get3A_147] {strides = array<i32>} : memref<80x128xf32, #tpu.memory_space<vmem>>, vector<1x16xf32>,
        %get3A_149 = vector.shape_cast %get3A_148 : vector<1x16xf32> to vector<16xf32>
        %add3A_150 = arith.addf %get3A_145, %get3A_149 : vector<16xf32>
        %max3A_151 = arith.constant 0.000000e+00 : f32
        %max3A_152 = vector.broadcast %max3A_151 : f32 to vector<16xf32>
        %max3A_153 = arith.maximumf %add3A_150, %max3A_152 : vector<16xf32>
        %swap3A_154 = arith.index_cast %scan3A_58 : i32 to index
        %swap3A_155 = arith.constant 80 : index
        %swap3A_156 = tpu.vector_load %arg9[%swap3A_154, %swap3A_155] {strides = array<i32>} : memref<80x128xf32, #tpu.memory_space<vmem>>, vector<1x16xf32>,
        %swap3A_157 = vector.shape_cast %swap3A_156 : vector<1x16xf32> to vector<16xf32>
        %swap3A_158 = vector.shape_cast %max3A_153 : vector<16xf32> to vector<1x16xf32>
        tpu.vector_store %arg9[%swap3A_154, %swap3A_155], %swap3A_158 {strides = array<i32>} : memref<80x128xf32, #tpu.memory_space<vmem>>, vector<1x16xf32>,
        %get3A_159 = arith.index_cast %scan3A_58 : i32 to index
        %get3A_160 = arith.constant 96 : index
        %get3A_161 = tpu.vector_load %arg9[%get3A_159, %get3A_160] {strides = array<i32>} : memref<80x128xf32, #tpu.memory_space<vmem>>, vector<1x16xf32>,
        %get3A_162 = vector.shape_cast %get3A_161 : vector<1x16xf32> to vector<16xf32>
        %get3A_163 = arith.index_cast %scan3A_58 : i32 to index
        %get3A_164 = arith.constant 96 : index
        %get3A_165 = tpu.vector_load %arg10[%get3A_163, %get3A_164] {strides = array<i32>} : memref<80x128xf32, #tpu.memory_space<vmem>>, vector<1x16xf32>,
        %get3A_166 = vector.shape_cast %get3A_165 : vector<1x16xf32> to vector<16xf32>
        %add3A_167 = arith.addf %get3A_162, %get3A_166 : vector<16xf32>
        %max3A_168 = arith.constant 0.000000e+00 : f32
        %max3A_169 = vector.broadcast %max3A_168 : f32 to vector<16xf32>
        %max3A_170 = arith.maximumf %add3A_167, %max3A_169 : vector<16xf32>
        %swap3A_171 = arith.index_cast %scan3A_58 : i32 to index
        %swap3A_172 = arith.constant 96 : index
        %swap3A_173 = tpu.vector_load %arg9[%swap3A_171, %swap3A_172] {strides = array<i32>} : memref<80x128xf32, #tpu.memory_space<vmem>>, vector<1x16xf32>,
        %swap3A_174 = vector.shape_cast %swap3A_173 : vector<1x16xf32> to vector<16xf32>
        %swap3A_175 = vector.shape_cast %max3A_170 : vector<16xf32> to vector<1x16xf32>
        tpu.vector_store %arg9[%swap3A_171, %swap3A_172], %swap3A_175 {strides = array<i32>} : memref<80x128xf32, #tpu.memory_space<vmem>>, vector<1x16xf32>,
        %get3A_176 = arith.index_cast %scan3A_58 : i32 to index
        %get3A_177 = arith.constant 112 : index
        %get3A_178 = tpu.vector_load %arg9[%get3A_176, %get3A_177] {strides = array<i32>} : memref<80x128xf32, #tpu.memory_space<vmem>>, vector<1x16xf32>,
        %get3A_179 = vector.shape_cast %get3A_178 : vector<1x16xf32> to vector<16xf32>
        %get3A_180 = arith.index_cast %scan3A_58 : i32 to index
        %get3A_181 = arith.constant 112 : index
        %get3A_182 = tpu.vector_load %arg10[%get3A_180, %get3A_181] {strides = array<i32>} : memref<80x128xf32, #tpu.memory_space<vmem>>, vector<1x16xf32>,
        %get3A_183 = vector.shape_cast %get3A_182 : vector<1x16xf32> to vector<16xf32>
        %add3A_184 = arith.addf %get3A_179, %get3A_183 : vector<16xf32>
        %max3A_185 = arith.constant 0.000000e+00 : f32
        %max3A_186 = vector.broadcast %max3A_185 : f32 to vector<16xf32>
        %max3A_187 = arith.maximumf %add3A_184, %max3A_186 : vector<16xf32>
        %swap3A_188 = arith.index_cast %scan3A_58 : i32 to index
        %swap3A_189 = arith.constant 112 : index
        %swap3A_190 = tpu.vector_load %arg9[%swap3A_188, %swap3A_189] {strides = array<i32>} : memref<80x128xf32, #tpu.memory_space<vmem>>, vector<1x16xf32>,
        %swap3A_191 = vector.shape_cast %swap3A_190 : vector<1x16xf32> to vector<16xf32>
        %swap3A_192 = vector.shape_cast %max3A_187 : vector<16xf32> to vector<1x16xf32>
        tpu.vector_store %arg9[%swap3A_188, %swap3A_189], %swap3A_192 {strides = array<i32>} : memref<80x128xf32, #tpu.memory_space<vmem>>, vector<1x16xf32>,
        %scan3A_193 = arith.constant 0 : i32
        scf.yield %scan3A_193 : i32
      }
      %scan3A_56 = arith.constant 80 : i32
      "tpu.region"() ({
        %run_scoped3A = tpu.sem_alloc : memref<!tpu.dma_semaphore, #tpu.memory_space<semaphore_mem>>
        %dma_start3A_58 = arith.constant 0 : i32
        %dma_start3A_59 = arith.constant 0 : i32
        %dma_start3A_60 = tpu.memref_slice %arg12[%dma_start3A_58, %dma_start3A_59] : memref<10240x128xf32, #tpu.memory_space<vmem_shared>> -> memref<10240x128xf32, #tpu.memory_space<vmem_shared>>
        tpu.enqueue_indirect_dma source(%arg9 : memref<80x128xf32, #tpu.memory_space<vmem>>) target(%dma_start3A_60 : memref<10240x128xf32, #tpu.memory_space<vmem_shared>>) offsets(%arg8 : memref<80xi32, #tpu.memory_space<vmem>>) semaphore(%run_scoped3A : memref<!tpu.dma_semaphore, #tpu.memory_space<semaphore_mem>>) {add = true}
        %dma_wait3A_61 = arith.constant 0 : i32
        %dma_wait3A_62 = arith.constant 0 : i32
        %dma_wait3A_63 = tpu.memref_slice %arg12[%dma_wait3A_61, %dma_wait3A_62] : memref<10240x128xf32, #tpu.memory_space<vmem_shared>> -> memref<10240x128xf32, #tpu.memory_space<vmem_shared>>
        tpu.wait_indirect_dma semaphore(%run_scoped3A : memref<!tpu.dma_semaphore, #tpu.memory_space<semaphore_mem>>) src(%arg9 : memref<80x128xf32, #tpu.memory_space<vmem>>) dst(%dma_wait3A_63 : memref<10240x128xf32, #tpu.memory_space<vmem_shared>>)
        tpu.yield
      }) : () -> ()
      %scan3A_57 = arith.constant 0 : i32
      scf.yield %scan3A_57 : i32
    }
    %scan3A_35 = arith.constant 125 : i32
    %barrier3A_36 = arith.constant 0 : index
    tpu.barrier barrier_id(%barrier3A_36)
    %mul3A_37 = arith.constant 640 : i32
    %mul3A_38 = arith.muli %arg1, %mul3A_37 : i32
    %mul3A_39 = arith.constant 640 : i32
    %mul3A_40 = arith.muli %arg1, %mul3A_39 : i32
    "tpu.region"() ({
      %run_scoped3A = tpu.sem_alloc : memref<!tpu.dma_semaphore, #tpu.memory_space<semaphore_mem>>
      %dma_start3A = arith.constant 0 : i32
      %dma_start3A_41 = tpu.memref_slice %arg6[%arg0, %mul3A_40, %dma_start3A] : memref<2x10240x128xf32, #tpu.memory_space<hbm>> -> memref<1x640x128xf32, #tpu.memory_space<hbm>>
      %dma_start3A_42 = tpu.memref_squeeze %dma_start3A_41 : memref<1x640x128xf32, #tpu.memory_space<hbm>> -> memref<640x128xf32, #tpu.memory_space<hbm>>
      %dma_start3A_43 = arith.constant 0 : i32
      %dma_start3A_44 = tpu.memref_slice %arg12[%mul3A_38, %dma_start3A_43] : memref<10240x128xf32, #tpu.memory_space<vmem_shared>> -> memref<640x128xf32, #tpu.memory_space<vmem_shared>>
      tpu.enqueue_dma source(%dma_start3A_44 : memref<640x128xf32, #tpu.memory_space<vmem_shared>>) target(%dma_start3A_42 : memref<640x128xf32, #tpu.memory_space<hbm>>) target_semaphore(%run_scoped3A : memref<!tpu.dma_semaphore, #tpu.memory_space<semaphore_mem>>)
      %dma_wait3A = arith.constant 0 : i32
      %dma_wait3A_45 = tpu.memref_slice %arg6[%arg0, %mul3A_40, %dma_wait3A] : memref<2x10240x128xf32, #tpu.memory_space<hbm>> -> memref<1x640x128xf32, #tpu.memory_space<hbm>>
      %dma_wait3A_46 = tpu.memref_squeeze %dma_wait3A_45 : memref<1x640x128xf32, #tpu.memory_space<hbm>> -> memref<640x128xf32, #tpu.memory_space<hbm>>
      %dma_wait3A_47 = arith.constant 0 : i32
      %dma_wait3A_48 = tpu.memref_slice %arg12[%mul3A_38, %dma_wait3A_47] : memref<10240x128xf32, #tpu.memory_space<vmem_shared>> -> memref<640x128xf32, #tpu.memory_space<vmem_shared>>
      tpu.wait_dma2 semaphore(%run_scoped3A : memref<!tpu.dma_semaphore, #tpu.memory_space<semaphore_mem>>) src(%dma_wait3A_48 : memref<640x128xf32, #tpu.memory_space<vmem_shared>>) dst(%dma_wait3A_46 : memref<640x128xf32, #tpu.memory_space<hbm>>)
      tpu.yield
    }) : () -> ()
    return
  }
}

module attributes {stable_mosaic.version = 14 : i64} {
  func.func @_edge_mlp_body(%arg0: i32, %arg1: memref<2000x16xf32, #tpu.memory_space<vmem>>, %arg2: memref<16x128xf32, #tpu.memory_space<vmem>>, %arg3: memref<1x128xf32, #tpu.memory_space<vmem>>, %arg4: memref<16x128xf32, #tpu.memory_space<vmem>>, %arg5: memref<1x128xf32, #tpu.memory_space<vmem>>, %arg6: memref<16x128xf32, #tpu.memory_space<vmem>>, %arg7: memref<1x128xf32, #tpu.memory_space<vmem>>, %arg8: memref<2000x128xf32, #tpu.memory_space<vmem>>, %arg9: memref<2000x128xf32, #tpu.memory_space<vmem>>, %arg10: memref<2000x128xf32, #tpu.memory_space<vmem>>) attributes {dimension_semantics = [#tpu.dimension_semantics<arbitrary>], iteration_bounds = array<i64: 160>, scalar_prefetch = 0 : i64, scratch_operands = 0 : i64, tpu.core_type = #tpu.core_type<tc>, window_params = [{transform_indices = @transform_0, window_bounds = array<i64: 2000, 16>}, {pipeline_mode = #tpu.pipeline_mode<synchronous>, transform_indices = @transform_1, window_bounds = array<i64: 16, 128>}, {pipeline_mode = #tpu.pipeline_mode<synchronous>, transform_indices = @transform_2, window_bounds = array<i64: 1, 128>}, {pipeline_mode = #tpu.pipeline_mode<synchronous>, transform_indices = @transform_3, window_bounds = array<i64: 16, 128>}, {pipeline_mode = #tpu.pipeline_mode<synchronous>, transform_indices = @transform_4, window_bounds = array<i64: 1, 128>}, {pipeline_mode = #tpu.pipeline_mode<synchronous>, transform_indices = @transform_5, window_bounds = array<i64: 16, 128>}, {pipeline_mode = #tpu.pipeline_mode<synchronous>, transform_indices = @transform_6, window_bounds = array<i64: 1, 128>}, {transform_indices = @transform_7, window_bounds = array<i64: 2000, 128>}, {transform_indices = @transform_8, window_bounds = array<i64: 2000, 128>}, {transform_indices = @transform_9, window_bounds = array<i64: 2000, 128>}]} {
    %get3A = arith.constant 0 : index
    %get3A_0 = arith.constant 0 : index
    %get3A_1 = vector.load %arg1[%get3A, %get3A_0] : memref<2000x16xf32, #tpu.memory_space<vmem>>, vector<2000x16xf32>
    %get3A_2 = arith.constant 0 : index
    %get3A_3 = arith.constant 0 : index
    %get3A_4 = vector.load %arg2[%get3A_2, %get3A_3] : memref<16x128xf32, #tpu.memory_space<vmem>>, vector<16x128xf32>
    %dot_general3A = arith.constant dense<0.000000e+00> : vector<2000x128xf32>
    %dot_general3A_5 = tpu.matmul %get3A_1, %get3A_4, %dot_general3A {dimension_numbers = #tpu.dot_dimension_numbers<[1], [0], [0], [1], [0, 0, 1, 1], [], []>, transpose_lhs_hint = false} : vector<2000x16xf32>, vector<16x128xf32>, vector<2000x128xf32> -> vector<2000x128xf32>
    %get3A_6 = arith.constant 0 : index
    %get3A_7 = arith.constant 0 : index
    %get3A_8 = vector.load %arg3[%get3A_6, %get3A_7] : memref<1x128xf32, #tpu.memory_space<vmem>>, vector<1x128xf32>
    %add3A = vector.broadcast %get3A_8 : vector<1x128xf32> to vector<2000x128xf32>
    %add3A_9 = arith.addf %dot_general3A_5, %add3A : vector<2000x128xf32>
    %swap3A = arith.constant 0 : index
    %swap3A_10 = arith.constant 0 : index
    %swap3A_11 = vector.load %arg8[%swap3A, %swap3A_10] : memref<2000x128xf32, #tpu.memory_space<vmem>>, vector<2000x128xf32>
    tpu.vector_store %arg8[%swap3A, %swap3A_10], %add3A_9 {strides = array<i32>} : memref<2000x128xf32, #tpu.memory_space<vmem>>, vector<2000x128xf32>,
    %get3A_12 = arith.constant 0 : index
    %get3A_13 = arith.constant 0 : index
    %get3A_14 = vector.load %arg4[%get3A_12, %get3A_13] : memref<16x128xf32, #tpu.memory_space<vmem>>, vector<16x128xf32>
    %dot_general3A_15 = arith.constant dense<0.000000e+00> : vector<2000x128xf32>
    %dot_general3A_16 = tpu.matmul %get3A_1, %get3A_14, %dot_general3A_15 {dimension_numbers = #tpu.dot_dimension_numbers<[1], [0], [0], [1], [0, 0, 1, 1], [], []>, transpose_lhs_hint = false} : vector<2000x16xf32>, vector<16x128xf32>, vector<2000x128xf32> -> vector<2000x128xf32>
    %get3A_17 = arith.constant 0 : index
    %get3A_18 = arith.constant 0 : index
    %get3A_19 = vector.load %arg5[%get3A_17, %get3A_18] : memref<1x128xf32, #tpu.memory_space<vmem>>, vector<1x128xf32>
    %add3A_20 = vector.broadcast %get3A_19 : vector<1x128xf32> to vector<2000x128xf32>
    %add3A_21 = arith.addf %dot_general3A_16, %add3A_20 : vector<2000x128xf32>
    %swap3A_22 = arith.constant 0 : index
    %swap3A_23 = arith.constant 0 : index
    %swap3A_24 = vector.load %arg9[%swap3A_22, %swap3A_23] : memref<2000x128xf32, #tpu.memory_space<vmem>>, vector<2000x128xf32>
    tpu.vector_store %arg9[%swap3A_22, %swap3A_23], %add3A_21 {strides = array<i32>} : memref<2000x128xf32, #tpu.memory_space<vmem>>, vector<2000x128xf32>,
    %get3A_25 = arith.constant 0 : index
    %get3A_26 = arith.constant 0 : index
    %get3A_27 = vector.load %arg6[%get3A_25, %get3A_26] : memref<16x128xf32, #tpu.memory_space<vmem>>, vector<16x128xf32>
    %dot_general3A_28 = arith.constant dense<0.000000e+00> : vector<2000x128xf32>
    %dot_general3A_29 = tpu.matmul %get3A_1, %get3A_27, %dot_general3A_28 {dimension_numbers = #tpu.dot_dimension_numbers<[1], [0], [0], [1], [0, 0, 1, 1], [], []>, transpose_lhs_hint = false} : vector<2000x16xf32>, vector<16x128xf32>, vector<2000x128xf32> -> vector<2000x128xf32>
    %get3A_30 = arith.constant 0 : index
    %get3A_31 = arith.constant 0 : index
    %get3A_32 = vector.load %arg7[%get3A_30, %get3A_31] : memref<1x128xf32, #tpu.memory_space<vmem>>, vector<1x128xf32>
    %add3A_33 = vector.broadcast %get3A_32 : vector<1x128xf32> to vector<2000x128xf32>
    %add3A_34 = arith.addf %dot_general3A_29, %add3A_33 : vector<2000x128xf32>
    %swap3A_35 = arith.constant 0 : index
    %swap3A_36 = arith.constant 0 : index
    %swap3A_37 = vector.load %arg10[%swap3A_35, %swap3A_36] : memref<2000x128xf32, #tpu.memory_space<vmem>>, vector<2000x128xf32>
    tpu.vector_store %arg10[%swap3A_35, %swap3A_36], %add3A_34 {strides = array<i32>} : memref<2000x128xf32, #tpu.memory_space<vmem>>, vector<2000x128xf32>,
    return
  }
  func.func @transform_0(%arg0: i32) -> (i32, i32) {
    %c0_i32 = arith.constant 0 : i32
    %c0_i32_0 = arith.constant 0 : i32
    return %arg0, %c0_i32 : i32, i32
  }
  func.func @transform_1(%arg0: i32) -> (i32, i32) {
    %c0_i32 = arith.constant 0 : i32
    %c0_i32_0 = arith.constant 0 : i32
    %c0_i32_1 = arith.constant 0 : i32
    return %c0_i32, %c0_i32_0 : i32, i32
  }
  func.func @transform_2(%arg0: i32) -> (i32, i32) {
    %c0_i32 = arith.constant 0 : i32
    %c0_i32_0 = arith.constant 0 : i32
    %c0_i32_1 = arith.constant 0 : i32
    return %c0_i32, %c0_i32_0 : i32, i32
  }
  func.func @transform_3(%arg0: i32) -> (i32, i32) {
    %c0_i32 = arith.constant 0 : i32
    %c0_i32_0 = arith.constant 0 : i32
    %c0_i32_1 = arith.constant 0 : i32
    return %c0_i32, %c0_i32_0 : i32, i32
  }
  func.func @transform_4(%arg0: i32) -> (i32, i32) {
    %c0_i32 = arith.constant 0 : i32
    %c0_i32_0 = arith.constant 0 : i32
    %c0_i32_1 = arith.constant 0 : i32
    return %c0_i32, %c0_i32_0 : i32, i32
  }
  func.func @transform_5(%arg0: i32) -> (i32, i32) {
    %c0_i32 = arith.constant 0 : i32
    %c0_i32_0 = arith.constant 0 : i32
    %c0_i32_1 = arith.constant 0 : i32
    return %c0_i32, %c0_i32_0 : i32, i32
  }
  func.func @transform_6(%arg0: i32) -> (i32, i32) {
    %c0_i32 = arith.constant 0 : i32
    %c0_i32_0 = arith.constant 0 : i32
    %c0_i32_1 = arith.constant 0 : i32
    return %c0_i32, %c0_i32_0 : i32, i32
  }
  func.func @transform_7(%arg0: i32) -> (i32, i32) {
    %c0_i32 = arith.constant 0 : i32
    %c0_i32_0 = arith.constant 0 : i32
    return %arg0, %c0_i32 : i32, i32
  }
  func.func @transform_8(%arg0: i32) -> (i32, i32) {
    %c0_i32 = arith.constant 0 : i32
    %c0_i32_0 = arith.constant 0 : i32
    return %arg0, %c0_i32 : i32, i32
  }
  func.func @transform_9(%arg0: i32) -> (i32, i32) {
    %c0_i32 = arith.constant 0 : i32
    %c0_i32_0 = arith.constant 0 : i32
    return %arg0, %c0_i32 : i32, i32
  }
}

module attributes {stable_mosaic.version = 14 : i64} {
  func.func @_lin1_body(%arg0: i32, %arg1: memref<1000x128xf32, #tpu.memory_space<vmem>>, %arg2: memref<1x1000x128xf32, #tpu.memory_space<vmem>>, %arg3: memref<1x1000x128xf32, #tpu.memory_space<vmem>>, %arg4: memref<128x128xf32, #tpu.memory_space<vmem>>, %arg5: memref<1x128xf32, #tpu.memory_space<vmem>>, %arg6: memref<1000x128xf32, #tpu.memory_space<vmem>>, %arg7: memref<8x128xf32, #tpu.memory_space<vmem>>) attributes {dimension_semantics = [#tpu.dimension_semantics<arbitrary>], iteration_bounds = array<i64: 10>, scalar_prefetch = 0 : i64, scratch_operands = 0 : i64, tpu.core_type = #tpu.core_type<tc>, window_params = [{transform_indices = @transform_0, window_bounds = array<i64: 1000, 128>}, {transform_indices = @transform_1, window_bounds = array<i64: 1, 1000, 128>}, {transform_indices = @transform_2, window_bounds = array<i64: 1, 1000, 128>}, {pipeline_mode = #tpu.pipeline_mode<synchronous>, transform_indices = @transform_3, window_bounds = array<i64: 128, 128>}, {pipeline_mode = #tpu.pipeline_mode<synchronous>, transform_indices = @transform_4, window_bounds = array<i64: 1, 128>}, {transform_indices = @transform_5, window_bounds = array<i64: 1000, 128>}, {pipeline_mode = #tpu.pipeline_mode<synchronous>, transform_indices = @transform_6, window_bounds = array<i64: 8, 128>}]} {
    %eq3A = arith.constant 0 : i32
    %eq3A_0 = arith.cmpi eq, %arg0, %eq3A : i32
    %convert_element_type3A = arith.extui %eq3A_0 : i1 to i32
    %cond3A = arith.constant 0 : i32
    %cond3A_1 = arith.cmpi ne, %convert_element_type3A, %cond3A : i32
    scf.if %cond3A_1 {
      %broadcast_in_dim3A_44 = arith.constant 0.000000e+00 : f32
      %broadcast_in_dim3A_45 = vector.broadcast %broadcast_in_dim3A_44 : f32 to vector<8x128xf32>
      %swap3A_46 = arith.constant 0 : index
      %swap3A_47 = arith.constant 0 : index
      %swap3A_48 = vector.load %arg7[%swap3A_46, %swap3A_47] : memref<8x128xf32, #tpu.memory_space<vmem>>, vector<8x128xf32>
      tpu.vector_store %arg7[%swap3A_46, %swap3A_47], %broadcast_in_dim3A_45 {strides = array<i32>} : memref<8x128xf32, #tpu.memory_space<vmem>>, vector<8x128xf32>,
    } else {
    }
    %get3A = arith.constant 0 : index
    %get3A_2 = arith.constant 0 : index
    %get3A_3 = vector.load %arg1[%get3A, %get3A_2] : memref<1000x128xf32, #tpu.memory_space<vmem>>, vector<1000x128xf32>
    %get3A_4 = arith.constant 0 : index
    %get3A_5 = arith.constant 0 : index
    %get3A_6 = arith.constant 0 : index
    %get3A_7 = vector.load %arg2[%get3A_4, %get3A_5, %get3A_6] : memref<1x1000x128xf32, #tpu.memory_space<vmem>>, vector<1x1000x128xf32>
    %get3A_8 = vector.shape_cast %get3A_7 : vector<1x1000x128xf32> to vector<1000x128xf32>
    %add3A = arith.addf %get3A_3, %get3A_8 : vector<1000x128xf32>
    %get3A_9 = arith.constant 0 : index
    %get3A_10 = arith.constant 0 : index
    %get3A_11 = arith.constant 0 : index
    %get3A_12 = vector.load %arg3[%get3A_9, %get3A_10, %get3A_11] : memref<1x1000x128xf32, #tpu.memory_space<vmem>>, vector<1x1000x128xf32>
    %get3A_13 = vector.shape_cast %get3A_12 : vector<1x1000x128xf32> to vector<1000x128xf32>
    %add3A_14 = arith.addf %add3A, %get3A_13 : vector<1000x128xf32>
    %get3A_15 = arith.constant 0 : index
    %get3A_16 = arith.constant 0 : index
    %get3A_17 = vector.load %arg4[%get3A_15, %get3A_16] : memref<128x128xf32, #tpu.memory_space<vmem>>, vector<128x128xf32>
    %dot_general3A = arith.constant dense<0.000000e+00> : vector<1000x128xf32>
    %dot_general3A_18 = tpu.matmul %add3A_14, %get3A_17, %dot_general3A {dimension_numbers = #tpu.dot_dimension_numbers<[1], [0], [0], [1], [0, 0, 1, 1], [], []>, transpose_lhs_hint = false} : vector<1000x128xf32>, vector<128x128xf32>, vector<1000x128xf32> -> vector<1000x128xf32>
    %get3A_19 = arith.constant 0 : index
    %get3A_20 = arith.constant 0 : index
    %get3A_21 = vector.load %arg5[%get3A_19, %get3A_20] : memref<1x128xf32, #tpu.memory_space<vmem>>, vector<1x128xf32>
    %add3A_22 = vector.broadcast %get3A_21 : vector<1x128xf32> to vector<1000x128xf32>
    %add3A_23 = arith.addf %dot_general3A_18, %add3A_22 : vector<1000x128xf32>
    %swap3A = arith.constant 0 : index
    %swap3A_24 = arith.constant 0 : index
    %swap3A_25 = vector.load %arg6[%swap3A, %swap3A_24] : memref<1000x128xf32, #tpu.memory_space<vmem>>, vector<1000x128xf32>
    tpu.vector_store %arg6[%swap3A, %swap3A_24], %add3A_23 {strides = array<i32>} : memref<1000x128xf32, #tpu.memory_space<vmem>>, vector<1000x128xf32>,
    %get3A_26 = arith.constant 0 : index
    %get3A_27 = arith.constant 0 : index
    %get3A_28 = vector.load %arg7[%get3A_26, %get3A_27] : memref<8x128xf32, #tpu.memory_space<vmem>>, vector<1x128xf32>
    %reduce_sum3A = arith.constant dense<0.000000e+00> : vector<128xf32>
    %reduce_sum3A_29 = vector.multi_reduction <add>, %add3A_23, %reduce_sum3A [0] : vector<1000x128xf32> to vector<128xf32>
    %broadcast_in_dim3A = vector.shape_cast %reduce_sum3A_29 : vector<128xf32> to vector<1x128xf32>
    %add3A_30 = arith.addf %get3A_28, %broadcast_in_dim3A : vector<1x128xf32>
    %swap3A_31 = arith.constant 0 : index
    %swap3A_32 = arith.constant 0 : index
    %swap3A_33 = vector.load %arg7[%swap3A_31, %swap3A_32] : memref<8x128xf32, #tpu.memory_space<vmem>>, vector<1x128xf32>
    tpu.vector_store %arg7[%swap3A_31, %swap3A_32], %add3A_30 {strides = array<i32>} : memref<8x128xf32, #tpu.memory_space<vmem>>, vector<1x128xf32>,
    %get3A_34 = arith.constant 1 : index
    %get3A_35 = arith.constant 0 : index
    %get3A_36 = vector.load %arg7[%get3A_34, %get3A_35] : memref<8x128xf32, #tpu.memory_space<vmem>>, vector<1x128xf32>
    %mul3A = arith.mulf %add3A_23, %add3A_23 : vector<1000x128xf32>
    %reduce_sum3A_37 = arith.constant dense<0.000000e+00> : vector<128xf32>
    %reduce_sum3A_38 = vector.multi_reduction <add>, %mul3A, %reduce_sum3A_37 [0] : vector<1000x128xf32> to vector<128xf32>
    %broadcast_in_dim3A_39 = vector.shape_cast %reduce_sum3A_38 : vector<128xf32> to vector<1x128xf32>
    %add3A_40 = arith.addf %get3A_36, %broadcast_in_dim3A_39 : vector<1x128xf32>
    %swap3A_41 = arith.constant 1 : index
    %swap3A_42 = arith.constant 0 : index
    %swap3A_43 = vector.load %arg7[%swap3A_41, %swap3A_42] : memref<8x128xf32, #tpu.memory_space<vmem>>, vector<1x128xf32>
    tpu.vector_store %arg7[%swap3A_41, %swap3A_42], %add3A_40 {strides = array<i32>} : memref<8x128xf32, #tpu.memory_space<vmem>>, vector<1x128xf32>,
    return
  }
  func.func @transform_0(%arg0: i32) -> (i32, i32) {
    %c0_i32 = arith.constant 0 : i32
    %c0_i32_0 = arith.constant 0 : i32
    return %arg0, %c0_i32 : i32, i32
  }
  func.func @transform_1(%arg0: i32) -> (i32, i32, i32) {
    %c0_i32 = arith.constant 0 : i32
    %c0_i32_0 = arith.constant 0 : i32
    %c0_i32_1 = arith.constant 0 : i32
    return %c0_i32, %arg0, %c0_i32_0 : i32, i32, i32
  }
  func.func @transform_2(%arg0: i32) -> (i32, i32, i32) {
    %c1_i32 = arith.constant 1 : i32
    %c0_i32 = arith.constant 0 : i32
    %c0_i32_0 = arith.constant 0 : i32
    return %c1_i32, %arg0, %c0_i32 : i32, i32, i32
  }
  func.func @transform_3(%arg0: i32) -> (i32, i32) {
    %c0_i32 = arith.constant 0 : i32
    %c0_i32_0 = arith.constant 0 : i32
    %c0_i32_1 = arith.constant 0 : i32
    return %c0_i32, %c0_i32_0 : i32, i32
  }
  func.func @transform_4(%arg0: i32) -> (i32, i32) {
    %c0_i32 = arith.constant 0 : i32
    %c0_i32_0 = arith.constant 0 : i32
    %c0_i32_1 = arith.constant 0 : i32
    return %c0_i32, %c0_i32_0 : i32, i32
  }
  func.func @transform_5(%arg0: i32) -> (i32, i32) {
    %c0_i32 = arith.constant 0 : i32
    %c0_i32_0 = arith.constant 0 : i32
    return %arg0, %c0_i32 : i32, i32
  }
  func.func @transform_6(%arg0: i32) -> (i32, i32) {
    %c0_i32 = arith.constant 0 : i32
    %c0_i32_0 = arith.constant 0 : i32
    %c0_i32_1 = arith.constant 0 : i32
    return %c0_i32, %c0_i32_0 : i32, i32
  }
}

module attributes {stable_mosaic.version = 14 : i64} {
  func.func @_lin2_body(%arg0: i32, %arg1: memref<1000x128xf32, #tpu.memory_space<vmem>>, %arg2: memref<1x128xf32, #tpu.memory_space<vmem>>, %arg3: memref<1x128xf32, #tpu.memory_space<vmem>>, %arg4: memref<128x128xf32, #tpu.memory_space<vmem>>, %arg5: memref<1x128xf32, #tpu.memory_space<vmem>>, %arg6: memref<1000x128xf32, #tpu.memory_space<vmem>>) attributes {dimension_semantics = [#tpu.dimension_semantics<arbitrary>], iteration_bounds = array<i64: 10>, scalar_prefetch = 0 : i64, scratch_operands = 0 : i64, tpu.core_type = #tpu.core_type<tc>, window_params = [{transform_indices = @transform_0, window_bounds = array<i64: 1000, 128>}, {pipeline_mode = #tpu.pipeline_mode<synchronous>, transform_indices = @transform_1, window_bounds = array<i64: 1, 128>}, {pipeline_mode = #tpu.pipeline_mode<synchronous>, transform_indices = @transform_2, window_bounds = array<i64: 1, 128>}, {pipeline_mode = #tpu.pipeline_mode<synchronous>, transform_indices = @transform_3, window_bounds = array<i64: 128, 128>}, {pipeline_mode = #tpu.pipeline_mode<synchronous>, transform_indices = @transform_4, window_bounds = array<i64: 1, 128>}, {transform_indices = @transform_5, window_bounds = array<i64: 1000, 128>}]} {
    %get3A = arith.constant 0 : index
    %get3A_0 = arith.constant 0 : index
    %get3A_1 = vector.load %arg1[%get3A, %get3A_0] : memref<1000x128xf32, #tpu.memory_space<vmem>>, vector<1000x128xf32>
    %get3A_2 = arith.constant 0 : index
    %get3A_3 = arith.constant 0 : index
    %get3A_4 = vector.load %arg2[%get3A_2, %get3A_3] : memref<1x128xf32, #tpu.memory_space<vmem>>, vector<1x128xf32>
    %mul3A = vector.broadcast %get3A_4 : vector<1x128xf32> to vector<1000x128xf32>
    %mul3A_5 = arith.mulf %get3A_1, %mul3A : vector<1000x128xf32>
    %get3A_6 = arith.constant 0 : index
    %get3A_7 = arith.constant 0 : index
    %get3A_8 = vector.load %arg3[%get3A_6, %get3A_7] : memref<1x128xf32, #tpu.memory_space<vmem>>, vector<1x128xf32>
    %add3A = vector.broadcast %get3A_8 : vector<1x128xf32> to vector<1000x128xf32>
    %add3A_9 = arith.addf %mul3A_5, %add3A : vector<1000x128xf32>
    %max3A = arith.constant 0.000000e+00 : f32
    %max3A_10 = vector.broadcast %max3A : f32 to vector<1000x128xf32>
    %max3A_11 = arith.maximumf %add3A_9, %max3A_10 : vector<1000x128xf32>
    %get3A_12 = arith.constant 0 : index
    %get3A_13 = arith.constant 0 : index
    %get3A_14 = vector.load %arg4[%get3A_12, %get3A_13] : memref<128x128xf32, #tpu.memory_space<vmem>>, vector<128x128xf32>
    %dot_general3A = arith.constant dense<0.000000e+00> : vector<1000x128xf32>
    %dot_general3A_15 = tpu.matmul %max3A_11, %get3A_14, %dot_general3A {dimension_numbers = #tpu.dot_dimension_numbers<[1], [0], [0], [1], [0, 0, 1, 1], [], []>, transpose_lhs_hint = false} : vector<1000x128xf32>, vector<128x128xf32>, vector<1000x128xf32> -> vector<1000x128xf32>
    %get3A_16 = arith.constant 0 : index
    %get3A_17 = arith.constant 0 : index
    %get3A_18 = vector.load %arg5[%get3A_16, %get3A_17] : memref<1x128xf32, #tpu.memory_space<vmem>>, vector<1x128xf32>
    %add3A_19 = vector.broadcast %get3A_18 : vector<1x128xf32> to vector<1000x128xf32>
    %add3A_20 = arith.addf %dot_general3A_15, %add3A_19 : vector<1000x128xf32>
    %max3A_21 = arith.constant 0.000000e+00 : f32
    %max3A_22 = vector.broadcast %max3A_21 : f32 to vector<1000x128xf32>
    %max3A_23 = arith.maximumf %add3A_20, %max3A_22 : vector<1000x128xf32>
    %swap3A = arith.constant 0 : index
    %swap3A_24 = arith.constant 0 : index
    %swap3A_25 = vector.load %arg6[%swap3A, %swap3A_24] : memref<1000x128xf32, #tpu.memory_space<vmem>>, vector<1000x128xf32>
    tpu.vector_store %arg6[%swap3A, %swap3A_24], %max3A_23 {strides = array<i32>} : memref<1000x128xf32, #tpu.memory_space<vmem>>, vector<1000x128xf32>,
    return
  }
  func.func @transform_0(%arg0: i32) -> (i32, i32) {
    %c0_i32 = arith.constant 0 : i32
    %c0_i32_0 = arith.constant 0 : i32
    return %arg0, %c0_i32 : i32, i32
  }
  func.func @transform_1(%arg0: i32) -> (i32, i32) {
    %c0_i32 = arith.constant 0 : i32
    %c0_i32_0 = arith.constant 0 : i32
    %c0_i32_1 = arith.constant 0 : i32
    return %c0_i32, %c0_i32_0 : i32, i32
  }
  func.func @transform_2(%arg0: i32) -> (i32, i32) {
    %c0_i32 = arith.constant 0 : i32
    %c0_i32_0 = arith.constant 0 : i32
    %c0_i32_1 = arith.constant 0 : i32
    return %c0_i32, %c0_i32_0 : i32, i32
  }
  func.func @transform_3(%arg0: i32) -> (i32, i32) {
    %c0_i32 = arith.constant 0 : i32
    %c0_i32_0 = arith.constant 0 : i32
    %c0_i32_1 = arith.constant 0 : i32
    return %c0_i32, %c0_i32_0 : i32, i32
  }
  func.func @transform_4(%arg0: i32) -> (i32, i32) {
    %c0_i32 = arith.constant 0 : i32
    %c0_i32_0 = arith.constant 0 : i32
    %c0_i32_1 = arith.constant 0 : i32
    return %c0_i32, %c0_i32_0 : i32, i32
  }
  func.func @transform_5(%arg0: i32) -> (i32, i32) {
    %c0_i32 = arith.constant 0 : i32
    %c0_i32_0 = arith.constant 0 : i32
    return %arg0, %c0_i32 : i32, i32
  }
}

module attributes {stable_mosaic.version = 14 : i64} {
  func.func @_lin2_body(%arg0: i32, %arg1: memref<1000x128xf32, #tpu.memory_space<vmem>>, %arg2: memref<1x128xf32, #tpu.memory_space<vmem>>, %arg3: memref<1x128xf32, #tpu.memory_space<vmem>>, %arg4: memref<128x128xf32, #tpu.memory_space<vmem>>, %arg5: memref<1x128xf32, #tpu.memory_space<vmem>>, %arg6: memref<1000x128xf32, #tpu.memory_space<vmem>>) attributes {dimension_semantics = [#tpu.dimension_semantics<arbitrary>], iteration_bounds = array<i64: 10>, scalar_prefetch = 0 : i64, scratch_operands = 0 : i64, tpu.core_type = #tpu.core_type<tc>, window_params = [{transform_indices = @transform_0, window_bounds = array<i64: 1000, 128>}, {pipeline_mode = #tpu.pipeline_mode<synchronous>, transform_indices = @transform_1, window_bounds = array<i64: 1, 128>}, {pipeline_mode = #tpu.pipeline_mode<synchronous>, transform_indices = @transform_2, window_bounds = array<i64: 1, 128>}, {pipeline_mode = #tpu.pipeline_mode<synchronous>, transform_indices = @transform_3, window_bounds = array<i64: 128, 128>}, {pipeline_mode = #tpu.pipeline_mode<synchronous>, transform_indices = @transform_4, window_bounds = array<i64: 1, 128>}, {transform_indices = @transform_5, window_bounds = array<i64: 1000, 128>}]} {
    %get3A = arith.constant 0 : index
    %get3A_0 = arith.constant 0 : index
    %get3A_1 = vector.load %arg1[%get3A, %get3A_0] : memref<1000x128xf32, #tpu.memory_space<vmem>>, vector<1000x128xf32>
    %get3A_2 = arith.constant 0 : index
    %get3A_3 = arith.constant 0 : index
    %get3A_4 = vector.load %arg2[%get3A_2, %get3A_3] : memref<1x128xf32, #tpu.memory_space<vmem>>, vector<1x128xf32>
    %mul3A = vector.broadcast %get3A_4 : vector<1x128xf32> to vector<1000x128xf32>
    %mul3A_5 = arith.mulf %get3A_1, %mul3A : vector<1000x128xf32>
    %get3A_6 = arith.constant 0 : index
    %get3A_7 = arith.constant 0 : index
    %get3A_8 = vector.load %arg3[%get3A_6, %get3A_7] : memref<1x128xf32, #tpu.memory_space<vmem>>, vector<1x128xf32>
    %add3A = vector.broadcast %get3A_8 : vector<1x128xf32> to vector<1000x128xf32>
    %add3A_9 = arith.addf %mul3A_5, %add3A : vector<1000x128xf32>
    %max3A = arith.constant 0.000000e+00 : f32
    %max3A_10 = vector.broadcast %max3A : f32 to vector<1000x128xf32>
    %max3A_11 = arith.maximumf %add3A_9, %max3A_10 : vector<1000x128xf32>
    %get3A_12 = arith.constant 0 : index
    %get3A_13 = arith.constant 0 : index
    %get3A_14 = vector.load %arg4[%get3A_12, %get3A_13] : memref<128x128xf32, #tpu.memory_space<vmem>>, vector<128x128xf32>
    %dot_general3A = arith.constant dense<0.000000e+00> : vector<1000x128xf32>
    %dot_general3A_15 = tpu.matmul %max3A_11, %get3A_14, %dot_general3A {dimension_numbers = #tpu.dot_dimension_numbers<[1], [0], [0], [1], [0, 0, 1, 1], [], []>, transpose_lhs_hint = false} : vector<1000x128xf32>, vector<128x128xf32>, vector<1000x128xf32> -> vector<1000x128xf32>
    %get3A_16 = arith.constant 0 : index
    %get3A_17 = arith.constant 0 : index
    %get3A_18 = vector.load %arg5[%get3A_16, %get3A_17] : memref<1x128xf32, #tpu.memory_space<vmem>>, vector<1x128xf32>
    %add3A_19 = vector.broadcast %get3A_18 : vector<1x128xf32> to vector<1000x128xf32>
    %add3A_20 = arith.addf %dot_general3A_15, %add3A_19 : vector<1000x128xf32>
    %swap3A = arith.constant 0 : index
    %swap3A_21 = arith.constant 0 : index
    %swap3A_22 = vector.load %arg6[%swap3A, %swap3A_21] : memref<1000x128xf32, #tpu.memory_space<vmem>>, vector<1000x128xf32>
    tpu.vector_store %arg6[%swap3A, %swap3A_21], %add3A_20 {strides = array<i32>} : memref<1000x128xf32, #tpu.memory_space<vmem>>, vector<1000x128xf32>,
    return
  }
  func.func @transform_0(%arg0: i32) -> (i32, i32) {
    %c0_i32 = arith.constant 0 : i32
    %c0_i32_0 = arith.constant 0 : i32
    return %arg0, %c0_i32 : i32, i32
  }
  func.func @transform_1(%arg0: i32) -> (i32, i32) {
    %c0_i32 = arith.constant 0 : i32
    %c0_i32_0 = arith.constant 0 : i32
    %c0_i32_1 = arith.constant 0 : i32
    return %c0_i32, %c0_i32_0 : i32, i32
  }
  func.func @transform_2(%arg0: i32) -> (i32, i32) {
    %c0_i32 = arith.constant 0 : i32
    %c0_i32_0 = arith.constant 0 : i32
    %c0_i32_1 = arith.constant 0 : i32
    return %c0_i32, %c0_i32_0 : i32, i32
  }
  func.func @transform_3(%arg0: i32) -> (i32, i32) {
    %c0_i32 = arith.constant 0 : i32
    %c0_i32_0 = arith.constant 0 : i32
    %c0_i32_1 = arith.constant 0 : i32
    return %c0_i32, %c0_i32_0 : i32, i32
  }
  func.func @transform_4(%arg0: i32) -> (i32, i32) {
    %c0_i32 = arith.constant 0 : i32
    %c0_i32_0 = arith.constant 0 : i32
    %c0_i32_1 = arith.constant 0 : i32
    return %c0_i32, %c0_i32_0 : i32, i32
  }
  func.func @transform_5(%arg0: i32) -> (i32, i32) {
    %c0_i32 = arith.constant 0 : i32
    %c0_i32_0 = arith.constant 0 : i32
    return %arg0, %c0_i32 : i32, i32
  }
}

module attributes {stable_mosaic.version = 14 : i64} {
  func.func @_pool_body(%arg0: i32, %arg1: memref<1x1x1000xi32, #tpu.memory_space<vmem>>, %arg2: memref<1000x128xf32, #tpu.memory_space<vmem>>, %arg3: memref<64x128xf32, #tpu.memory_space<vmem>>, %arg4: memref<64x128xf32, #tpu.memory_space<vmem>>, %arg5: memref<64x128xf32, #tpu.memory_space<vmem>>) attributes {dimension_semantics = [#tpu.dimension_semantics<arbitrary>], iteration_bounds = array<i64: 10>, scalar_prefetch = 0 : i64, scratch_operands = 2 : i64, tpu.core_type = #tpu.core_type<tc>, window_params = [{transform_indices = @transform_0, window_bounds = array<i64: 1, 1, 1000>}, {transform_indices = @transform_1, window_bounds = array<i64: 1000, 128>}, {pipeline_mode = #tpu.pipeline_mode<synchronous>, transform_indices = @transform_2, window_bounds = array<i64: 64, 128>}]} {
    %eq3A = arith.constant 0 : i32
    %eq3A_0 = arith.cmpi eq, %arg0, %eq3A : i32
    %convert_element_type3A = arith.extui %eq3A_0 : i1 to i32
    %cond3A = arith.constant 0 : i32
    %cond3A_1 = arith.cmpi ne, %convert_element_type3A, %cond3A : i32
    scf.if %cond3A_1 {
      %broadcast_in_dim3A_34 = arith.constant 0.000000e+00 : f32
      %broadcast_in_dim3A_35 = vector.broadcast %broadcast_in_dim3A_34 : f32 to vector<64x128xf32>
      %swap3A_36 = arith.constant 0 : index
      %swap3A_37 = arith.constant 0 : index
      %swap3A_38 = vector.load %arg4[%swap3A_36, %swap3A_37] : memref<64x128xf32, #tpu.memory_space<vmem>>, vector<64x128xf32>
      tpu.vector_store %arg4[%swap3A_36, %swap3A_37], %broadcast_in_dim3A_35 {strides = array<i32>} : memref<64x128xf32, #tpu.memory_space<vmem>>, vector<64x128xf32>,
      %broadcast_in_dim3A_39 = arith.constant 0.000000e+00 : f32
      %broadcast_in_dim3A_40 = vector.broadcast %broadcast_in_dim3A_39 : f32 to vector<64x128xf32>
      %swap3A_41 = arith.constant 0 : index
      %swap3A_42 = arith.constant 0 : index
      %swap3A_43 = vector.load %arg5[%swap3A_41, %swap3A_42] : memref<64x128xf32, #tpu.memory_space<vmem>>, vector<64x128xf32>
      tpu.vector_store %arg5[%swap3A_41, %swap3A_42], %broadcast_in_dim3A_40 {strides = array<i32>} : memref<64x128xf32, #tpu.memory_space<vmem>>, vector<64x128xf32>,
    } else {
    }
    %iota3A = tpu.iota {dimensions = array<i32: 0>} : vector<64x1000xi32>
    %get3A = arith.constant 0 : index
    %get3A_2 = arith.constant 0 : index
    %get3A_3 = arith.constant 0 : index
    %get3A_4 = vector.load %arg1[%get3A, %get3A_2, %get3A_3] : memref<1x1x1000xi32, #tpu.memory_space<vmem>>, vector<1x1x1000xi32>
    %get3A_5 = vector.shape_cast %get3A_4 : vector<1x1x1000xi32> to vector<1x1000xi32>
    %eq3A_6 = vector.broadcast %get3A_5 : vector<1x1000xi32> to vector<64x1000xi32>
    %eq3A_7 = arith.cmpi eq, %iota3A, %eq3A_6 : vector<64x1000xi32>
    %convert_element_type3A_8 = arith.extui %eq3A_7 : vector<64x1000xi1> to vector<64x1000xi32>
    %convert_element_type3A_9 = arith.sitofp %convert_element_type3A_8 : vector<64x1000xi32> to vector<64x1000xf32>
    %get3A_10 = arith.constant 0 : index
    %get3A_11 = arith.constant 0 : index
    %get3A_12 = vector.load %arg4[%get3A_10, %get3A_11] : memref<64x128xf32, #tpu.memory_space<vmem>>, vector<64x128xf32>
    %get3A_13 = arith.constant 0 : index
    %get3A_14 = arith.constant 0 : index
    %get3A_15 = vector.load %arg2[%get3A_13, %get3A_14] : memref<1000x128xf32, #tpu.memory_space<vmem>>, vector<1000x128xf32>
    %dot_general3A = arith.constant dense<0.000000e+00> : vector<64x128xf32>
    %dot_general3A_16 = tpu.matmul %convert_element_type3A_9, %get3A_15, %dot_general3A {dimension_numbers = #tpu.dot_dimension_numbers<[1], [0], [0], [1], [0, 0, 1, 1], [], []>, transpose_lhs_hint = false} : vector<64x1000xf32>, vector<1000x128xf32>, vector<64x128xf32> -> vector<64x128xf32>
    %add3A = arith.addf %get3A_12, %dot_general3A_16 : vector<64x128xf32>
    %swap3A = arith.constant 0 : index
    %swap3A_17 = arith.constant 0 : index
    %swap3A_18 = vector.load %arg4[%swap3A, %swap3A_17] : memref<64x128xf32, #tpu.memory_space<vmem>>, vector<64x128xf32>
    tpu.vector_store %arg4[%swap3A, %swap3A_17], %add3A {strides = array<i32>} : memref<64x128xf32, #tpu.memory_space<vmem>>, vector<64x128xf32>,
    %get3A_19 = arith.constant 0 : index
    %get3A_20 = arith.constant 0 : index
    %get3A_21 = vector.load %arg5[%get3A_19, %get3A_20] : memref<64x128xf32, #tpu.memory_space<vmem>>, vector<64x128xf32>
    %reduce_sum3A = arith.constant dense<0.000000e+00> : vector<64xf32>
    %reduce_sum3A_22 = vector.multi_reduction <add>, %convert_element_type3A_9, %reduce_sum3A [1] : vector<64x1000xf32> to vector<64xf32>
    %broadcast_in_dim3A = vector.shape_cast %reduce_sum3A_22 : vector<64xf32> to vector<64x1xf32>
    %broadcast_in_dim3A_23 = vector.shape_cast %broadcast_in_dim3A : vector<64x1xf32> to vector<64x1xf32>
    %broadcast_in_dim3A_24 = vector.broadcast %broadcast_in_dim3A_23 : vector<64x1xf32> to vector<64x128xf32>
    %add3A_25 = arith.addf %get3A_21, %broadcast_in_dim3A_24 : vector<64x128xf32>
    %swap3A_26 = arith.constant 0 : index
    %swap3A_27 = arith.constant 0 : index
    %swap3A_28 = vector.load %arg5[%swap3A_26, %swap3A_27] : memref<64x128xf32, #tpu.memory_space<vmem>>, vector<64x128xf32>
    tpu.vector_store %arg5[%swap3A_26, %swap3A_27], %add3A_25 {strides = array<i32>} : memref<64x128xf32, #tpu.memory_space<vmem>>, vector<64x128xf32>,
    %eq3A_29 = arith.constant 9 : i32
    %eq3A_30 = arith.cmpi eq, %arg0, %eq3A_29 : i32
    %convert_element_type3A_31 = arith.extui %eq3A_30 : i1 to i32
    %cond3A_32 = arith.constant 0 : i32
    %cond3A_33 = arith.cmpi ne, %convert_element_type3A_31, %cond3A_32 : i32
    scf.if %cond3A_33 {
      %get3A_34 = arith.constant 0 : index
      %get3A_35 = arith.constant 0 : index
      %get3A_36 = vector.load %arg4[%get3A_34, %get3A_35] : memref<64x128xf32, #tpu.memory_space<vmem>>, vector<64x128xf32>
      %get3A_37 = arith.constant 0 : index
      %get3A_38 = arith.constant 0 : index
      %get3A_39 = vector.load %arg5[%get3A_37, %get3A_38] : memref<64x128xf32, #tpu.memory_space<vmem>>, vector<64x128xf32>
      %max3A = arith.constant 1.000000e+00 : f32
      %max3A_40 = vector.broadcast %max3A : f32 to vector<64x128xf32>
      %max3A_41 = arith.maximumf %get3A_39, %max3A_40 : vector<64x128xf32>
      %div3A = arith.divf %get3A_36, %max3A_41 : vector<64x128xf32>
      %swap3A_42 = arith.constant 0 : index
      %swap3A_43 = arith.constant 0 : index
      %swap3A_44 = vector.load %arg3[%swap3A_42, %swap3A_43] : memref<64x128xf32, #tpu.memory_space<vmem>>, vector<64x128xf32>
      tpu.vector_store %arg3[%swap3A_42, %swap3A_43], %div3A {strides = array<i32>} : memref<64x128xf32, #tpu.memory_space<vmem>>, vector<64x128xf32>,
    } else {
    }
    return
  }
  func.func @transform_0(%arg0: i32) -> (i32, i32, i32) {
    %c0_i32 = arith.constant 0 : i32
    %c0_i32_0 = arith.constant 0 : i32
    %c0_i32_1 = arith.constant 0 : i32
    return %arg0, %c0_i32, %c0_i32_0 : i32, i32, i32
  }
  func.func @transform_1(%arg0: i32) -> (i32, i32) {
    %c0_i32 = arith.constant 0 : i32
    %c0_i32_0 = arith.constant 0 : i32
    return %arg0, %c0_i32 : i32, i32
  }
  func.func @transform_2(%arg0: i32) -> (i32, i32) {
    %c0_i32 = arith.constant 0 : i32
    %c0_i32_0 = arith.constant 0 : i32
    %c0_i32_1 = arith.constant 0 : i32
    return %c0_i32, %c0_i32_0 : i32, i32
  }
}

</mosaic_0001>

<sc_bundles>
// kernel: kernel.13.cloned.1.call-start
scs
__scs_entry_jumppad:
0x0: {  	(pc) =	sbr.rel $0x88, $3  }
0x1: {  	(tag) =	ssettag $0x0;
	lr =	simm.s32 $0x1  }
0x2: {  	[smem:$0x3F85] =	sst lr;
	_ =	strace $0xD0000000  }
0x3: {  	_ = 	snop  }
0x4: {  	_ = 	snop  }
0x5: {  	_ = 	snop  }
0x6: {  	_ = 	snop  }
0x7: {  	_ = 	snop  }
__scs_overlays_trampoline_lowered:
0x8: {  	[smem:$0x3F94] =	sst s0  }
0x9: {  	[smem:$0x3F95] =	sst s1  }
0xa: {  	[smem:$0x3F96] =	sst s2  }
0xb: {  	[smem:$0x3F97] =	sst s3  }
0xc: {  	[smem:$0x3F98] =	sst s4  }
0xd: {  	[smem:$0x3F99] =	sst s5  }
0xe: {  	[smem:$0x3F9A] =	sst s6  }
0xf: {  	[smem:$0x3F9B] =	sst s7  }
0x10: {  	[smem:$0x3F9C] =	sst s8  }
0x11: {  	[smem:$0x3F9D] =	sst s9;
	s0 =	simm.s32 @!p0 $0x0  }
0x12: {  	s1 =	sld [smem:$0x3F83];
	s0 =	simm.s32 @p0 $0x1  }
0x13: {  	[smem:$0x3F9E] =	sst s0;
	s0 =	simm.s32 @!p1 $0x0  }
0x14: {  	s2 =	sld [smem:$0x3F82];
	s0 =	simm.s32 @p1 $0x1  }
0x15: {  	[smem:$0x3F9F] =	sst s0;
	s0 =	simm.s32 @!p2 $0x0  }
0x16: {  	s3 =	sld [smem:$0x3FDB];
	s0 =	simm.s32 @p2 $0x1  }
0x17: {  	s4 =	simm.s32 $0x1BF5;
	[smem:$0x3FA1] =	sst s0  }
0x18: {  	s0 =	sld [smem:$0x3F84];
	_ =	swait.ge [sflag:s4], $0x0  }
0x19: {  	s7 =	sld [smem:$0x3F85]  }
0x1a: {  	s8 =	sadd.s32 $0xFFFFE003, lr  }
0x1b: {  	s9 =	sadd.s32 $0xFFFFFEF7, lr;
	s5 =	simm.s32 $0xFFFFFFFF;
	p2 =	slt.u32 s8, $0xFFFFF086  }
0x1c: {  	p1 =	slt.u32 s9, $0xF7A;
	s5 =	simm.s32 @!p2 $0x0  }
0x1d: {  	s5 =	simm.s32 @p1 $0x1;
	p0 =	seq.s32 s7, s2  }
0x1e: {  	s7 =	smul.u32 @!p0 $0xF7A, s2;
	p2 =	seq.s32 @!p0 s5, $0x0  }
0x1f: {  	s9 =	smul.u32 $0xF7A, s1;
	s8 =	simm.s32 @!p0 $0x1BF5;
	p2 =	por !p2, p0  }
0x20: {  	[sflag:s8] =	ssyncset.s32 @!p0 $0xFFFFF086;
	s6 =	sadd.s32 @!p0 s3, s7;
	s7 =	simm.s32 @!p0 $0x108  }
0x21: {  	s3 =	sadd.s32 s3, s9;
	s6 =	sadd.s32 @!p0 $0x88, s6;
	s7 =	simm.s32 @p2 $0x1082  }
0x22: {  	[simem:s7], [sflag:s8] =	dma.local @!p0 [hbm:s6], $0xF7A  }
0x23: {  	s9 =	sor.u32 $0xD0000000, s2;
	s6 =	simm.s32 $0x108;
	_ =	swait.ge @!p0 [sflag:s8], $0x0  }
0x24: {  	s3 =	sadd.s32 $0x88, s3;
	s6 =	simm.s32 @!p1 $0x1082;
	[sflag:s4] =	ssyncset.s32 $0xFFFFF086  }
0x25: {  	[simem:s6], [sflag:s4] =	dma.local [hbm:s3], $0xF7A  }
0x26: {  	[smem:$0x3F85] =	sst s1;
	(tag) =	ssettag s2;
	_ =	strace s9  }
0x27: {  	s1 =	sld [smem:$0x3F95]  }
0x28: {  	s2 =	sld [smem:$0x3F96]  }
0x29: {  	s4 =	sld [smem:$0x3F98]  }
0x2a: {  	p0 =	seq.s32 s5, $0x0;
	s5 =	sld [smem:$0x3F99]  }
0x2b: {  	s6 =	sld [smem:$0x3F9A]  }
0x2c: {  	s7 =	sld [smem:$0x3F9B]  }
0x2d: {  	s3 =	simm.s32 $0x108;
	s8 =	sld [smem:$0x3F9C]  }
0x2e: {  	s3 =	simm.s32 @!p0 $0x1082;
	s9 =	sld [smem:$0x3F9D]  }
0x2f: {  	lr =	sadd.s32 s0, s3;
	s0 =	sld [smem:$0x3F94]  }
0x30: {  	s3 =	sld [smem:$0x3F97]  }
0x31: {  	[smem:$0x3FA0] =	sst s10  }
0x32: {  	s10 =	sld [smem:$0x3F9E];
	_ =	sdelay $0x3  }
0x33: {  	p0 =	seq.s32 s10, $0x1;
	s10 =	sld [smem:$0x3FA0];
	_ =	sdelay $0x3  }
0x34: {  	[smem:$0x3FA0] =	sst s10  }
0x35: {  	s10 =	sld [smem:$0x3F9F];
	_ =	sdelay $0x3  }
0x36: {  	p1 =	seq.s32 s10, $0x1;
	s10 =	sld [smem:$0x3FA0];
	_ =	sdelay $0x3  }
0x37: {  	[smem:$0x3FA0] =	sst s10  }
0x38: {  	s10 =	sld [smem:$0x3FA1]  }
0x39: {  	_ = 	snop;
	(pc) =	sbr.ind lr, $3  }
0x3a: {  	_ = 	snop  }
0x3b: {  	_ = 	snop  }
0x3c: {  	p2 =	seq.s32 s10, $0x1;
	s10 =	sld [smem:$0x3FA0]  }
0x3d: {  	_ =	shalt  }
0x3e: {  	_ =	shalt  }
0x3f: {  	_ =	shalt  }
0x40: {  	_ =	shalt  }
0x41: {  	_ =	shalt  }
0x42: {  	_ =	shalt  }
0x43: {  	_ =	shalt  }
0x44: {  	_ =	shalt  }
0x45: {  	_ =	shalt  }
0x46: {  	_ =	shalt  }
0x47: {  	_ =	shalt  }
0x48: {  	_ =	shalt  }
0x49: {  	_ =	shalt  }
0x4a: {  	_ =	shalt  }
0x4b: {  	_ =	shalt  }
0x4c: {  	_ =	shalt  }
0x4d: {  	_ =	shalt  }
0x4e: {  	_ =	shalt  }
0x4f: {  	_ =	shalt  }
0x50: {  	_ =	shalt  }
0x51: {  	_ =	shalt  }
0x52: {  	_ =	shalt  }
0x53: {  	_ =	shalt  }
0x54: {  	_ =	shalt  }
0x55: {  	_ =	shalt  }
0x56: {  	_ =	shalt  }
0x57: {  	_ =	shalt  }
0x58: {  	_ =	shalt  }
0x59: {  	_ =	shalt  }
0x5a: {  	_ =	shalt  }
0x5b: {  	_ =	shalt  }
0x5c: {  	_ =	shalt  }
0x5d: {  	_ =	shalt  }
0x5e: {  	_ =	shalt  }
0x5f: {  	_ =	shalt  }
0x60: {  	_ =	shalt  }
0x61: {  	_ =	shalt  }
0x62: {  	_ =	shalt  }
0x63: {  	_ =	shalt  }
0x64: {  	_ =	shalt  }
0x65: {  	_ =	shalt  }
0x66: {  	_ =	shalt  }
0x67: {  	_ =	shalt  }
0x68: {  	_ =	shalt  }
0x69: {  	_ =	shalt  }
0x6a: {  	_ =	shalt  }
0x6b: {  	_ =	shalt  }
0x6c: {  	_ =	shalt  }
0x6d: {  	_ =	shalt  }
0x6e: {  	_ =	shalt  }
0x6f: {  	_ =	shalt  }
0x70: {  	_ =	shalt  }
0x71: {  	_ =	shalt  }
0x72: {  	_ =	shalt  }
0x73: {  	_ =	shalt  }
0x74: {  	_ =	shalt  }
0x75: {  	_ =	shalt  }
0x76: {  	_ =	shalt  }
0x77: {  	_ =	shalt  }
0x78: {  	_ =	shalt  }
0x79: {  	_ =	shalt  }
0x7a: {  	_ =	shalt  }
0x7b: {  	_ =	shalt  }
0x7c: {  	_ =	shalt  }
0x7d: {  	_ =	shalt  }
0x7e: {  	_ =	shalt  }
0x7f: {  	_ =	shalt  }
0x80: {  	_ =	shalt  }
0x81: {  	_ =	shalt  }
0x82: {  	_ =	shalt  }
0x83: {  	_ =	shalt  }
0x84: {  	_ =	shalt  }
0x85: {  	_ =	shalt  }
0x86: {  	_ =	shalt  }
0x87: {  	_ =	shalt  }
.Lfunc_end0:
.L_simem_size_0:
called_computation_lowered:
.L_overlay_start_0:
0x88: {  	s2 =	sld [smem:$0x3FD9]  }
0x89: {  	s3 =	sld [smem:$0x3FFE];
	_ =	sdelay $0x1  }
0x8a: {  	s1 =	srdreg.scid  }
0x8b: {  	s0 =	sand.u32 $0x1, s1  }
0x8c: {  	s17 =	sshll.u32 s0, $0xA;
	s2 =	sadd.s32 s3, s2  }
0x8d: {  	s2 =	sadd.s32 s2, s17  }
0x8e: {  	[smem:$0x3FAC] =	sst s2  }
0x8f: {  	_ = 	snop  }
0x90: {  	s2 =	sld [smem:$0x3FC9];
	(tm) =	ssettm $0x1  }
0x91: {  	s18 =	sld [smem:$0x3FFB];
	_ =	sdelay $0x3  }
0x92: {  	_ =	strace s18  }
0x93: {  	s3 =	sld [smem:$0x3FFC];
	_ =	sdelay $0x3  }
0x94: {  	_ =	strace s3  }
0x95: {  	s3 =	sld [smem:$0x3FFD];
	_ =	sdelay $0x3  }
0x96: {  	_ =	strace s3  }
0x97: {  	_ =	strace $0x8FFFFFFF  }
0x98: {  	s19 =	sld [smem:$0x3FDB];
	_ =	sdelay $0x1  }
0x99: {  	s4 =	simm.s32 $_scs_section_size  }
0x9a: {  	s5 =	simm.s32 $_size__tile_overlayer_lowered;
	s6 =	simm.s32 $_tile_overlayer_lowered  }
0x9b: {  	s22 =	simm.s32 $0x1BFF;
	s21 =	sshll.u32 s6, $0x1;
	s3 =	sadd.s32 s4, s19  }
0x9c: {  	s7 =	simm.s32 $0x0;
	s20 =	sshll.u32 s5, $0x1;
	s5 =	sadd.s32 s21, s3  }
0x9d: {  	[timem:s7], [sflag:s22] =	dma.local [hbm:s5], s20  }
0x9e: {  	_ =	swait.ge [sflag:s22], s20  }
0x9f: {  	s4 =	ssub.s32 $0x0, s20;
	[sflag:s22] =	ssyncset.done $0x0  }
0xa0: {  	[sflag:s22] =	ssyncadd.s32 s4;
	_ =	sdelay $0x1  }
0xa1: {  	s23 =	simm.s32 $0x1B8B  }
0xa2: {  	_ =	swait.ge [sflag:s23], $0x1  }
0xa3: {  	[sflag:s23] =	ssyncset.done $0x0  }
0xa4: {  	s25 =	simm.s32 $0x1B8E;
	s24 =	sld [smem:$0x3FFE];
	[sflag:s23] =	ssyncadd.s32 $0xFFFFFFFF  }
0xa5: {  	s26 =	simm.s32 $execute0_lowered;
	[smem:$0x3FD2] =	sst s25  }
0xa6: {  	s5 =	sshll.u32 s26, $0x1;
	_ =	strace $0x80000046;
	[dreg:$0x1] =	wrdreg $0xFFFFFFFF  }
0xa7: {  	s28 =	simm.s32 $_size_execute0_lowered;
	s3 =	sadd.s32 s3, s5;
	[dreg:$0x0] =	wrdreg $0x0  }
0xa8: {  	s5 =	sshll.u32 s28, $0x1;
	[dreg:$0x2] =	wrdreg s3  }
0xa9: {  	[dreg:$0x3] =	wrdreg s5  }
0xaa: {  	[dreg:$0x4] =	wrdreg $0xC0  }
0xab: {  	_ =	task [dreg:s7], $0x5FFFF  }
0xac: {  	[dreg:$0x1] =	wrdreg $0xFFFFFFFF  }
0xad: {  	[dreg:$0x0] =	wrdreg $0x60  }
0xae: {  	[dreg:$0x2] =	wrdreg s2  }
0xaf: {  	[dreg:$0x3] =	wrdreg s24  }
0xb0: {  	[dreg:$0x4] =	wrdreg $0x91000  }
0xb1: {  	[dreg:$0x5] =	wrdreg $0x9  }
0xb2: {  	_ =	task.clear_ibuf [dreg:s7], $0x6FFFF;
	_ =	strace $0x90000046  }
0xb3: {  	s29 =	simm.s32 $0x9;
	_ =	strace $0x80000048  }
0xb4: {  	_ =	swait.ge [sflag:s29], $0x1  }
0xb5: {  	[sflag:s29] =	ssyncadd.s32 $0xFFFFFFFF  }
0xb6: {  	_ =	strace $0x90000048  }
0xb7: {  	_ =	sfence  }
0xb8: {  	s30 =	sld [smem:$0x0];
	_ =	sdelay $0x2  }
0xb9: {  	s31 =	sshll.u32 s1, $0xD;
	s1 =	sshrl.u32 s1, $0x2  }
0xba: {  	s3 =	sand.u32 $0x4000, s31;
	s1 =	sadd.s32 s1, s30  }
0xbb: {  	s0 =	sor.u32 s3, s0;
	s1 =	sshll.u32 s1, $0x11  }
0xbc: {  	s0 =	sor.u32 s1, s0  }
0xbd: {  	s0 =	sadd.s32 $0x8F2B, s0  }
0xbe: {  	[sflag:s0] =	ssyncadd.remote.s32 $0x1  }
0xbf: {  	_ =	sfence.sel $0xFFFF  }
0xc0: {  	[dreg:$0x0] =	wrdreg $0xFFFFFFFF;
	(pc) =	sbr.abs _section_cstart, $3  }
0xc1: {  	[dreg:$0x1] =	wrdreg $0xFFFFFFFF  }
0xc2: {  	_ =	task.clear_ibuf [dreg:s7], $0x2FFFF;
	_ =	strace $0x9FFFFFFF  }
0xc3: {  	(tm) =	ssettm $0x7FFFFFFF  }
tec
execute0_lowered:
.L_overlay_start_1:
0x0: {  	(tag) =	ssettag $0x1  }
0x1: {  	s1 =	rddreg [dreg:$0x0]  }
0x2: {  	s8 =	rddreg [dreg:$0x1]  }
0x3: {  	s2 =	rddreg [dreg:$0x2];
	s3 =	srdreg.scid  }
0x4: {  	s0 =	rddreg [dreg:$0x3];
	s4 =	simm.s32 $0x0;
	s16 =	simm.s32 $0x5100  }
0x5: {  	s17 =	simm.s32 $0x2;
	s18 =	simm.s32 $0x80;
	s19 =	simm.s32 $0x2900  }
0x6: {  	s20 =	simm.s32 $0x50;
	s21 =	simm.s32 $0x100;
	s22 =	simm.s32 $0x1  }
0x7: {  	s9 =	sand.u32 $0x1, s3;
	s3 =	stileid.u32;
	s5 =	sadd.s32 $0x4FB200, s8  }
0x8: {  	[smem:$0x7FF] =	sst s4;
	s6 =	sadd.s32 $0x4F1400, s8;
	s7 =	smul.u32 $0x140000, s9  }
0x9: {  	s10 =	smul.u32 $0x14000, s3;
	_ =	strace $0x80000047;
	s12 =	ssub.s32 $0x2, s9  }
0xa: {  	s11 =	smul.u32 $0x50000, s3;
	s9 =	sshll.u32 s9, $0x4;
	s30 =	sshrl.u32 s12, $0x1  }
0xb: {  	s13 =	sor.u32 s3, s9;
	s10 =	sadd.s32 s10, s7;
	s7 =	sadd.s32 $0x4E7600, s8  }
0xc: {  	s31 =	sshrl.u32 s11, $0x2;
	s15 =	ssub.s32 s12, s30;
	s10 =	sshrl.u32 s10, $0x3  }
0xd: {  	s13 =	smul.u32 $0x2710, s13;
	s14 =	sadd.s32 s10, s8;
	s8 =	sadd.s32 s31, s2  }
0xe: {  	s15 =	smax.u32 s15, $0x1;
	s9 =	sadd.s32 $0x4000, s8;
	s10 =	sadd.s32 $0x8000, s8  }
0xf: {  	v0 =	vimm.f32 $0.0e+00;
	s11 =	sadd.s32 $0xC000, s8;
	s12 =	sadd.s32 $0x10000, s8;
	s14 =	sadd.s32 $0x5600, s14  }
.LBB2_1:
0x10: {  	s23 =	simm.s32 $0x0;
	s24 =	simm.s32 $0x200  }
.LBB2_2:
0x11: {  	p0 =	sne.s32 s24, $0xFE00;
	[tilespmem:s23+$0x5170] =	vst v0  }
0x12: {  	[tilespmem:s23+$0x5100] =	vst v0  }
0x13: {  	[tilespmem:s23+$0x5110] =	vst v0  }
.Ltmp0:
0x14: {  	[tilespmem:s23+$0x5120] =	vst v0;
	(pc) =	sbr.rel @p0 .LBB2_2-.Ltmp0, $4  }
0x15: {  	[tilespmem:s23+$0x5130] =	vst v0  }
0x16: {  	[tilespmem:s23+$0x5140] =	vst v0  }
0x17: {  	[tilespmem:s23+$0x5150] =	vst v0  }
0x18: {  	[tilespmem:s23+$0x5160] =	vst v0;
	s23 =	sshra.s32 s24, $0x2;
	s24 =	sadd.s32 $0x200, s24  }
0x19: {  	[tilespmem:s23+$0x5170] =	vst v0  }
0x1a: {  	[tilespmem:s23+$0x5100] =	vst v0  }
0x1b: {  	[tilespmem:s23+$0x5110] =	vst v0  }
0x1c: {  	[tilespmem:s23+$0x5120] =	vst v0  }
0x1d: {  	[tilespmem:s23+$0x5130] =	vst v0  }
0x1e: {  	[tilespmem:s23+$0x5140] =	vst v0  }
0x1f: {  	[tilespmem:s23+$0x5150] =	vst v0  }
0x20: {  	[tilespmem:s23+$0x5160] =	vst v0  }
0x21: {  	[spmem:s8] =	stream.linear.scatter [tilespmem:s16], [sflag:$0x2], $0x4000, $0x38;
	[tilespmem:$0x1D100] =	vst v63  }
0x22: {  	_ =	swait.ge [sflag:s17], $0x4000  }
0x23: {  	[sflag:s17] =	ssyncset.done $0x0  }
0x24: {  	[sflag:s17] =	ssyncadd.s32 $0xFFFFC000  }
0x25: {  	[spmem:s9] =	stream.linear.scatter [tilespmem:s16], [sflag:$0x2], $0x4000, $0x38;
	[tilespmem:$0x1D100] =	vst v63  }
0x26: {  	_ =	swait.ge [sflag:s17], $0x4000  }
0x27: {  	[sflag:s17] =	ssyncset.done $0x0  }
0x28: {  	[sflag:s17] =	ssyncadd.s32 $0xFFFFC000  }
0x29: {  	[spmem:s10] =	stream.linear.scatter [tilespmem:s16], [sflag:$0x2], $0x4000, $0x38;
	[tilespmem:$0x1D100] =	vst v63  }
0x2a: {  	_ =	swait.ge [sflag:s17], $0x4000  }
0x2b: {  	[sflag:s17] =	ssyncset.done $0x0  }
0x2c: {  	[sflag:s17] =	ssyncadd.s32 $0xFFFFC000  }
0x2d: {  	[spmem:s11] =	stream.linear.scatter [tilespmem:s16], [sflag:$0x2], $0x4000, $0x38;
	[tilespmem:$0x1D100] =	vst v63  }
0x2e: {  	_ =	swait.ge [sflag:s17], $0x4000  }
0x2f: {  	[sflag:s17] =	ssyncset.done $0x0  }
0x30: {  	[sflag:s17] =	ssyncadd.s32 $0xFFFFC000  }
0x31: {  	[spmem:s12] =	stream.linear.scatter [tilespmem:s16], [sflag:$0x2], $0x4000, $0x38;
	[tilespmem:$0x1D100] =	vst v63  }
0x32: {  	_ =	swait.ge [sflag:s17], $0x4000  }
0x33: {  	[sflag:s17] =	ssyncset.done $0x0  }
0x34: {  	[sflag:s17] =	ssyncadd.s32 $0xFFFFC000  }
0x35: {  	s23 =	simm.s32 $0x0;
	s24 =	simm.s32 $0x0;
	[bflag:$0x0] =	sbarrier.arrive $0xFFFF  }
.LBB2_4:
0x36: {  	s25 =	smul.u32 $0x50, s24;
	_ =	sdelay $0x1  }
0x37: {  	s25 =	sadd.s32 s13, s25  }
0x38: {  	s26 =	sshrl.u32 s25, $0x3  }
0x39: {  	s28 =	sadd.s32 s6, s26  }
0x3a: {  	[tilespmem:s23], [sflag:$0x2] =	stream.linear.gather [hbm4b:s28+s23], $0x50, $0x38;
	[tilespmem:$0x1D100] =	vst v63  }
0x3b: {  	_ =	swait.ge [sflag:s17], $0x50  }
0x3c: {  	[sflag:s17] =	ssyncset.done $0x0  }
0x3d: {  	s26 =	sadd.s32 s7, s26;
	[sflag:s17] =	ssyncadd.s32 $0xFFFFFFB0  }
0x3e: {  	[tilespmem:s18], [sflag:$0x2] =	stream.linear.gather [hbm4b:s26+s23], $0x50, $0x38;
	[tilespmem:$0x1D100] =	vst v63  }
0x3f: {  	_ =	swait.ge [sflag:s17], $0x50  }
0x40: {  	s25 =	sshll.u32 s25, $0x4;
	[sflag:s17] =	ssyncset.done $0x0  }
0x41: {  	s25 =	sadd.s32 s5, s25;
	[sflag:s17] =	ssyncadd.s32 $0xFFFFFFB0  }
0x42: {  	[tilespmem:s19], [sflag:$0x2] =	stream.linear.gather [hbm4b:s25+s23], $0x2800, $0x38;
	[tilespmem:$0x1D100] =	vst v63  }
0x43: {  	_ =	swait.ge [sflag:s17], $0x2800  }
0x44: {  	[sflag:s17] =	ssyncset.done $0x0  }
0x45: {  	[sflag:s17] =	ssyncadd.s32 $0xFFFFD800  }
0x46: {  	[tilespmem:s21], [sflag:$0x1] =	stream.indirect.gather [hbm4b:s1+s20], $0x80, s23, s20, $0xb8;
	[tilespmem:$0x1D100] =	vst v63  }
0x47: {  	_ =	swait.ge [sflag:s22], $0x2800  }
0x48: {  	[sflag:s22] =	ssyncset.done $0x0  }
0x49: {  	s25 =	simm.s32 $0x0;
	[sflag:s22] =	ssyncadd.s32 $0xFFFFD800  }
0x4a: {  	v7 =	vld [tilespmem:s25+$0x2900]  }
0x4b: {  	v12 =	vld [tilespmem:s25+$0x2910]  }
0x4c: {  	v6 =	vld [tilespmem:s25+$0x2920]  }
0x4d: {  	v5 =	vld [tilespmem:s25+$0x2930]  }
0x4e: {  	v4 =	vld [tilespmem:s25+$0x2940]  }
0x4f: {  	v3 =	vld [tilespmem:s25+$0x2950]  }
0x50: {  	v2 =	vld [tilespmem:s25+$0x2960]  }
0x51: {  	v1 =	vld [tilespmem:s25+$0x2970]  }
0x52: {  	v13 =	vld [tilespmem:s25+$0x100]  }
0x53: {  	v14 =	vld [tilespmem:s25+$0x110]  }
0x54: {  	v11 =	vld [tilespmem:s25+$0x120]  }
0x55: {  	v10 =	vld [tilespmem:s25+$0x130]  }
0x56: {  	v9 =	vld [tilespmem:s25+$0x140]  }
0x57: {  	v8 =	vld [tilespmem:s25+$0x150];
	v13 =	vadd.f32 v7, v13  }
0x58: {  	s26 =	simm.s32 $0x200;
	v12 =	vadd.f32 v12, v14;
	v7 =	vld [tilespmem:s25+$0x160]  }
.LBB2_5:
0x59: {  	s28 =	sshra.s32 s26, $0x2;
	p0 =	sne.s32 s26, $0x9E00;
	v13 =	vmax.f32 v13, $0.0e+00;
	v6 =	vadd.f32 v6, v11;
	v11 =	vld [tilespmem:s25+$0x170]  }
0x5a: {  	v14 =	vld [tilespmem:s28+$0x2900];
	[tilespmem:s25+$0x100] =	vst v13;
	v12 =	vmax.f32 v12, $0.0e+00;
	v5 =	vadd.f32 v5, v10  }
0x5b: {  	v15 =	vld [tilespmem:s28+$0x2910];
	[tilespmem:s25+$0x110] =	vst v12;
	v10 =	vmax.f32 v6, $0.0e+00;
	v4 =	vadd.f32 v4, v9  }
0x5c: {  	v6 =	vld [tilespmem:s28+$0x2920];
	[tilespmem:s25+$0x120] =	vst v10;
	v9 =	vmax.f32 v5, $0.0e+00;
	v3 =	vadd.f32 v3, v8  }
0x5d: {  	v5 =	vld [tilespmem:s28+$0x2930];
	[tilespmem:s25+$0x130] =	vst v9;
	v8 =	vmax.f32 v4, $0.0e+00;
	v2 =	vadd.f32 v2, v7  }
0x5e: {  	v4 =	vld [tilespmem:s28+$0x2940];
	[tilespmem:s25+$0x140] =	vst v8;
	v7 =	vmax.f32 v3, $0.0e+00;
	v1 =	vadd.f32 v1, v11  }
0x5f: {  	v3 =	vld [tilespmem:s28+$0x2950];
	[tilespmem:s25+$0x150] =	vst v7;
	v7 =	vmax.f32 v2, $0.0e+00  }
0x60: {  	v2 =	vld [tilespmem:s28+$0x2960];
	[tilespmem:s25+$0x160] =	vst v7;
	v7 =	vmax.f32 v1, $0.0e+00  }
0x61: {  	v1 =	vld [tilespmem:s28+$0x2970];
	[tilespmem:s25+$0x170] =	vst v7;
	s25 =	smov.u32 s28  }
0x62: {  	v7 =	vld [tilespmem:s25+$0x100]  }
0x63: {  	v12 =	vld [tilespmem:s25+$0x110]  }
.Ltmp1:
0x64: {  	v11 =	vld [tilespmem:s25+$0x120];
	(pc) =	sbr.rel @p0 .LBB2_5-.Ltmp1, $4  }
0x65: {  	v10 =	vld [tilespmem:s25+$0x130]  }
0x66: {  	v9 =	vld [tilespmem:s25+$0x140]  }
0x67: {  	v13 =	vadd.f32 v14, v7;
	v8 =	vld [tilespmem:s25+$0x150]  }
0x68: {  	s26 =	sadd.s32 $0x200, s26;
	v12 =	vadd.f32 v15, v12;
	v7 =	vld [tilespmem:s25+$0x160]  }
0x69: {  	v13 =	vmax.f32 v13, $0.0e+00;
	v6 =	vadd.f32 v6, v11;
	v63 =	vld [tilespmem:s25+$0x170]  }
0x6a: {  	[tilespmem:s25+$0x100] =	vst v13;
	v12 =	vmax.f32 v12, $0.0e+00;
	v5 =	vadd.f32 v5, v10  }
0x6b: {  	[tilespmem:s25+$0x110] =	vst v12;
	v6 =	vmax.f32 v6, $0.0e+00;
	v4 =	vadd.f32 v4, v9  }
0x6c: {  	[tilespmem:s25+$0x120] =	vst v6;
	v5 =	vmax.f32 v5, $0.0e+00;
	v3 =	vadd.f32 v3, v8  }
0x6d: {  	[tilespmem:s25+$0x130] =	vst v5;
	v4 =	vmax.f32 v4, $0.0e+00;
	v2 =	vadd.f32 v2, v7  }
0x6e: {  	[tilespmem:s25+$0x140] =	vst v4;
	v3 =	vmax.f32 v3, $0.0e+00;
	v1 =	vadd.f32 v1, v63  }
0x6f: {  	s24 =	sadd.s32 $0x1, s24;
	[tilespmem:s25+$0x150] =	vst v3;
	v2 =	vmax.f32 v2, $0.0e+00  }
0x70: {  	p0 =	sne.s32 s24, $0x7D;
	[tilespmem:s25+$0x160] =	vst v2;
	v1 =	vmax.f32 v1, $0.0e+00  }
.Ltmp2:
0x71: {  	[tilespmem:s25+$0x170] =	vst v1;
	(pc) =	sbr.rel @p0 .LBB2_4-.Ltmp2, $4  }
0x72: {  	[spmem:s2] =	stream.indirect.scatter.add.f32 [tilespmem:s21], [sflag:$0x2], $0x80, s18, s20, $0xb8;
	[tilespmem:$0x1D100] =	vst v63  }
0x73: {  	_ =	swait.ge [sflag:s17], $0x2800  }
0x74: {  	[sflag:s17] =	ssyncset.done $0x0  }
0x75: {  	[sflag:s17] =	ssyncadd.s32 $0xFFFFD800  }
0x76: {  	s4 =	sadd.s32 $0x1, s4  }
0x77: {  	s23 =	sshll.u32 s3, $0x6;
	[bflag:$0x0] =	sbarrier.arrive $0xFFFF;
	p0 =	sne.s32 s4, s15  }
.Ltmp3:
0x78: {  	s24 =	sshrl.u32 s8, $0x3;
	s23 =	sor.u32 $0x1C02, s23;
	(pc) =	sbr.rel @p0 .LBB2_1-.Ltmp3, $4  }
0x79: {  	[hbm:s14], [sflag:s23] =	dma.local [spmem:s24], $0x2800  }
0x7a: {  	_ =	swait.ge [sflag:s17], $0x2800  }
0x7b: {  	[sflag:s17] =	ssyncset.done $0x0  }
0x7c: {  	[sflag:s17] =	ssyncadd.s32 $0xFFFFD800  }
0x7d: {  	_ =	sfence.sel $0x180000  }
0x7e: {  	[bflag:$0x0] =	sbarrier.arrive $0xFFFF  }
0x7f: {  	p0 =	sne.s32 s3, $0x0;
	_ =	strace $0x90000047  }
0x80: {  	s0 =	sadd.s32 @!p0 $0x100000, s0;
	[bflag:$0x2] =	sbarrier.arrive $0xFFFF  }
0x81: {  	[sflag:s0] =	ssyncadd.tile.s32 @!p0 $0x1;
	_ =	shalt  }
.Lfunc_end2:
_tile_overlayer_lowered:
.L_overlay_start_2:
0x82: {  	(tag) =	ssettag $0x2  }
0x83: {  	s0 =	rddreg [dreg:$0x0];
	s2 =	stileid.u32  }
0x84: {  	s1 =	rddreg [dreg:$0x1];
	p0 =	sne.s32 s2, $0x0  }
0x85: {  	s3 =	rddreg [dreg:$0x2];
	[bflag:$0x3] =	sbarrier.arrive $0xFFFF;
	s2 =	simm.s32 @!p0 $0x1C02  }
0x86: {  	[timem:s3], [sflag:s2] =	dma.local @!p0 [hbm:s0], s1  }
0x87: {  	s0 =	simm.s32 @!p0 $0x2  }
0x88: {  	_ =	swait.ge @!p0 [sflag:s0], s1  }
0x89: {  	s1 =	ssub.s32 @!p0 $0x0, s1;
	[sflag:s0] =	ssyncset.done @!p0 $0x0  }
0x8a: {  	[sflag:s0] =	ssyncadd.s32 @!p0 s1  }
0x8b: {  	[bflag:$0x3] =	sbarrier.arrive $0xFFFF  }
0x8c: {  	_ =	shalt  }

// kernel: kernel.16.cloned.1.call-start
scs
__scs_entry_jumppad:
0x0: {  	(pc) =	sbr.rel $0x88, $3  }
0x1: {  	(tag) =	ssettag $0x0;
	lr =	simm.s32 $0x1  }
0x2: {  	[smem:$0x3F85] =	sst lr;
	_ =	strace $0xD0000000  }
0x3: {  	_ = 	snop  }
0x4: {  	_ = 	snop  }
0x5: {  	_ = 	snop  }
0x6: {  	_ = 	snop  }
0x7: {  	_ = 	snop  }
__scs_overlays_trampoline_lowered:
0x8: {  	[smem:$0x3F94] =	sst s0  }
0x9: {  	[smem:$0x3F95] =	sst s1  }
0xa: {  	[smem:$0x3F96] =	sst s2  }
0xb: {  	[smem:$0x3F97] =	sst s3  }
0xc: {  	[smem:$0x3F98] =	sst s4  }
0xd: {  	[smem:$0x3F99] =	sst s5  }
0xe: {  	[smem:$0x3F9A] =	sst s6  }
0xf: {  	[smem:$0x3F9B] =	sst s7  }
0x10: {  	[smem:$0x3F9C] =	sst s8  }
0x11: {  	[smem:$0x3F9D] =	sst s9;
	s0 =	simm.s32 @!p0 $0x0  }
0x12: {  	s1 =	sld [smem:$0x3F83];
	s0 =	simm.s32 @p0 $0x1  }
0x13: {  	[smem:$0x3F9E] =	sst s0;
	s0 =	simm.s32 @!p1 $0x0  }
0x14: {  	s2 =	sld [smem:$0x3F82];
	s0 =	simm.s32 @p1 $0x1  }
0x15: {  	[smem:$0x3F9F] =	sst s0;
	s0 =	simm.s32 @!p2 $0x0  }
0x16: {  	s3 =	sld [smem:$0x3FDB];
	s0 =	simm.s32 @p2 $0x1  }
0x17: {  	s4 =	simm.s32 $0x1BF5;
	[smem:$0x3FA1] =	sst s0  }
0x18: {  	s0 =	sld [smem:$0x3F84];
	_ =	swait.ge [sflag:s4], $0x0  }
0x19: {  	s7 =	sld [smem:$0x3F85]  }
0x1a: {  	s8 =	sadd.s32 $0xFFFFE003, lr  }
0x1b: {  	s9 =	sadd.s32 $0xFFFFFEF7, lr;
	s5 =	simm.s32 $0xFFFFFFFF;
	p2 =	slt.u32 s8, $0xFFFFF086  }
0x1c: {  	p1 =	slt.u32 s9, $0xF7A;
	s5 =	simm.s32 @!p2 $0x0  }
0x1d: {  	s5 =	simm.s32 @p1 $0x1;
	p0 =	seq.s32 s7, s2  }
0x1e: {  	s7 =	smul.u32 @!p0 $0xF7A, s2;
	p2 =	seq.s32 @!p0 s5, $0x0  }
0x1f: {  	s9 =	smul.u32 $0xF7A, s1;
	s8 =	simm.s32 @!p0 $0x1BF5;
	p2 =	por !p2, p0  }
0x20: {  	[sflag:s8] =	ssyncset.s32 @!p0 $0xFFFFF086;
	s6 =	sadd.s32 @!p0 s3, s7;
	s7 =	simm.s32 @!p0 $0x108  }
0x21: {  	s3 =	sadd.s32 s3, s9;
	s6 =	sadd.s32 @!p0 $0x88, s6;
	s7 =	simm.s32 @p2 $0x1082  }
0x22: {  	[simem:s7], [sflag:s8] =	dma.local @!p0 [hbm:s6], $0xF7A  }
0x23: {  	s9 =	sor.u32 $0xD0000000, s2;
	s6 =	simm.s32 $0x108;
	_ =	swait.ge @!p0 [sflag:s8], $0x0  }
0x24: {  	s3 =	sadd.s32 $0x88, s3;
	s6 =	simm.s32 @!p1 $0x1082;
	[sflag:s4] =	ssyncset.s32 $0xFFFFF086  }
0x25: {  	[simem:s6], [sflag:s4] =	dma.local [hbm:s3], $0xF7A  }
0x26: {  	[smem:$0x3F85] =	sst s1;
	(tag) =	ssettag s2;
	_ =	strace s9  }
0x27: {  	s1 =	sld [smem:$0x3F95]  }
0x28: {  	s2 =	sld [smem:$0x3F96]  }
0x29: {  	s4 =	sld [smem:$0x3F98]  }
0x2a: {  	p0 =	seq.s32 s5, $0x0;
	s5 =	sld [smem:$0x3F99]  }
0x2b: {  	s6 =	sld [smem:$0x3F9A]  }
0x2c: {  	s7 =	sld [smem:$0x3F9B]  }
0x2d: {  	s3 =	simm.s32 $0x108;
	s8 =	sld [smem:$0x3F9C]  }
0x2e: {  	s3 =	simm.s32 @!p0 $0x1082;
	s9 =	sld [smem:$0x3F9D]  }
0x2f: {  	lr =	sadd.s32 s0, s3;
	s0 =	sld [smem:$0x3F94]  }
0x30: {  	s3 =	sld [smem:$0x3F97]  }
0x31: {  	[smem:$0x3FA0] =	sst s10  }
0x32: {  	s10 =	sld [smem:$0x3F9E];
	_ =	sdelay $0x3  }
0x33: {  	p0 =	seq.s32 s10, $0x1;
	s10 =	sld [smem:$0x3FA0];
	_ =	sdelay $0x3  }
0x34: {  	[smem:$0x3FA0] =	sst s10  }
0x35: {  	s10 =	sld [smem:$0x3F9F];
	_ =	sdelay $0x3  }
0x36: {  	p1 =	seq.s32 s10, $0x1;
	s10 =	sld [smem:$0x3FA0];
	_ =	sdelay $0x3  }
0x37: {  	[smem:$0x3FA0] =	sst s10  }
0x38: {  	s10 =	sld [smem:$0x3FA1]  }
0x39: {  	_ = 	snop;
	(pc) =	sbr.ind lr, $3  }
0x3a: {  	_ = 	snop  }
0x3b: {  	_ = 	snop  }
0x3c: {  	p2 =	seq.s32 s10, $0x1;
	s10 =	sld [smem:$0x3FA0]  }
0x3d: {  	_ =	shalt  }
0x3e: {  	_ =	shalt  }
0x3f: {  	_ =	shalt  }
0x40: {  	_ =	shalt  }
0x41: {  	_ =	shalt  }
0x42: {  	_ =	shalt  }
0x43: {  	_ =	shalt  }
0x44: {  	_ =	shalt  }
0x45: {  	_ =	shalt  }
0x46: {  	_ =	shalt  }
0x47: {  	_ =	shalt  }
0x48: {  	_ =	shalt  }
0x49: {  	_ =	shalt  }
0x4a: {  	_ =	shalt  }
0x4b: {  	_ =	shalt  }
0x4c: {  	_ =	shalt  }
0x4d: {  	_ =	shalt  }
0x4e: {  	_ =	shalt  }
0x4f: {  	_ =	shalt  }
0x50: {  	_ =	shalt  }
0x51: {  	_ =	shalt  }
0x52: {  	_ =	shalt  }
0x53: {  	_ =	shalt  }
0x54: {  	_ =	shalt  }
0x55: {  	_ =	shalt  }
0x56: {  	_ =	shalt  }
0x57: {  	_ =	shalt  }
0x58: {  	_ =	shalt  }
0x59: {  	_ =	shalt  }
0x5a: {  	_ =	shalt  }
0x5b: {  	_ =	shalt  }
0x5c: {  	_ =	shalt  }
0x5d: {  	_ =	shalt  }
0x5e: {  	_ =	shalt  }
0x5f: {  	_ =	shalt  }
0x60: {  	_ =	shalt  }
0x61: {  	_ =	shalt  }
0x62: {  	_ =	shalt  }
0x63: {  	_ =	shalt  }
0x64: {  	_ =	shalt  }
0x65: {  	_ =	shalt  }
0x66: {  	_ =	shalt  }
0x67: {  	_ =	shalt  }
0x68: {  	_ =	shalt  }
0x69: {  	_ =	shalt  }
0x6a: {  	_ =	shalt  }
0x6b: {  	_ =	shalt  }
0x6c: {  	_ =	shalt  }
0x6d: {  	_ =	shalt  }
0x6e: {  	_ =	shalt  }
0x6f: {  	_ =	shalt  }
0x70: {  	_ =	shalt  }
0x71: {  	_ =	shalt  }
0x72: {  	_ =	shalt  }
0x73: {  	_ =	shalt  }
0x74: {  	_ =	shalt  }
0x75: {  	_ =	shalt  }
0x76: {  	_ =	shalt  }
0x77: {  	_ =	shalt  }
0x78: {  	_ =	shalt  }
0x79: {  	_ =	shalt  }
0x7a: {  	_ =	shalt  }
0x7b: {  	_ =	shalt  }
0x7c: {  	_ =	shalt  }
0x7d: {  	_ =	shalt  }
0x7e: {  	_ =	shalt  }
0x7f: {  	_ =	shalt  }
0x80: {  	_ =	shalt  }
0x81: {  	_ =	shalt  }
0x82: {  	_ =	shalt  }
0x83: {  	_ =	shalt  }
0x84: {  	_ =	shalt  }
0x85: {  	_ =	shalt  }
0x86: {  	_ =	shalt  }
0x87: {  	_ =	shalt  }
.Lfunc_end0:
.L_simem_size_0:
called_computation.1_lowered:
.L_overlay_start_0:
0x88: {  	s2 =	sld [smem:$0x3FD9]  }
0x89: {  	s3 =	sld [smem:$0x3FFE];
	_ =	sdelay $0x1  }
0x8a: {  	s1 =	srdreg.scid  }
0x8b: {  	s0 =	sand.u32 $0x1, s1  }
0x8c: {  	s16 =	sshll.u32 s0, $0xA;
	s2 =	sadd.s32 s3, s2  }
0x8d: {  	s2 =	sadd.s32 s2, s16  }
0x8e: {  	[smem:$0x3FAC] =	sst s2  }
0x8f: {  	_ = 	snop  }
0x90: {  	(tm) =	ssettm $0x1  }
0x91: {  	s17 =	sld [smem:$0x3FFB];
	_ =	sdelay $0x3  }
0x92: {  	_ =	strace s17  }
0x93: {  	s2 =	sld [smem:$0x3FFC];
	_ =	sdelay $0x3  }
0x94: {  	_ =	strace s2  }
0x95: {  	s2 =	sld [smem:$0x3FFD];
	_ =	sdelay $0x3  }
0x96: {  	_ =	strace s2  }
0x97: {  	_ =	strace $0x8FFFFFFF  }
0x98: {  	s18 =	sld [smem:$0x3FDB];
	_ =	sdelay $0x1  }
0x99: {  	s19 =	simm.s32 $_scs_section_size  }
0x9a: {  	s4 =	simm.s32 $_size__tile_overlayer_lowered;
	s5 =	simm.s32 $_tile_overlayer_lowered  }
0x9b: {  	s22 =	simm.s32 $0x1BFF;
	s21 =	sshll.u32 s5, $0x1;
	s2 =	sadd.s32 s19, s18  }
0x9c: {  	s6 =	simm.s32 $0x0;
	s20 =	sshll.u32 s4, $0x1;
	s4 =	sadd.s32 s21, s2  }
0x9d: {  	[timem:s6], [sflag:s22] =	dma.local [hbm:s4], s20  }
0x9e: {  	_ =	swait.ge [sflag:s22], s20  }
0x9f: {  	s3 =	ssub.s32 $0x0, s20;
	[sflag:s22] =	ssyncset.done $0x0  }
0xa0: {  	[sflag:s22] =	ssyncadd.s32 s3;
	_ =	sdelay $0x1  }
0xa1: {  	s23 =	simm.s32 $0x1B8B  }
0xa2: {  	_ =	swait.ge [sflag:s23], $0x1  }
0xa3: {  	[sflag:s23] =	ssyncset.done $0x0  }
0xa4: {  	s25 =	simm.s32 $0x1B8E;
	s24 =	sld [smem:$0x3FFE];
	[sflag:s23] =	ssyncadd.s32 $0xFFFFFFFF  }
0xa5: {  	s26 =	simm.s32 $execute0_lowered;
	[smem:$0x3FD2] =	sst s25  }
0xa6: {  	s4 =	sshll.u32 s26, $0x1;
	_ =	strace $0x80000049;
	[dreg:$0x1] =	wrdreg $0xFFFFFFFF  }
0xa7: {  	s28 =	simm.s32 $_size_execute0_lowered;
	s2 =	sadd.s32 s2, s4;
	[dreg:$0x0] =	wrdreg $0x0  }
0xa8: {  	s4 =	sshll.u32 s28, $0x1;
	[dreg:$0x2] =	wrdreg s2  }
0xa9: {  	[dreg:$0x3] =	wrdreg s4  }
0xaa: {  	[dreg:$0x4] =	wrdreg $0xC0  }
0xab: {  	_ =	task [dreg:s6], $0x5FFFF  }
0xac: {  	[dreg:$0x1] =	wrdreg $0xFFFFFFFF  }
0xad: {  	[dreg:$0x0] =	wrdreg $0x60  }
0xae: {  	[dreg:$0x2] =	wrdreg s24  }
0xaf: {  	[dreg:$0x3] =	wrdreg $0x91000  }
0xb0: {  	[dreg:$0x4] =	wrdreg $0x9  }
0xb1: {  	_ =	task.clear_ibuf [dreg:s6], $0x5FFFF;
	_ =	strace $0x90000049  }
0xb2: {  	s29 =	simm.s32 $0x9;
	_ =	strace $0x8000004B  }
0xb3: {  	_ =	swait.ge [sflag:s29], $0x1  }
0xb4: {  	[sflag:s29] =	ssyncadd.s32 $0xFFFFFFFF  }
0xb5: {  	_ =	strace $0x9000004B  }
0xb6: {  	_ =	sfence  }
0xb7: {  	s30 =	sld [smem:$0x0];
	_ =	sdelay $0x2  }
0xb8: {  	s31 =	sshll.u32 s1, $0xD;
	s1 =	sshrl.u32 s1, $0x2  }
0xb9: {  	s3 =	sand.u32 $0x4000, s31;
	s1 =	sadd.s32 s1, s30  }
0xba: {  	s0 =	sor.u32 s3, s0;
	s1 =	sshll.u32 s1, $0x11  }
0xbb: {  	s0 =	sor.u32 s1, s0  }
0xbc: {  	s0 =	sadd.s32 $0x8F2B, s0  }
0xbd: {  	[sflag:s0] =	ssyncadd.remote.s32 $0x1  }
0xbe: {  	_ =	sfence.sel $0xFFFF  }
0xbf: {  	[dreg:$0x0] =	wrdreg $0xFFFFFFFF;
	(pc) =	sbr.abs _section_cstart, $3  }
0xc0: {  	[dreg:$0x1] =	wrdreg $0xFFFFFFFF  }
0xc1: {  	_ =	task.clear_ibuf [dreg:s6], $0x2FFFF;
	_ =	strace $0x9FFFFFFF  }
0xc2: {  	(tm) =	ssettm $0x7FFFFFFF  }
0xc3: {  	_ =	shalt  }
tec
execute0_lowered:
.L_overlay_start_1:
0x0: {  	(tag) =	ssettag $0x1  }
0x1: {  	s8 =	rddreg [dreg:$0x0]  }
0x2: {  	s1 =	rddreg [dreg:$0x1]  }
0x3: {  	s0 =	rddreg [dreg:$0x2];
	s3 =	simm.s32 $0x0  }
0x4: {  	s2 =	srdreg.scid;
	s16 =	simm.s32 $0x5100;
	s17 =	simm.s32 $0x2  }
0x5: {  	s18 =	simm.s32 $0x80;
	s19 =	simm.s32 $0x2900;
	s20 =	simm.s32 $0x50  }
0x6: {  	s21 =	simm.s32 $0x100;
	s22 =	simm.s32 $0x1;
	[smem:$0x7FF] =	sst s3  }
0x7: {  	s9 =	sand.u32 $0x1, s2;
	s2 =	stileid.u32;
	s5 =	sadd.s32 $0x9DD200, s8  }
0x8: {  	s4 =	sadd.s32 $0x5600, s8;
	s6 =	sadd.s32 $0x4F1400, s8;
	s7 =	smul.u32 $0x140000, s9  }
0x9: {  	_ =	strace $0x8000004A;
	s10 =	smul.u32 $0x14000, s2;
	s12 =	ssub.s32 $0x2, s9  }
0xa: {  	s11 =	smul.u32 $0x50000, s2;
	s9 =	sshll.u32 s9, $0x4;
	s30 =	sshrl.u32 s12, $0x1  }
0xb: {  	s13 =	sor.u32 s2, s9;
	s10 =	sadd.s32 s10, s7;
	s7 =	sadd.s32 $0x4E7600, s8  }
0xc: {  	s31 =	sshrl.u32 s11, $0x2;
	s15 =	ssub.s32 s12, s30;
	s10 =	sshrl.u32 s10, $0x3  }
0xd: {  	s13 =	smul.u32 $0x2710, s13;
	s14 =	sadd.s32 s10, s8;
	s8 =	sadd.s32 s31, s1  }
0xe: {  	s15 =	smax.u32 s15, $0x1;
	s9 =	sadd.s32 $0x4000, s8;
	s10 =	sadd.s32 $0x8000, s8  }
0xf: {  	v0 =	vimm.f32 $0.0e+00;
	s11 =	sadd.s32 $0xC000, s8;
	s12 =	sadd.s32 $0x10000, s8;
	s14 =	sadd.s32 $0x2C800, s14  }
.LBB2_1:
0x10: {  	s23 =	simm.s32 $0x0;
	s24 =	simm.s32 $0x200  }
.LBB2_2:
0x11: {  	p0 =	sne.s32 s24, $0xFE00;
	[tilespmem:s23+$0x5170] =	vst v0  }
0x12: {  	[tilespmem:s23+$0x5100] =	vst v0  }
0x13: {  	[tilespmem:s23+$0x5110] =	vst v0  }
.Ltmp0:
0x14: {  	[tilespmem:s23+$0x5120] =	vst v0;
	(pc) =	sbr.rel @p0 .LBB2_2-.Ltmp0, $4  }
0x15: {  	[tilespmem:s23+$0x5130] =	vst v0  }
0x16: {  	[tilespmem:s23+$0x5140] =	vst v0  }
0x17: {  	[tilespmem:s23+$0x5150] =	vst v0  }
0x18: {  	[tilespmem:s23+$0x5160] =	vst v0;
	s23 =	sshra.s32 s24, $0x2;
	s24 =	sadd.s32 $0x200, s24  }
0x19: {  	[tilespmem:s23+$0x5170] =	vst v0  }
0x1a: {  	[tilespmem:s23+$0x5100] =	vst v0  }
0x1b: {  	[tilespmem:s23+$0x5110] =	vst v0  }
0x1c: {  	[tilespmem:s23+$0x5120] =	vst v0  }
0x1d: {  	[tilespmem:s23+$0x5130] =	vst v0  }
0x1e: {  	[tilespmem:s23+$0x5140] =	vst v0  }
0x1f: {  	[tilespmem:s23+$0x5150] =	vst v0  }
0x20: {  	[tilespmem:s23+$0x5160] =	vst v0  }
0x21: {  	[spmem:s8] =	stream.linear.scatter [tilespmem:s16], [sflag:$0x2], $0x4000, $0x38;
	[tilespmem:$0x1D100] =	vst v63  }
0x22: {  	_ =	swait.ge [sflag:s17], $0x4000  }
0x23: {  	[sflag:s17] =	ssyncset.done $0x0  }
0x24: {  	[sflag:s17] =	ssyncadd.s32 $0xFFFFC000  }
0x25: {  	[spmem:s9] =	stream.linear.scatter [tilespmem:s16], [sflag:$0x2], $0x4000, $0x38;
	[tilespmem:$0x1D100] =	vst v63  }
0x26: {  	_ =	swait.ge [sflag:s17], $0x4000  }
0x27: {  	[sflag:s17] =	ssyncset.done $0x0  }
0x28: {  	[sflag:s17] =	ssyncadd.s32 $0xFFFFC000  }
0x29: {  	[spmem:s10] =	stream.linear.scatter [tilespmem:s16], [sflag:$0x2], $0x4000, $0x38;
	[tilespmem:$0x1D100] =	vst v63  }
0x2a: {  	_ =	swait.ge [sflag:s17], $0x4000  }
0x2b: {  	[sflag:s17] =	ssyncset.done $0x0  }
0x2c: {  	[sflag:s17] =	ssyncadd.s32 $0xFFFFC000  }
0x2d: {  	[spmem:s11] =	stream.linear.scatter [tilespmem:s16], [sflag:$0x2], $0x4000, $0x38;
	[tilespmem:$0x1D100] =	vst v63  }
0x2e: {  	_ =	swait.ge [sflag:s17], $0x4000  }
0x2f: {  	[sflag:s17] =	ssyncset.done $0x0  }
0x30: {  	[sflag:s17] =	ssyncadd.s32 $0xFFFFC000  }
0x31: {  	[spmem:s12] =	stream.linear.scatter [tilespmem:s16], [sflag:$0x2], $0x4000, $0x38;
	[tilespmem:$0x1D100] =	vst v63  }
0x32: {  	_ =	swait.ge [sflag:s17], $0x4000  }
0x33: {  	[sflag:s17] =	ssyncset.done $0x0  }
0x34: {  	[sflag:s17] =	ssyncadd.s32 $0xFFFFC000  }
0x35: {  	s23 =	simm.s32 $0x0;
	s24 =	simm.s32 $0x0;
	[bflag:$0x0] =	sbarrier.arrive $0xFFFF  }
.LBB2_4:
0x36: {  	s25 =	smul.u32 $0x50, s24;
	_ =	sdelay $0x1  }
0x37: {  	s25 =	sadd.s32 s13, s25  }
0x38: {  	s26 =	sshrl.u32 s25, $0x3  }
0x39: {  	s28 =	sadd.s32 s6, s26  }
0x3a: {  	[tilespmem:s23], [sflag:$0x2] =	stream.linear.gather [hbm4b:s28+s23], $0x50, $0x38;
	[tilespmem:$0x1D100] =	vst v63  }
0x3b: {  	_ =	swait.ge [sflag:s17], $0x50  }
0x3c: {  	[sflag:s17] =	ssyncset.done $0x0  }
0x3d: {  	s26 =	sadd.s32 s7, s26;
	[sflag:s17] =	ssyncadd.s32 $0xFFFFFFB0  }
0x3e: {  	[tilespmem:s18], [sflag:$0x2] =	stream.linear.gather [hbm4b:s26+s23], $0x50, $0x38;
	[tilespmem:$0x1D100] =	vst v63  }
0x3f: {  	_ =	swait.ge [sflag:s17], $0x50  }
0x40: {  	s25 =	sshll.u32 s25, $0x4;
	[sflag:s17] =	ssyncset.done $0x0  }
0x41: {  	s25 =	sadd.s32 s5, s25;
	[sflag:s17] =	ssyncadd.s32 $0xFFFFFFB0  }
0x42: {  	[tilespmem:s19], [sflag:$0x2] =	stream.linear.gather [hbm4b:s25+s23], $0x2800, $0x38;
	[tilespmem:$0x1D100] =	vst v63  }
0x43: {  	_ =	swait.ge [sflag:s17], $0x2800  }
0x44: {  	[sflag:s17] =	ssyncset.done $0x0  }
0x45: {  	[sflag:s17] =	ssyncadd.s32 $0xFFFFD800  }
0x46: {  	[tilespmem:s21], [sflag:$0x1] =	stream.indirect.gather [hbm4b:s4+s20], $0x80, s23, s20, $0xb8;
	[tilespmem:$0x1D100] =	vst v63  }
0x47: {  	_ =	swait.ge [sflag:s22], $0x2800  }
0x48: {  	[sflag:s22] =	ssyncset.done $0x0  }
0x49: {  	s25 =	simm.s32 $0x0;
	[sflag:s22] =	ssyncadd.s32 $0xFFFFD800  }
0x4a: {  	v7 =	vld [tilespmem:s25+$0x2900]  }
0x4b: {  	v12 =	vld [tilespmem:s25+$0x2910]  }
0x4c: {  	v6 =	vld [tilespmem:s25+$0x2920]  }
0x4d: {  	v5 =	vld [tilespmem:s25+$0x2930]  }
0x4e: {  	v4 =	vld [tilespmem:s25+$0x2940]  }
0x4f: {  	v3 =	vld [tilespmem:s25+$0x2950]  }
0x50: {  	v2 =	vld [tilespmem:s25+$0x2960]  }
0x51: {  	v1 =	vld [tilespmem:s25+$0x2970]  }
0x52: {  	v13 =	vld [tilespmem:s25+$0x100]  }
0x53: {  	v14 =	vld [tilespmem:s25+$0x110]  }
0x54: {  	v11 =	vld [tilespmem:s25+$0x120]  }
0x55: {  	v10 =	vld [tilespmem:s25+$0x130]  }
0x56: {  	v9 =	vld [tilespmem:s25+$0x140]  }
0x57: {  	v8 =	vld [tilespmem:s25+$0x150];
	v13 =	vadd.f32 v7, v13  }
0x58: {  	s26 =	simm.s32 $0x200;
	v12 =	vadd.f32 v12, v14;
	v7 =	vld [tilespmem:s25+$0x160]  }
.LBB2_5:
0x59: {  	s28 =	sshra.s32 s26, $0x2;
	p0 =	sne.s32 s26, $0x9E00;
	v13 =	vmax.f32 v13, $0.0e+00;
	v6 =	vadd.f32 v6, v11;
	v11 =	vld [tilespmem:s25+$0x170]  }
0x5a: {  	v14 =	vld [tilespmem:s28+$0x2900];
	[tilespmem:s25+$0x100] =	vst v13;
	v12 =	vmax.f32 v12, $0.0e+00;
	v5 =	vadd.f32 v5, v10  }
0x5b: {  	v15 =	vld [tilespmem:s28+$0x2910];
	[tilespmem:s25+$0x110] =	vst v12;
	v10 =	vmax.f32 v6, $0.0e+00;
	v4 =	vadd.f32 v4, v9  }
0x5c: {  	v6 =	vld [tilespmem:s28+$0x2920];
	[tilespmem:s25+$0x120] =	vst v10;
	v9 =	vmax.f32 v5, $0.0e+00;
	v3 =	vadd.f32 v3, v8  }
0x5d: {  	v5 =	vld [tilespmem:s28+$0x2930];
	[tilespmem:s25+$0x130] =	vst v9;
	v8 =	vmax.f32 v4, $0.0e+00;
	v2 =	vadd.f32 v2, v7  }
0x5e: {  	v4 =	vld [tilespmem:s28+$0x2940];
	[tilespmem:s25+$0x140] =	vst v8;
	v7 =	vmax.f32 v3, $0.0e+00;
	v1 =	vadd.f32 v1, v11  }
0x5f: {  	v3 =	vld [tilespmem:s28+$0x2950];
	[tilespmem:s25+$0x150] =	vst v7;
	v7 =	vmax.f32 v2, $0.0e+00  }
0x60: {  	v2 =	vld [tilespmem:s28+$0x2960];
	[tilespmem:s25+$0x160] =	vst v7;
	v7 =	vmax.f32 v1, $0.0e+00  }
0x61: {  	v1 =	vld [tilespmem:s28+$0x2970];
	[tilespmem:s25+$0x170] =	vst v7;
	s25 =	smov.u32 s28  }
0x62: {  	v7 =	vld [tilespmem:s25+$0x100]  }
0x63: {  	v12 =	vld [tilespmem:s25+$0x110]  }
.Ltmp1:
0x64: {  	v11 =	vld [tilespmem:s25+$0x120];
	(pc) =	sbr.rel @p0 .LBB2_5-.Ltmp1, $4  }
0x65: {  	v10 =	vld [tilespmem:s25+$0x130]  }
0x66: {  	v9 =	vld [tilespmem:s25+$0x140]  }
0x67: {  	v13 =	vadd.f32 v14, v7;
	v8 =	vld [tilespmem:s25+$0x150]  }
0x68: {  	s26 =	sadd.s32 $0x200, s26;
	v12 =	vadd.f32 v15, v12;
	v7 =	vld [tilespmem:s25+$0x160]  }
0x69: {  	v13 =	vmax.f32 v13, $0.0e+00;
	v6 =	vadd.f32 v6, v11;
	v63 =	vld [tilespmem:s25+$0x170]  }
0x6a: {  	[tilespmem:s25+$0x100] =	vst v13;
	v12 =	vmax.f32 v12, $0.0e+00;
	v5 =	vadd.f32 v5, v10  }
0x6b: {  	[tilespmem:s25+$0x110] =	vst v12;
	v6 =	vmax.f32 v6, $0.0e+00;
	v4 =	vadd.f32 v4, v9  }
0x6c: {  	[tilespmem:s25+$0x120] =	vst v6;
	v5 =	vmax.f32 v5, $0.0e+00;
	v3 =	vadd.f32 v3, v8  }
0x6d: {  	[tilespmem:s25+$0x130] =	vst v5;
	v4 =	vmax.f32 v4, $0.0e+00;
	v2 =	vadd.f32 v2, v7  }
0x6e: {  	[tilespmem:s25+$0x140] =	vst v4;
	v3 =	vmax.f32 v3, $0.0e+00;
	v1 =	vadd.f32 v1, v63  }
0x6f: {  	s24 =	sadd.s32 $0x1, s24;
	[tilespmem:s25+$0x150] =	vst v3;
	v2 =	vmax.f32 v2, $0.0e+00  }
0x70: {  	p0 =	sne.s32 s24, $0x7D;
	[tilespmem:s25+$0x160] =	vst v2;
	v1 =	vmax.f32 v1, $0.0e+00  }
.Ltmp2:
0x71: {  	[tilespmem:s25+$0x170] =	vst v1;
	(pc) =	sbr.rel @p0 .LBB2_4-.Ltmp2, $4  }
0x72: {  	[spmem:s1] =	stream.indirect.scatter.add.f32 [tilespmem:s21], [sflag:$0x2], $0x80, s18, s20, $0xb8;
	[tilespmem:$0x1D100] =	vst v63  }
0x73: {  	_ =	swait.ge [sflag:s17], $0x2800  }
0x74: {  	[sflag:s17] =	ssyncset.done $0x0  }
0x75: {  	[sflag:s17] =	ssyncadd.s32 $0xFFFFD800  }
0x76: {  	s3 =	sadd.s32 $0x1, s3  }
0x77: {  	s23 =	sshll.u32 s2, $0x6;
	[bflag:$0x0] =	sbarrier.arrive $0xFFFF;
	p0 =	sne.s32 s3, s15  }
.Ltmp3:
0x78: {  	s24 =	sshrl.u32 s8, $0x3;
	s23 =	sor.u32 $0x1C02, s23;
	(pc) =	sbr.rel @p0 .LBB2_1-.Ltmp3, $4  }
0x79: {  	[hbm:s14], [sflag:s23] =	dma.local [spmem:s24], $0x2800  }
0x7a: {  	_ =	swait.ge [sflag:s17], $0x2800  }
0x7b: {  	[sflag:s17] =	ssyncset.done $0x0  }
0x7c: {  	[sflag:s17] =	ssyncadd.s32 $0xFFFFD800  }
0x7d: {  	_ =	sfence.sel $0x180000  }
0x7e: {  	[bflag:$0x0] =	sbarrier.arrive $0xFFFF  }
0x7f: {  	p0 =	sne.s32 s2, $0x0;
	_ =	strace $0x9000004A  }
0x80: {  	s0 =	sadd.s32 @!p0 $0x100000, s0;
	[bflag:$0x2] =	sbarrier.arrive $0xFFFF  }
0x81: {  	[sflag:s0] =	ssyncadd.tile.s32 @!p0 $0x1;
	_ =	shalt  }
.Lfunc_end2:
_tile_overlayer_lowered:
.L_overlay_start_2:
0x82: {  	(tag) =	ssettag $0x2  }
0x83: {  	s0 =	rddreg [dreg:$0x0];
	s2 =	stileid.u32  }
0x84: {  	s1 =	rddreg [dreg:$0x1];
	p0 =	sne.s32 s2, $0x0  }
0x85: {  	s3 =	rddreg [dreg:$0x2];
	[bflag:$0x3] =	sbarrier.arrive $0xFFFF;
	s2 =	simm.s32 @!p0 $0x1C02  }
0x86: {  	[timem:s3], [sflag:s2] =	dma.local @!p0 [hbm:s0], s1  }
0x87: {  	s0 =	simm.s32 @!p0 $0x2  }
0x88: {  	_ =	swait.ge @!p0 [sflag:s0], s1  }
0x89: {  	s1 =	ssub.s32 @!p0 $0x0, s1;
	[sflag:s0] =	ssyncset.done @!p0 $0x0  }
0x8a: {  	[sflag:s0] =	ssyncadd.s32 @!p0 s1  }
0x8b: {  	[bflag:$0x3] =	sbarrier.arrive $0xFFFF  }
0x8c: {  	_ =	shalt  }

// kernel: kernel.19.cloned.1.call-start
scs
__scs_entry_jumppad:
0x0: {  	(pc) =	sbr.rel $0x88, $3  }
0x1: {  	(tag) =	ssettag $0x0;
	lr =	simm.s32 $0x1  }
0x2: {  	[smem:$0x3F85] =	sst lr;
	_ =	strace $0xD0000000  }
0x3: {  	_ = 	snop  }
0x4: {  	_ = 	snop  }
0x5: {  	_ = 	snop  }
0x6: {  	_ = 	snop  }
0x7: {  	_ = 	snop  }
__scs_overlays_trampoline_lowered:
0x8: {  	[smem:$0x3F94] =	sst s0  }
0x9: {  	[smem:$0x3F95] =	sst s1  }
0xa: {  	[smem:$0x3F96] =	sst s2  }
0xb: {  	[smem:$0x3F97] =	sst s3  }
0xc: {  	[smem:$0x3F98] =	sst s4  }
0xd: {  	[smem:$0x3F99] =	sst s5  }
0xe: {  	[smem:$0x3F9A] =	sst s6  }
0xf: {  	[smem:$0x3F9B] =	sst s7  }
0x10: {  	[smem:$0x3F9C] =	sst s8  }
0x11: {  	[smem:$0x3F9D] =	sst s9;
	s0 =	simm.s32 @!p0 $0x0  }
0x12: {  	s1 =	sld [smem:$0x3F83];
	s0 =	simm.s32 @p0 $0x1  }
0x13: {  	[smem:$0x3F9E] =	sst s0;
	s0 =	simm.s32 @!p1 $0x0  }
0x14: {  	s2 =	sld [smem:$0x3F82];
	s0 =	simm.s32 @p1 $0x1  }
0x15: {  	[smem:$0x3F9F] =	sst s0;
	s0 =	simm.s32 @!p2 $0x0  }
0x16: {  	s3 =	sld [smem:$0x3FDB];
	s0 =	simm.s32 @p2 $0x1  }
0x17: {  	s4 =	simm.s32 $0x1BF5;
	[smem:$0x3FA1] =	sst s0  }
0x18: {  	s0 =	sld [smem:$0x3F84];
	_ =	swait.ge [sflag:s4], $0x0  }
0x19: {  	s7 =	sld [smem:$0x3F85]  }
0x1a: {  	s8 =	sadd.s32 $0xFFFFE003, lr  }
0x1b: {  	s9 =	sadd.s32 $0xFFFFFEF7, lr;
	s5 =	simm.s32 $0xFFFFFFFF;
	p2 =	slt.u32 s8, $0xFFFFF086  }
0x1c: {  	p1 =	slt.u32 s9, $0xF7A;
	s5 =	simm.s32 @!p2 $0x0  }
0x1d: {  	s5 =	simm.s32 @p1 $0x1;
	p0 =	seq.s32 s7, s2  }
0x1e: {  	s7 =	smul.u32 @!p0 $0xF7A, s2;
	p2 =	seq.s32 @!p0 s5, $0x0  }
0x1f: {  	s9 =	smul.u32 $0xF7A, s1;
	s8 =	simm.s32 @!p0 $0x1BF5;
	p2 =	por !p2, p0  }
0x20: {  	[sflag:s8] =	ssyncset.s32 @!p0 $0xFFFFF086;
	s6 =	sadd.s32 @!p0 s3, s7;
	s7 =	simm.s32 @!p0 $0x108  }
0x21: {  	s3 =	sadd.s32 s3, s9;
	s6 =	sadd.s32 @!p0 $0x88, s6;
	s7 =	simm.s32 @p2 $0x1082  }
0x22: {  	[simem:s7], [sflag:s8] =	dma.local @!p0 [hbm:s6], $0xF7A  }
0x23: {  	s9 =	sor.u32 $0xD0000000, s2;
	s6 =	simm.s32 $0x108;
	_ =	swait.ge @!p0 [sflag:s8], $0x0  }
0x24: {  	s3 =	sadd.s32 $0x88, s3;
	s6 =	simm.s32 @!p1 $0x1082;
	[sflag:s4] =	ssyncset.s32 $0xFFFFF086  }
0x25: {  	[simem:s6], [sflag:s4] =	dma.local [hbm:s3], $0xF7A  }
0x26: {  	[smem:$0x3F85] =	sst s1;
	(tag) =	ssettag s2;
	_ =	strace s9  }
0x27: {  	s1 =	sld [smem:$0x3F95]  }
0x28: {  	s2 =	sld [smem:$0x3F96]  }
0x29: {  	s4 =	sld [smem:$0x3F98]  }
0x2a: {  	p0 =	seq.s32 s5, $0x0;
	s5 =	sld [smem:$0x3F99]  }
0x2b: {  	s6 =	sld [smem:$0x3F9A]  }
0x2c: {  	s7 =	sld [smem:$0x3F9B]  }
0x2d: {  	s3 =	simm.s32 $0x108;
	s8 =	sld [smem:$0x3F9C]  }
0x2e: {  	s3 =	simm.s32 @!p0 $0x1082;
	s9 =	sld [smem:$0x3F9D]  }
0x2f: {  	lr =	sadd.s32 s0, s3;
	s0 =	sld [smem:$0x3F94]  }
0x30: {  	s3 =	sld [smem:$0x3F97]  }
0x31: {  	[smem:$0x3FA0] =	sst s10  }
0x32: {  	s10 =	sld [smem:$0x3F9E];
	_ =	sdelay $0x3  }
0x33: {  	p0 =	seq.s32 s10, $0x1;
	s10 =	sld [smem:$0x3FA0];
	_ =	sdelay $0x3  }
0x34: {  	[smem:$0x3FA0] =	sst s10  }
0x35: {  	s10 =	sld [smem:$0x3F9F];
	_ =	sdelay $0x3  }
0x36: {  	p1 =	seq.s32 s10, $0x1;
	s10 =	sld [smem:$0x3FA0];
	_ =	sdelay $0x3  }
0x37: {  	[smem:$0x3FA0] =	sst s10  }
0x38: {  	s10 =	sld [smem:$0x3FA1]  }
0x39: {  	_ = 	snop;
	(pc) =	sbr.ind lr, $3  }
0x3a: {  	_ = 	snop  }
0x3b: {  	_ = 	snop  }
0x3c: {  	p2 =	seq.s32 s10, $0x1;
	s10 =	sld [smem:$0x3FA0]  }
0x3d: {  	_ =	shalt  }
0x3e: {  	_ =	shalt  }
0x3f: {  	_ =	shalt  }
0x40: {  	_ =	shalt  }
0x41: {  	_ =	shalt  }
0x42: {  	_ =	shalt  }
0x43: {  	_ =	shalt  }
0x44: {  	_ =	shalt  }
0x45: {  	_ =	shalt  }
0x46: {  	_ =	shalt  }
0x47: {  	_ =	shalt  }
0x48: {  	_ =	shalt  }
0x49: {  	_ =	shalt  }
0x4a: {  	_ =	shalt  }
0x4b: {  	_ =	shalt  }
0x4c: {  	_ =	shalt  }
0x4d: {  	_ =	shalt  }
0x4e: {  	_ =	shalt  }
0x4f: {  	_ =	shalt  }
0x50: {  	_ =	shalt  }
0x51: {  	_ =	shalt  }
0x52: {  	_ =	shalt  }
0x53: {  	_ =	shalt  }
0x54: {  	_ =	shalt  }
0x55: {  	_ =	shalt  }
0x56: {  	_ =	shalt  }
0x57: {  	_ =	shalt  }
0x58: {  	_ =	shalt  }
0x59: {  	_ =	shalt  }
0x5a: {  	_ =	shalt  }
0x5b: {  	_ =	shalt  }
0x5c: {  	_ =	shalt  }
0x5d: {  	_ =	shalt  }
0x5e: {  	_ =	shalt  }
0x5f: {  	_ =	shalt  }
0x60: {  	_ =	shalt  }
0x61: {  	_ =	shalt  }
0x62: {  	_ =	shalt  }
0x63: {  	_ =	shalt  }
0x64: {  	_ =	shalt  }
0x65: {  	_ =	shalt  }
0x66: {  	_ =	shalt  }
0x67: {  	_ =	shalt  }
0x68: {  	_ =	shalt  }
0x69: {  	_ =	shalt  }
0x6a: {  	_ =	shalt  }
0x6b: {  	_ =	shalt  }
0x6c: {  	_ =	shalt  }
0x6d: {  	_ =	shalt  }
0x6e: {  	_ =	shalt  }
0x6f: {  	_ =	shalt  }
0x70: {  	_ =	shalt  }
0x71: {  	_ =	shalt  }
0x72: {  	_ =	shalt  }
0x73: {  	_ =	shalt  }
0x74: {  	_ =	shalt  }
0x75: {  	_ =	shalt  }
0x76: {  	_ =	shalt  }
0x77: {  	_ =	shalt  }
0x78: {  	_ =	shalt  }
0x79: {  	_ =	shalt  }
0x7a: {  	_ =	shalt  }
0x7b: {  	_ =	shalt  }
0x7c: {  	_ =	shalt  }
0x7d: {  	_ =	shalt  }
0x7e: {  	_ =	shalt  }
0x7f: {  	_ =	shalt  }
0x80: {  	_ =	shalt  }
0x81: {  	_ =	shalt  }
0x82: {  	_ =	shalt  }
0x83: {  	_ =	shalt  }
0x84: {  	_ =	shalt  }
0x85: {  	_ =	shalt  }
0x86: {  	_ =	shalt  }
0x87: {  	_ =	shalt  }
.Lfunc_end0:
.L_simem_size_0:
called_computation.2_lowered:
.L_overlay_start_0:
0x88: {  	s2 =	sld [smem:$0x3FD9]  }
0x89: {  	s3 =	sld [smem:$0x3FFE];
	_ =	sdelay $0x1  }
0x8a: {  	s1 =	srdreg.scid  }
0x8b: {  	s0 =	sand.u32 $0x1, s1  }
0x8c: {  	s16 =	sshll.u32 s0, $0xA;
	s2 =	sadd.s32 s3, s2  }
0x8d: {  	s2 =	sadd.s32 s2, s16  }
0x8e: {  	[smem:$0x3FAC] =	sst s2  }
0x8f: {  	_ = 	snop  }
0x90: {  	(tm) =	ssettm $0x1  }
0x91: {  	s17 =	sld [smem:$0x3FFB];
	_ =	sdelay $0x3  }
0x92: {  	_ =	strace s17  }
0x93: {  	s2 =	sld [smem:$0x3FFC];
	_ =	sdelay $0x3  }
0x94: {  	_ =	strace s2  }
0x95: {  	s2 =	sld [smem:$0x3FFD];
	_ =	sdelay $0x3  }
0x96: {  	_ =	strace s2  }
0x97: {  	_ =	strace $0x8FFFFFFF  }
0x98: {  	s18 =	sld [smem:$0x3FDB];
	_ =	sdelay $0x1  }
0x99: {  	s19 =	simm.s32 $_scs_section_size  }
0x9a: {  	s4 =	simm.s32 $_size__tile_overlayer_lowered;
	s5 =	simm.s32 $_tile_overlayer_lowered  }
0x9b: {  	s22 =	simm.s32 $0x1BFF;
	s21 =	sshll.u32 s5, $0x1;
	s2 =	sadd.s32 s19, s18  }
0x9c: {  	s6 =	simm.s32 $0x0;
	s20 =	sshll.u32 s4, $0x1;
	s4 =	sadd.s32 s21, s2  }
0x9d: {  	[timem:s6], [sflag:s22] =	dma.local [hbm:s4], s20  }
0x9e: {  	_ =	swait.ge [sflag:s22], s20  }
0x9f: {  	s3 =	ssub.s32 $0x0, s20;
	[sflag:s22] =	ssyncset.done $0x0  }
0xa0: {  	[sflag:s22] =	ssyncadd.s32 s3;
	_ =	sdelay $0x1  }
0xa1: {  	s23 =	simm.s32 $0x1B8B  }
0xa2: {  	_ =	swait.ge [sflag:s23], $0x1  }
0xa3: {  	[sflag:s23] =	ssyncset.done $0x0  }
0xa4: {  	s25 =	simm.s32 $0x1B8E;
	s24 =	sld [smem:$0x3FFE];
	[sflag:s23] =	ssyncadd.s32 $0xFFFFFFFF  }
0xa5: {  	s26 =	simm.s32 $execute0_lowered;
	[smem:$0x3FD2] =	sst s25  }
0xa6: {  	s4 =	sshll.u32 s26, $0x1;
	_ =	strace $0x8000004C;
	[dreg:$0x1] =	wrdreg $0xFFFFFFFF  }
0xa7: {  	s28 =	simm.s32 $_size_execute0_lowered;
	s2 =	sadd.s32 s2, s4;
	[dreg:$0x0] =	wrdreg $0x0  }
0xa8: {  	s4 =	sshll.u32 s28, $0x1;
	[dreg:$0x2] =	wrdreg s2  }
0xa9: {  	[dreg:$0x3] =	wrdreg s4  }
0xaa: {  	[dreg:$0x4] =	wrdreg $0xC0  }
0xab: {  	_ =	task [dreg:s6], $0x5FFFF  }
0xac: {  	[dreg:$0x1] =	wrdreg $0xFFFFFFFF  }
0xad: {  	[dreg:$0x0] =	wrdreg $0x60  }
0xae: {  	[dreg:$0x2] =	wrdreg s24  }
0xaf: {  	[dreg:$0x3] =	wrdreg $0x91000  }
0xb0: {  	[dreg:$0x4] =	wrdreg $0x9  }
0xb1: {  	_ =	task.clear_ibuf [dreg:s6], $0x5FFFF;
	_ =	strace $0x9000004C  }
0xb2: {  	s29 =	simm.s32 $0x9;
	_ =	strace $0x8000004E  }
0xb3: {  	_ =	swait.ge [sflag:s29], $0x1  }
0xb4: {  	[sflag:s29] =	ssyncadd.s32 $0xFFFFFFFF  }
0xb5: {  	_ =	strace $0x9000004E  }
0xb6: {  	_ =	sfence  }
0xb7: {  	s30 =	sld [smem:$0x0];
	_ =	sdelay $0x2  }
0xb8: {  	s31 =	sshll.u32 s1, $0xD;
	s1 =	sshrl.u32 s1, $0x2  }
0xb9: {  	s3 =	sand.u32 $0x4000, s31;
	s1 =	sadd.s32 s1, s30  }
0xba: {  	s0 =	sor.u32 s3, s0;
	s1 =	sshll.u32 s1, $0x11  }
0xbb: {  	s0 =	sor.u32 s1, s0  }
0xbc: {  	s0 =	sadd.s32 $0x8F2B, s0  }
0xbd: {  	[sflag:s0] =	ssyncadd.remote.s32 $0x1  }
0xbe: {  	_ =	sfence.sel $0xFFFF  }
0xbf: {  	[dreg:$0x0] =	wrdreg $0xFFFFFFFF;
	(pc) =	sbr.abs _section_cstart, $3  }
0xc0: {  	[dreg:$0x1] =	wrdreg $0xFFFFFFFF  }
0xc1: {  	_ =	task.clear_ibuf [dreg:s6], $0x2FFFF;
	_ =	strace $0x9FFFFFFF  }
0xc2: {  	(tm) =	ssettm $0x7FFFFFFF  }
0xc3: {  	_ =	shalt  }
tec
execute0_lowered:
.L_overlay_start_1:
0x0: {  	(tag) =	ssettag $0x1  }
0x1: {  	s8 =	rddreg [dreg:$0x0]  }
0x2: {  	s1 =	rddreg [dreg:$0x1]  }
0x3: {  	s0 =	rddreg [dreg:$0x2];
	s3 =	simm.s32 $0x0  }
0x4: {  	s2 =	srdreg.scid;
	s16 =	simm.s32 $0x5100;
	s17 =	simm.s32 $0x2  }
0x5: {  	s18 =	simm.s32 $0x80;
	s19 =	simm.s32 $0x2900;
	s20 =	simm.s32 $0x50  }
0x6: {  	s21 =	simm.s32 $0x100;
	s22 =	simm.s32 $0x1;
	[smem:$0x7FF] =	sst s3  }
0x7: {  	s9 =	sand.u32 $0x1, s2;
	s2 =	stileid.u32;
	s5 =	sadd.s32 $0xEBF200, s8  }
0x8: {  	s4 =	sadd.s32 $0x5600, s8;
	s6 =	sadd.s32 $0x4F1400, s8;
	s7 =	smul.u32 $0x140000, s9  }
0x9: {  	_ =	strace $0x8000004D;
	s10 =	smul.u32 $0x14000, s2;
	s12 =	ssub.s32 $0x2, s9  }
0xa: {  	s11 =	smul.u32 $0x50000, s2;
	s9 =	sshll.u32 s9, $0x4;
	s30 =	sshrl.u32 s12, $0x1  }
0xb: {  	s13 =	sor.u32 s2, s9;
	s10 =	sadd.s32 s10, s7;
	s7 =	sadd.s32 $0x4E7600, s8  }
0xc: {  	s31 =	sshrl.u32 s11, $0x2;
	s15 =	ssub.s32 s12, s30;
	s10 =	sshrl.u32 s10, $0x3  }
0xd: {  	s13 =	smul.u32 $0x2710, s13;
	s14 =	sadd.s32 s10, s8;
	s8 =	sadd.s32 s31, s1  }
0xe: {  	s15 =	smax.u32 s15, $0x1;
	s9 =	sadd.s32 $0x4000, s8;
	s10 =	sadd.s32 $0x8000, s8  }
0xf: {  	v0 =	vimm.f32 $0.0e+00;
	s11 =	sadd.s32 $0xC000, s8;
	s12 =	sadd.s32 $0x10000, s8;
	s14 =	sadd.s32 $0x2C800, s14  }
.LBB2_1:
0x10: {  	s23 =	simm.s32 $0x0;
	s24 =	simm.s32 $0x200  }
.LBB2_2:
0x11: {  	p0 =	sne.s32 s24, $0xFE00;
	[tilespmem:s23+$0x5170] =	vst v0  }
0x12: {  	[tilespmem:s23+$0x5100] =	vst v0  }
0x13: {  	[tilespmem:s23+$0x5110] =	vst v0  }
.Ltmp0:
0x14: {  	[tilespmem:s23+$0x5120] =	vst v0;
	(pc) =	sbr.rel @p0 .LBB2_2-.Ltmp0, $4  }
0x15: {  	[tilespmem:s23+$0x5130] =	vst v0  }
0x16: {  	[tilespmem:s23+$0x5140] =	vst v0  }
0x17: {  	[tilespmem:s23+$0x5150] =	vst v0  }
0x18: {  	[tilespmem:s23+$0x5160] =	vst v0;
	s23 =	sshra.s32 s24, $0x2;
	s24 =	sadd.s32 $0x200, s24  }
0x19: {  	[tilespmem:s23+$0x5170] =	vst v0  }
0x1a: {  	[tilespmem:s23+$0x5100] =	vst v0  }
0x1b: {  	[tilespmem:s23+$0x5110] =	vst v0  }
0x1c: {  	[tilespmem:s23+$0x5120] =	vst v0  }
0x1d: {  	[tilespmem:s23+$0x5130] =	vst v0  }
0x1e: {  	[tilespmem:s23+$0x5140] =	vst v0  }
0x1f: {  	[tilespmem:s23+$0x5150] =	vst v0  }
0x20: {  	[tilespmem:s23+$0x5160] =	vst v0  }
0x21: {  	[spmem:s8] =	stream.linear.scatter [tilespmem:s16], [sflag:$0x2], $0x4000, $0x38;
	[tilespmem:$0x1D100] =	vst v63  }
0x22: {  	_ =	swait.ge [sflag:s17], $0x4000  }
0x23: {  	[sflag:s17] =	ssyncset.done $0x0  }
0x24: {  	[sflag:s17] =	ssyncadd.s32 $0xFFFFC000  }
0x25: {  	[spmem:s9] =	stream.linear.scatter [tilespmem:s16], [sflag:$0x2], $0x4000, $0x38;
	[tilespmem:$0x1D100] =	vst v63  }
0x26: {  	_ =	swait.ge [sflag:s17], $0x4000  }
0x27: {  	[sflag:s17] =	ssyncset.done $0x0  }
0x28: {  	[sflag:s17] =	ssyncadd.s32 $0xFFFFC000  }
0x29: {  	[spmem:s10] =	stream.linear.scatter [tilespmem:s16], [sflag:$0x2], $0x4000, $0x38;
	[tilespmem:$0x1D100] =	vst v63  }
0x2a: {  	_ =	swait.ge [sflag:s17], $0x4000  }
0x2b: {  	[sflag:s17] =	ssyncset.done $0x0  }
0x2c: {  	[sflag:s17] =	ssyncadd.s32 $0xFFFFC000  }
0x2d: {  	[spmem:s11] =	stream.linear.scatter [tilespmem:s16], [sflag:$0x2], $0x4000, $0x38;
	[tilespmem:$0x1D100] =	vst v63  }
0x2e: {  	_ =	swait.ge [sflag:s17], $0x4000  }
0x2f: {  	[sflag:s17] =	ssyncset.done $0x0  }
0x30: {  	[sflag:s17] =	ssyncadd.s32 $0xFFFFC000  }
0x31: {  	[spmem:s12] =	stream.linear.scatter [tilespmem:s16], [sflag:$0x2], $0x4000, $0x38;
	[tilespmem:$0x1D100] =	vst v63  }
0x32: {  	_ =	swait.ge [sflag:s17], $0x4000  }
0x33: {  	[sflag:s17] =	ssyncset.done $0x0  }
0x34: {  	[sflag:s17] =	ssyncadd.s32 $0xFFFFC000  }
0x35: {  	s23 =	simm.s32 $0x0;
	s24 =	simm.s32 $0x0;
	[bflag:$0x0] =	sbarrier.arrive $0xFFFF  }
.LBB2_4:
0x36: {  	s25 =	smul.u32 $0x50, s24;
	_ =	sdelay $0x1  }
0x37: {  	s25 =	sadd.s32 s13, s25  }
0x38: {  	s26 =	sshrl.u32 s25, $0x3  }
0x39: {  	s28 =	sadd.s32 s6, s26  }
0x3a: {  	[tilespmem:s23], [sflag:$0x2] =	stream.linear.gather [hbm4b:s28+s23], $0x50, $0x38;
	[tilespmem:$0x1D100] =	vst v63  }
0x3b: {  	_ =	swait.ge [sflag:s17], $0x50  }
0x3c: {  	[sflag:s17] =	ssyncset.done $0x0  }
0x3d: {  	s26 =	sadd.s32 s7, s26;
	[sflag:s17] =	ssyncadd.s32 $0xFFFFFFB0  }
0x3e: {  	[tilespmem:s18], [sflag:$0x2] =	stream.linear.gather [hbm4b:s26+s23], $0x50, $0x38;
	[tilespmem:$0x1D100] =	vst v63  }
0x3f: {  	_ =	swait.ge [sflag:s17], $0x50  }
0x40: {  	s25 =	sshll.u32 s25, $0x4;
	[sflag:s17] =	ssyncset.done $0x0  }
0x41: {  	s25 =	sadd.s32 s5, s25;
	[sflag:s17] =	ssyncadd.s32 $0xFFFFFFB0  }
0x42: {  	[tilespmem:s19], [sflag:$0x2] =	stream.linear.gather [hbm4b:s25+s23], $0x2800, $0x38;
	[tilespmem:$0x1D100] =	vst v63  }
0x43: {  	_ =	swait.ge [sflag:s17], $0x2800  }
0x44: {  	[sflag:s17] =	ssyncset.done $0x0  }
0x45: {  	[sflag:s17] =	ssyncadd.s32 $0xFFFFD800  }
0x46: {  	[tilespmem:s21], [sflag:$0x1] =	stream.indirect.gather [hbm4b:s4+s20], $0x80, s23, s20, $0xb8;
	[tilespmem:$0x1D100] =	vst v63  }
0x47: {  	_ =	swait.ge [sflag:s22], $0x2800  }
0x48: {  	[sflag:s22] =	ssyncset.done $0x0  }
0x49: {  	s25 =	simm.s32 $0x0;
	[sflag:s22] =	ssyncadd.s32 $0xFFFFD800  }
0x4a: {  	v7 =	vld [tilespmem:s25+$0x2900]  }
0x4b: {  	v12 =	vld [tilespmem:s25+$0x2910]  }
0x4c: {  	v6 =	vld [tilespmem:s25+$0x2920]  }
0x4d: {  	v5 =	vld [tilespmem:s25+$0x2930]  }
0x4e: {  	v4 =	vld [tilespmem:s25+$0x2940]  }
0x4f: {  	v3 =	vld [tilespmem:s25+$0x2950]  }
0x50: {  	v2 =	vld [tilespmem:s25+$0x2960]  }
0x51: {  	v1 =	vld [tilespmem:s25+$0x2970]  }
0x52: {  	v13 =	vld [tilespmem:s25+$0x100]  }
0x53: {  	v14 =	vld [tilespmem:s25+$0x110]  }
0x54: {  	v11 =	vld [tilespmem:s25+$0x120]  }
0x55: {  	v10 =	vld [tilespmem:s25+$0x130]  }
0x56: {  	v9 =	vld [tilespmem:s25+$0x140]  }
0x57: {  	v8 =	vld [tilespmem:s25+$0x150];
	v13 =	vadd.f32 v7, v13  }
0x58: {  	s26 =	simm.s32 $0x200;
	v12 =	vadd.f32 v12, v14;
	v7 =	vld [tilespmem:s25+$0x160]  }
.LBB2_5:
0x59: {  	s28 =	sshra.s32 s26, $0x2;
	p0 =	sne.s32 s26, $0x9E00;
	v13 =	vmax.f32 v13, $0.0e+00;
	v6 =	vadd.f32 v6, v11;
	v11 =	vld [tilespmem:s25+$0x170]  }
0x5a: {  	v14 =	vld [tilespmem:s28+$0x2900];
	[tilespmem:s25+$0x100] =	vst v13;
	v12 =	vmax.f32 v12, $0.0e+00;
	v5 =	vadd.f32 v5, v10  }
0x5b: {  	v15 =	vld [tilespmem:s28+$0x2910];
	[tilespmem:s25+$0x110] =	vst v12;
	v10 =	vmax.f32 v6, $0.0e+00;
	v4 =	vadd.f32 v4, v9  }
0x5c: {  	v6 =	vld [tilespmem:s28+$0x2920];
	[tilespmem:s25+$0x120] =	vst v10;
	v9 =	vmax.f32 v5, $0.0e+00;
	v3 =	vadd.f32 v3, v8  }
0x5d: {  	v5 =	vld [tilespmem:s28+$0x2930];
	[tilespmem:s25+$0x130] =	vst v9;
	v8 =	vmax.f32 v4, $0.0e+00;
	v2 =	vadd.f32 v2, v7  }
0x5e: {  	v4 =	vld [tilespmem:s28+$0x2940];
	[tilespmem:s25+$0x140] =	vst v8;
	v7 =	vmax.f32 v3, $0.0e+00;
	v1 =	vadd.f32 v1, v11  }
0x5f: {  	v3 =	vld [tilespmem:s28+$0x2950];
	[tilespmem:s25+$0x150] =	vst v7;
	v7 =	vmax.f32 v2, $0.0e+00  }
0x60: {  	v2 =	vld [tilespmem:s28+$0x2960];
	[tilespmem:s25+$0x160] =	vst v7;
	v7 =	vmax.f32 v1, $0.0e+00  }
0x61: {  	v1 =	vld [tilespmem:s28+$0x2970];
	[tilespmem:s25+$0x170] =	vst v7;
	s25 =	smov.u32 s28  }
0x62: {  	v7 =	vld [tilespmem:s25+$0x100]  }
0x63: {  	v12 =	vld [tilespmem:s25+$0x110]  }
.Ltmp1:
0x64: {  	v11 =	vld [tilespmem:s25+$0x120];
	(pc) =	sbr.rel @p0 .LBB2_5-.Ltmp1, $4  }
0x65: {  	v10 =	vld [tilespmem:s25+$0x130]  }
0x66: {  	v9 =	vld [tilespmem:s25+$0x140]  }
0x67: {  	v13 =	vadd.f32 v14, v7;
	v8 =	vld [tilespmem:s25+$0x150]  }
0x68: {  	s26 =	sadd.s32 $0x200, s26;
	v12 =	vadd.f32 v15, v12;
	v7 =	vld [tilespmem:s25+$0x160]  }
0x69: {  	v13 =	vmax.f32 v13, $0.0e+00;
	v6 =	vadd.f32 v6, v11;
	v63 =	vld [tilespmem:s25+$0x170]  }
0x6a: {  	[tilespmem:s25+$0x100] =	vst v13;
	v12 =	vmax.f32 v12, $0.0e+00;
	v5 =	vadd.f32 v5, v10  }
0x6b: {  	[tilespmem:s25+$0x110] =	vst v12;
	v6 =	vmax.f32 v6, $0.0e+00;
	v4 =	vadd.f32 v4, v9  }
0x6c: {  	[tilespmem:s25+$0x120] =	vst v6;
	v5 =	vmax.f32 v5, $0.0e+00;
	v3 =	vadd.f32 v3, v8  }
0x6d: {  	[tilespmem:s25+$0x130] =	vst v5;
	v4 =	vmax.f32 v4, $0.0e+00;
	v2 =	vadd.f32 v2, v7  }
0x6e: {  	[tilespmem:s25+$0x140] =	vst v4;
	v3 =	vmax.f32 v3, $0.0e+00;
	v1 =	vadd.f32 v1, v63  }
0x6f: {  	s24 =	sadd.s32 $0x1, s24;
	[tilespmem:s25+$0x150] =	vst v3;
	v2 =	vmax.f32 v2, $0.0e+00  }
0x70: {  	p0 =	sne.s32 s24, $0x7D;
	[tilespmem:s25+$0x160] =	vst v2;
	v1 =	vmax.f32 v1, $0.0e+00  }
.Ltmp2:
0x71: {  	[tilespmem:s25+$0x170] =	vst v1;
	(pc) =	sbr.rel @p0 .LBB2_4-.Ltmp2, $4  }
0x72: {  	[spmem:s1] =	stream.indirect.scatter.add.f32 [tilespmem:s21], [sflag:$0x2], $0x80, s18, s20, $0xb8;
	[tilespmem:$0x1D100] =	vst v63  }
0x73: {  	_ =	swait.ge [sflag:s17], $0x2800  }
0x74: {  	[sflag:s17] =	ssyncset.done $0x0  }
0x75: {  	[sflag:s17] =	ssyncadd.s32 $0xFFFFD800  }
0x76: {  	s3 =	sadd.s32 $0x1, s3  }
0x77: {  	s23 =	sshll.u32 s2, $0x6;
	[bflag:$0x0] =	sbarrier.arrive $0xFFFF;
	p0 =	sne.s32 s3, s15  }
.Ltmp3:
0x78: {  	s24 =	sshrl.u32 s8, $0x3;
	s23 =	sor.u32 $0x1C02, s23;
	(pc) =	sbr.rel @p0 .LBB2_1-.Ltmp3, $4  }
0x79: {  	[hbm:s14], [sflag:s23] =	dma.local [spmem:s24], $0x2800  }
0x7a: {  	_ =	swait.ge [sflag:s17], $0x2800  }
0x7b: {  	[sflag:s17] =	ssyncset.done $0x0  }
0x7c: {  	[sflag:s17] =	ssyncadd.s32 $0xFFFFD800  }
0x7d: {  	_ =	sfence.sel $0x180000  }
0x7e: {  	[bflag:$0x0] =	sbarrier.arrive $0xFFFF  }
0x7f: {  	p0 =	sne.s32 s2, $0x0;
	_ =	strace $0x9000004D  }
0x80: {  	s0 =	sadd.s32 @!p0 $0x100000, s0;
	[bflag:$0x2] =	sbarrier.arrive $0xFFFF  }
0x81: {  	[sflag:s0] =	ssyncadd.tile.s32 @!p0 $0x1;
	_ =	shalt  }
.Lfunc_end2:
_tile_overlayer_lowered:
.L_overlay_start_2:
0x82: {  	(tag) =	ssettag $0x2  }
0x83: {  	s0 =	rddreg [dreg:$0x0];
	s2 =	stileid.u32  }
0x84: {  	s1 =	rddreg [dreg:$0x1];
	p0 =	sne.s32 s2, $0x0  }
0x85: {  	s3 =	rddreg [dreg:$0x2];
	[bflag:$0x3] =	sbarrier.arrive $0xFFFF;
	s2 =	simm.s32 @!p0 $0x1C02  }
0x86: {  	[timem:s3], [sflag:s2] =	dma.local @!p0 [hbm:s0], s1  }
0x87: {  	s0 =	simm.s32 @!p0 $0x2  }
0x88: {  	_ =	swait.ge @!p0 [sflag:s0], s1  }
0x89: {  	s1 =	ssub.s32 @!p0 $0x0, s1;
	[sflag:s0] =	ssyncset.done @!p0 $0x0  }
0x8a: {  	[sflag:s0] =	ssyncadd.s32 @!p0 s1  }
0x8b: {  	[bflag:$0x3] =	sbarrier.arrive $0xFFFF  }
0x8c: {  	_ =	shalt  }

</sc_bundles>
